<compile_context>
chip_gen: v7x
topology: tpu7x:2x2x1
jax: 0.10.2.dev20260603
libtpu: 0.0.44.dev20260713+nightly
codegen_flags: <defaults>
</compile_context>

<pallas_src>
import functools

import jax
import jax.numpy as jnp
from jax import lax
from jax.experimental import pallas as pl
from jax.experimental.pallas import tpu as pltpu
from jax.experimental.pallas import tpu_sc as plsc

N = 10000
E = 320000
HID = 256
NC = 2
NS = 16
NW = NC * NS
NPAD = 10240
NPAD2 = 2 * NPAD
SLICE = NPAD // NS
EPT = E // NW
BLK = 2000
NBLK = EPT // BLK
UN = 5
OUTPAD = 128

_mesh = plsc.VectorSubcoreMesh(core_axis_name="c", subcore_axis_name="s")
_sc_params = pltpu.CompilerParams(needs_layout_passes=False)


def _merge(dst_ref, src_ref):
    def body(i, _):
        for u in range(UN):
            sl = pl.ds((i * UN + u) * 16, 16)
            dst_ref[sl] = dst_ref[sl] + src_ref[sl]
        return 0

    lax.fori_loop(0, NPAD // 16 // UN, body, 0)


@functools.partial(
    pl.kernel,
    out_type=jax.ShapeDtypeStruct((NW * NPAD,), jnp.float32),
    mesh=_mesh,
    compiler_params=_sc_params,
    scratch_types=[
        pltpu.VMEM((BLK,), jnp.int32),
        pltpu.VMEM((BLK,), jnp.int32),
        pltpu.VMEM((NPAD,), jnp.float32),
        pltpu.VMEM((NPAD,), jnp.float32),
        pltpu.SemaphoreType.DMA,
        pltpu.SemaphoreType.DMA,
    ],
)
def _deg_kernel(edge_hbm, zeros_hbm, deg_out,
                idx0, idx1, acc0, acc1, sem0, sem1):
    cid = lax.axis_index("c")
    sid = lax.axis_index("s")
    wid = cid * NS + sid
    base = wid * EPT
    bufs = (idx0, idx1)
    sems = (sem0, sem1)
    ones16 = jnp.ones((16,), jnp.float32)

    d0 = pltpu.async_copy(edge_hbm.at[pl.ds(E + base, BLK)], idx0, sem0)
    pltpu.sync_copy(zeros_hbm, acc0)
    pltpu.sync_copy(zeros_hbm, acc1)
    descs = [d0]
    accs = (acc0, acc1)

    for j in range(NBLK):
        if j + 1 < NBLK:
            descs.append(pltpu.async_copy(
                edge_hbm.at[pl.ds(E + base + (j + 1) * BLK, BLK)],
                bufs[(j + 1) % 2], sems[(j + 1) % 2]))
        descs[j].wait()
        buf = bufs[j % 2]

        def inner(i, _):
            for u in range(UN):
                d = buf[pl.ds((i * UN + u) * 16, 16)]
                plsc.addupdate_scatter(accs[u % 2], [d], ones16)
            return 0

        lax.fori_loop(0, BLK // 16 // UN, inner, 0)

    _merge(acc0, acc1)
    pltpu.sync_copy(acc0, deg_out.at[pl.ds(wid * NPAD, NPAD)])


def _scale_body(deg_parts, xflat, dinv_o, xr_o):
    deg = jnp.sum(deg_parts[...].reshape(NW, NPAD // 128, 128), axis=0) + 1.0
    dinv_o[...] = 1.0 / jnp.sqrt(deg)
    xr_o[...] = xflat[...].astype(jnp.bfloat16).astype(jnp.float32)


_scale_kernel = pl.pallas_call(
    _scale_body,
    out_shape=[
        jax.ShapeDtypeStruct((NPAD // 128, 128), jnp.float32),
        jax.ShapeDtypeStruct((NPAD2 // 128, 128), jnp.float32),
    ],
)


@functools.partial(
    pl.kernel,
    out_type=(
        jax.ShapeDtypeStruct((NW * NPAD,), jnp.float32),
        jax.ShapeDtypeStruct((NW * NPAD,), jnp.float32),
    ),
    mesh=_mesh,
    compiler_params=_sc_params,
    scratch_types=[
        pltpu.VMEM((NPAD2,), jnp.float32),
        pltpu.VMEM((NPAD,), jnp.float32),
        pltpu.VMEM((NPAD,), jnp.float32),
        pltpu.VMEM((NPAD,), jnp.float32),
        pltpu.VMEM((NPAD,), jnp.float32),
        pltpu.VMEM((NPAD,), jnp.float32),
        pltpu.VMEM((BLK,), jnp.int32),
        pltpu.VMEM((BLK,), jnp.int32),
        pltpu.VMEM((BLK,), jnp.int32),
        pltpu.VMEM((BLK,), jnp.int32),
        pltpu.SemaphoreType.DMA,
        pltpu.SemaphoreType.DMA,
    ],
)
def _agg_kernel(edge_hbm, xr_hbm, dinv_hbm, zeros_hbm, a_out, b_out,
                xr_v, dinv_v, acc_a0, acc_b0, acc_a1, acc_b1,
                src0, dst0, src1, dst1, sem0, sem1):
    cid = lax.axis_index("c")
    sid = lax.axis_index("s")
    wid = cid * NS + sid
    base = wid * EPT
    sbufs = (src0, src1)
    dbufs = (dst0, dst1)
    sems = (sem0, sem1)
    accs = ((acc_a0, acc_b0), (acc_a1, acc_b1))

    descs = [(pltpu.async_copy(edge_hbm.at[pl.ds(base, BLK)], src0, sem0),
              pltpu.async_copy(edge_hbm.at[pl.ds(E + base, BLK)], dst0, sem0))]
    pltpu.sync_copy(xr_hbm, xr_v)
    pltpu.sync_copy(dinv_hbm, dinv_v)
    pltpu.sync_copy(zeros_hbm, acc_a0)
    pltpu.sync_copy(zeros_hbm, acc_b0)
    pltpu.sync_copy(zeros_hbm, acc_a1)
    pltpu.sync_copy(zeros_hbm, acc_b1)

    iota16 = jax.lax.iota(jnp.int32, 16)

    @pl.when(cid == 0)
    def _selfloop():
        nbase = sid * SLICE

        def sbody(i, _):
            off = nbase + i * 16
            idx2 = (off + iota16) * 2
            va = plsc.load_gather(xr_v, [idx2])
            vb = plsc.load_gather(xr_v, [idx2 + 1])
            dv = dinv_v[pl.ds(off, 16)]
            acc_a0[pl.ds(off, 16)] = va * dv
            acc_b0[pl.ds(off, 16)] = vb * dv
            return 0

        lax.fori_loop(0, SLICE // 16, sbody, 0)

    for j in range(NBLK):
        if j + 1 < NBLK:
            nb = (j + 1) % 2
            descs.append((
                pltpu.async_copy(
                    edge_hbm.at[pl.ds(base + (j + 1) * BLK, BLK)],
                    sbufs[nb], sems[nb]),
                pltpu.async_copy(
                    edge_hbm.at[pl.ds(E + base + (j + 1) * BLK, BLK)],
                    dbufs[nb], sems[nb])))
        descs[j][0].wait()
        descs[j][1].wait()
        sbuf = sbufs[j % 2]
        dbuf = dbufs[j % 2]

        def inner(i, _):
            for u in range(UN):
                sl = pl.ds((i * UN + u) * 16, 16)
                s = sbuf[sl]
                d = dbuf[sl]
                s2 = s + s
                va = plsc.load_gather(xr_v, [s2])
                vb = plsc.load_gather(xr_v, [s2 + 1])
                dv = plsc.load_gather(dinv_v, [s])
                aa, bb = accs[u % 2]
                plsc.addupdate_scatter(aa, [d], va * dv)
                plsc.addupdate_scatter(bb, [d], vb * dv)
            return 0

        lax.fori_loop(0, BLK // 16 // UN, inner, 0)

    _merge(acc_a0, acc_a1)
    _merge(acc_b0, acc_b1)
    pltpu.sync_copy(acc_a0, a_out.at[pl.ds(wid * NPAD, NPAD)])
    pltpu.sync_copy(acc_b0, b_out.at[pl.ds(wid * NPAD, NPAD)])


def _final_body(acca, accb, dinv, gw, gb, lnw, lnb, hw, hb, ow, ob, out_ref):
    CH = 1024
    R = NPAD // 128

    A = acca[pl.ds(0, R), :]
    B = accb[pl.ds(0, R), :]
    for w in range(1, NW):
        A = A + acca[pl.ds(w * R, R), :]
        B = B + accb[pl.ds(w * R, R), :]
    DV = dinv[...]

    def _bf16r(v):
        return v.astype(jnp.bfloat16).astype(jnp.float32)

    gwr = _bf16r(gw[...])
    pooled = jnp.zeros((1, HID), jnp.float32)
    for i in range(NPAD // CH):
        aa = A[i * 8:(i + 1) * 8, :].reshape(CH)
        bb = B[i * 8:(i + 1) * 8, :].reshape(CH)
        dv = DV[i * 8:(i + 1) * 8, :].reshape(CH)
        g = ((aa * dv)[:, None] * gwr[0][None, :]
             + (bb * dv)[:, None] * gwr[1][None, :] + gb[...])
        g = jnp.maximum(g, 0.0)
        mean = jnp.mean(g, axis=1, keepdims=True)
        cen = g - mean
        var = jnp.mean(cen * cen, axis=1, keepdims=True)
        xln = cen / jnp.sqrt(var + 1e-5) * lnw[...] + lnb[...]
        rows = i * CH + lax.broadcasted_iota(jnp.int32, (CH, 1), 0)
        xln = jnp.where(rows < N, xln, 0.0)
        pooled = pooled + jnp.sum(xln, axis=0, keepdims=True)

    h = jnp.maximum(
        jnp.dot(_bf16r(pooled), _bf16r(hw[...]),
                preferred_element_type=jnp.float32) + hb[...],
        0.0)
    logits = jnp.dot(_bf16r(h), _bf16r(ow[...]),
                     preferred_element_type=jnp.float32) + ob[...]
    col = lax.broadcasted_iota(jnp.int32, (1, OUTPAD), 1)
    logits = jnp.where(col < 10, logits, -jnp.inf)
    m = jnp.max(logits, axis=1, keepdims=True)
    lse = jnp.log(jnp.sum(jnp.exp(logits - m), axis=1, keepdims=True)) + m
    out_ref[...] = logits - lse


_final_kernel = pl.pallas_call(
    _final_body,
    out_shape=jax.ShapeDtypeStruct((1, OUTPAD), jnp.float32),
)


@jax.jit
def kernel(node_features, edge_index, gcn_w, gcn_b, ln_w, ln_b,
           hid_w, hid_b, out_w, out_b):
    zeros = jnp.zeros((NPAD,), jnp.float32)
    edge_flat = edge_index.reshape(2 * E)
    xflat = jnp.pad(node_features.reshape(2 * N), (0, NPAD2 - 2 * N))

    deg_part = _deg_kernel(edge_flat, zeros)
    dinv, xr = _scale_kernel(
        deg_part.reshape(NW * NPAD // 128, 128),
        xflat.reshape(NPAD2 // 128, 128),
    )
    acc_a, acc_b = _agg_kernel(edge_flat, xr.reshape(NPAD2),
                               dinv.reshape(NPAD), zeros)

    ob_pad = jnp.pad(out_b, (0, OUTPAD - 10)).reshape(1, OUTPAD)
    ow_pad = jnp.pad(out_w, ((0, 0), (0, OUTPAD - 10)))
    logits = _final_kernel(
        acc_a.reshape(NW * NPAD // 128, 128),
        acc_b.reshape(NW * NPAD // 128, 128),
        dinv,
        gcn_w, gcn_b.reshape(1, HID), ln_w.reshape(1, HID),
        ln_b.reshape(1, HID), hid_w, hid_b.reshape(1, HID),
        ow_pad, ob_pad,
    )
    return logits[:, :10]

# --- scband reference (transcript-rebuilt; emitter-appended) ---
"""Pipeline reference for scband-graph-reinforce-agent-29368986370400 (READ-ONLY COPY).

The authoritative reference and input builder live on the scoring server;
editing this copy changes nothing except your own understanding.
"""

import jax, jax.numpy as jnp
import numpy as np

N = 10000
E = 320000
IN_DIM = 2
HID = 256
OUT = 10


def setup_inputs(seed: int = 0) -> dict:
    key = jax.random.key(seed)
    ks = jax.random.split(key, 12)
    node_features = jax.random.normal(ks[0], (N, IN_DIM), dtype=jnp.float32)
    edge_index = jax.random.randint(ks[1], (2, E), 0, N, dtype=jnp.int32)
    # GCNConv weight/bias
    gcn_w = jax.random.normal(ks[2], (IN_DIM, HID), dtype=jnp.float32) * (1.0 / np.sqrt(IN_DIM))
    gcn_b = jnp.zeros((HID,), dtype=jnp.float32)
    # LayerNorm params
    ln_w = jnp.ones((HID,), dtype=jnp.float32)
    ln_b = jnp.zeros((HID,), dtype=jnp.float32)
    # hidden linear
    hid_w = jax.random.normal(ks[3], (HID, HID), dtype=jnp.float32) * (1.0 / np.sqrt(HID))
    hid_b = jnp.zeros((HID,), dtype=jnp.float32)
    # output linear
    out_w = jax.random.normal(ks[4], (HID, OUT), dtype=jnp.float32) * (1.0 / np.sqrt(HID))
    out_b = jnp.zeros((OUT,), dtype=jnp.float32)
    return {
        "node_features": node_features,
        "edge_index": edge_index,
        "gcn_w": gcn_w,
        "gcn_b": gcn_b,
        "ln_w": ln_w,
        "ln_b": ln_b,
        "hid_w": hid_w,
        "hid_b": hid_b,
        "out_w": out_w,
        "out_b": out_b,
    }


def _gcn_conv(x, edge_index, w, b):
    n = x.shape[0]
    loop = jnp.arange(n, dtype=edge_index.dtype)
    row = jnp.concatenate([edge_index[0], loop])  # src
    col = jnp.concatenate([edge_index[1], loop])  # dst
    xw = x @ w  # [N, HID]
    deg = jnp.zeros((n,), dtype=xw.dtype).at[col].add(1.0)
    deg_inv_sqrt = jnp.where(deg > 0, 1.0 / jnp.sqrt(deg), 0.0)
    norm = deg_inv_sqrt[row] * deg_inv_sqrt[col]
    msg = xw[row] * norm[:, None]  # gather (memory-bound)
    out = jnp.zeros_like(xw).at[col].add(msg)  # scatter-add (memory-bound)
    return out + b


def reference(node_features, edge_index, gcn_w, gcn_b, ln_w, ln_b, hid_w, hid_b, out_w, out_b):
    x = jax.nn.relu(_gcn_conv(node_features, edge_index, gcn_w, gcn_b))
    # LayerNorm over feature dim
    mean = jnp.mean(x, axis=-1, keepdims=True)
    var = jnp.var(x, axis=-1, keepdims=True)
    x = (x - mean) / jnp.sqrt(var + 1e-5) * ln_w + ln_b
    # global_add_pool with all-zero batch vector -> single graph sum
    pooled = jnp.sum(x, axis=0, keepdims=True)  # [1, HID]
    h = jax.nn.relu(pooled @ hid_w + hid_b)
    logits = h @ out_w + out_b
    return jax.nn.log_softmax(logits, axis=1)

if __name__ == "__main__":
    import jax
    _d = setup_inputs()
    print(jax.jit(kernel)(*tuple(_d.values())))

</pallas_src>

<mosaic_0001>
#map = affine_map<(d0, d1) -> (0)>
module attributes {stable_mosaic.version = 14 : i64} {
  func.func @_deg_kernel(%arg0: i32, %arg1: i32, %arg2: memref<640000xi32, #tpu.memory_space<hbm>>, %arg3: memref<10240xf32, #tpu.memory_space<hbm>>, %arg4: memref<327680xf32, #tpu.memory_space<hbm>>, %arg5: memref<2000xi32, #tpu.memory_space<vmem>>, %arg6: memref<2000xi32, #tpu.memory_space<vmem>>, %arg7: memref<10240xf32, #tpu.memory_space<vmem>>, %arg8: memref<10240xf32, #tpu.memory_space<vmem>>, %arg9: memref<!tpu.dma_semaphore, #tpu.memory_space<semaphore_mem>>, %arg10: memref<!tpu.dma_semaphore, #tpu.memory_space<semaphore_mem>>) attributes {dimension_semantics = [#tpu.dimension_semantics<core_parallel>, #tpu.dimension_semantics<subcore_parallel>], iteration_bounds = array<i64: 2, 16>, scalar_prefetch = 0 : i64, scratch_operands = 6 : i64, tpu.core_type = #tpu.core_type<sc_vector_subcore>, window_params = [{transform_indices = #map}, {transform_indices = #map}, {transform_indices = #map}]} {
    %mul3A = arith.constant 16 : i32
    %mul3A_0 = arith.muli %arg0, %mul3A : i32
    %add3A = arith.addi %mul3A_0, %arg1 : i32
    %mul3A_1 = arith.constant 10000 : i32
    %mul3A_2 = arith.muli %add3A, %mul3A_1 : i32
    %broadcast_in_dim3A = arith.constant 1.000000e+00 : f32
    %broadcast_in_dim3A_3 = vector.broadcast %broadcast_in_dim3A : f32 to vector<16xf32>
    %add3A_4 = arith.constant 320000 : i32
    %add3A_5 = arith.addi %add3A_4, %mul3A_2 : i32
    %dma_start3A = tpu.memref_slice %arg2[%add3A_5] : memref<640000xi32, #tpu.memory_space<hbm>> -> memref<2000xi32, #tpu.memory_space<hbm>>
    %dma_start3A_6 = tpu.memref_slice %arg2[%add3A_5] : memref<640000xi32, #tpu.memory_space<hbm>> -> memref<2000xi32, #tpu.memory_space<hbm>>
    tpu.enqueue_dma source(%dma_start3A_6 : memref<2000xi32, #tpu.memory_space<hbm>>) target(%arg5 : memref<2000xi32, #tpu.memory_space<vmem>>) target_semaphore(%arg9 : memref<!tpu.dma_semaphore, #tpu.memory_space<semaphore_mem>>)
    "tpu.region"() ({
      %run_scoped3A = tpu.sem_alloc : memref<!tpu.dma_semaphore, #tpu.memory_space<semaphore_mem>>
      tpu.enqueue_dma source(%arg3 : memref<10240xf32, #tpu.memory_space<hbm>>) target(%arg7 : memref<10240xf32, #tpu.memory_space<vmem>>) target_semaphore(%run_scoped3A : memref<!tpu.dma_semaphore, #tpu.memory_space<semaphore_mem>>)
      tpu.wait_dma2 semaphore(%run_scoped3A : memref<!tpu.dma_semaphore, #tpu.memory_space<semaphore_mem>>) src(%arg3 : memref<10240xf32, #tpu.memory_space<hbm>>) dst(%arg7 : memref<10240xf32, #tpu.memory_space<vmem>>)
      tpu.yield
    }) : () -> ()
    "tpu.region"() ({
      %run_scoped3A = tpu.sem_alloc : memref<!tpu.dma_semaphore, #tpu.memory_space<semaphore_mem>>
      tpu.enqueue_dma source(%arg3 : memref<10240xf32, #tpu.memory_space<hbm>>) target(%arg8 : memref<10240xf32, #tpu.memory_space<vmem>>) target_semaphore(%run_scoped3A : memref<!tpu.dma_semaphore, #tpu.memory_space<semaphore_mem>>)
      tpu.wait_dma2 semaphore(%run_scoped3A : memref<!tpu.dma_semaphore, #tpu.memory_space<semaphore_mem>>) src(%arg3 : memref<10240xf32, #tpu.memory_space<hbm>>) dst(%arg8 : memref<10240xf32, #tpu.memory_space<vmem>>)
      tpu.yield
    }) : () -> ()
    %add3A_7 = arith.constant 320000 : i32
    %add3A_8 = arith.addi %add3A_7, %mul3A_2 : i32
    %add3A_9 = arith.constant 2000 : i32
    %add3A_10 = arith.addi %add3A_8, %add3A_9 : i32
    %dma_start3A_11 = tpu.memref_slice %arg2[%add3A_10] : memref<640000xi32, #tpu.memory_space<hbm>> -> memref<2000xi32, #tpu.memory_space<hbm>>
    %dma_start3A_12 = tpu.memref_slice %arg2[%add3A_10] : memref<640000xi32, #tpu.memory_space<hbm>> -> memref<2000xi32, #tpu.memory_space<hbm>>
    tpu.enqueue_dma source(%dma_start3A_12 : memref<2000xi32, #tpu.memory_space<hbm>>) target(%arg6 : memref<2000xi32, #tpu.memory_space<vmem>>) target_semaphore(%arg10 : memref<!tpu.dma_semaphore, #tpu.memory_space<semaphore_mem>>)
    %dma_wait3A = tpu.memref_slice %arg2[%add3A_5] : memref<640000xi32, #tpu.memory_space<hbm>> -> memref<2000xi32, #tpu.memory_space<hbm>>
    %dma_wait3A_13 = tpu.memref_slice %arg2[%add3A_5] : memref<640000xi32, #tpu.memory_space<hbm>> -> memref<2000xi32, #tpu.memory_space<hbm>>
    tpu.wait_dma2 semaphore(%arg9 : memref<!tpu.dma_semaphore, #tpu.memory_space<semaphore_mem>>) src(%dma_wait3A_13 : memref<2000xi32, #tpu.memory_space<hbm>>) dst(%arg5 : memref<2000xi32, #tpu.memory_space<vmem>>)
    %scan3A = arith.constant 0 : i32
    %scan3A_14 = arith.constant 0 : i32
    %scan3A_15 = arith.constant 25 : i32
    %scan3A_16 = arith.addi %scan3A_14, %scan3A_15 : i32
    %scan3A_17 = arith.constant 1 : i32
    %scan3A_18 = scf.for %scan3A_83 = %scan3A_14 to %scan3A_16 step %scan3A_17 iter_args(%scan3A_84 = %scan3A) -> (i32)  : i32 {
      %mul3A_85 = arith.constant 5 : i32
      %mul3A_86 = arith.muli %scan3A_83, %mul3A_85 : i32
      %add3A_87 = arith.constant 0 : i32
      %add3A_88 = arith.addi %mul3A_86, %add3A_87 : i32
      %mul3A_89 = arith.constant 16 : i32
      %mul3A_90 = arith.muli %add3A_88, %mul3A_89 : i32
      %get3A = arith.index_cast %mul3A_90 : i32 to index
      %get3A_91 = tpu.vector_load %arg5[%get3A] {strides = array<i32>} : memref<2000xi32, #tpu.memory_space<vmem>>, vector<16xi32>,
      tpu.vector_store_idx %arg7[%get3A_91], %broadcast_in_dim3A_3 {add = true} : memref<10240xf32, #tpu.memory_space<vmem>>[vector<16xi32>], vector<16xf32>,
      %mul3A_92 = arith.constant 5 : i32
      %mul3A_93 = arith.muli %scan3A_83, %mul3A_92 : i32
      %add3A_94 = arith.constant 1 : i32
      %add3A_95 = arith.addi %mul3A_93, %add3A_94 : i32
      %mul3A_96 = arith.constant 16 : i32
      %mul3A_97 = arith.muli %add3A_95, %mul3A_96 : i32
      %get3A_98 = arith.index_cast %mul3A_97 : i32 to index
      %get3A_99 = tpu.vector_load %arg5[%get3A_98] {strides = array<i32>} : memref<2000xi32, #tpu.memory_space<vmem>>, vector<16xi32>,
      tpu.vector_store_idx %arg8[%get3A_99], %broadcast_in_dim3A_3 {add = true} : memref<10240xf32, #tpu.memory_space<vmem>>[vector<16xi32>], vector<16xf32>,
      %mul3A_100 = arith.constant 5 : i32
      %mul3A_101 = arith.muli %scan3A_83, %mul3A_100 : i32
      %add3A_102 = arith.constant 2 : i32
      %add3A_103 = arith.addi %mul3A_101, %add3A_102 : i32
      %mul3A_104 = arith.constant 16 : i32
      %mul3A_105 = arith.muli %add3A_103, %mul3A_104 : i32
      %get3A_106 = arith.index_cast %mul3A_105 : i32 to index
      %get3A_107 = tpu.vector_load %arg5[%get3A_106] {strides = array<i32>} : memref<2000xi32, #tpu.memory_space<vmem>>, vector<16xi32>,
      tpu.vector_store_idx %arg7[%get3A_107], %broadcast_in_dim3A_3 {add = true} : memref<10240xf32, #tpu.memory_space<vmem>>[vector<16xi32>], vector<16xf32>,
      %mul3A_108 = arith.constant 5 : i32
      %mul3A_109 = arith.muli %scan3A_83, %mul3A_108 : i32
      %add3A_110 = arith.constant 3 : i32
      %add3A_111 = arith.addi %mul3A_109, %add3A_110 : i32
      %mul3A_112 = arith.constant 16 : i32
      %mul3A_113 = arith.muli %add3A_111, %mul3A_112 : i32
      %get3A_114 = arith.index_cast %mul3A_113 : i32 to index
      %get3A_115 = tpu.vector_load %arg5[%get3A_114] {strides = array<i32>} : memref<2000xi32, #tpu.memory_space<vmem>>, vector<16xi32>,
      tpu.vector_store_idx %arg8[%get3A_115], %broadcast_in_dim3A_3 {add = true} : memref<10240xf32, #tpu.memory_space<vmem>>[vector<16xi32>], vector<16xf32>,
      %mul3A_116 = arith.constant 5 : i32
      %mul3A_117 = arith.muli %scan3A_83, %mul3A_116 : i32
      %add3A_118 = arith.constant 4 : i32
      %add3A_119 = arith.addi %mul3A_117, %add3A_118 : i32
      %mul3A_120 = arith.constant 16 : i32
      %mul3A_121 = arith.muli %add3A_119, %mul3A_120 : i32
      %get3A_122 = arith.index_cast %mul3A_121 : i32 to index
      %get3A_123 = tpu.vector_load %arg5[%get3A_122] {strides = array<i32>} : memref<2000xi32, #tpu.memory_space<vmem>>, vector<16xi32>,
      tpu.vector_store_idx %arg7[%get3A_123], %broadcast_in_dim3A_3 {add = true} : memref<10240xf32, #tpu.memory_space<vmem>>[vector<16xi32>], vector<16xf32>,
      %scan3A_124 = arith.constant 0 : i32
      scf.yield %scan3A_124 : i32
    }
    %scan3A_19 = arith.constant 25 : i32
    %add3A_20 = arith.constant 320000 : i32
    %add3A_21 = arith.addi %add3A_20, %mul3A_2 : i32
    %add3A_22 = arith.constant 4000 : i32
    %add3A_23 = arith.addi %add3A_21, %add3A_22 : i32
    %dma_start3A_24 = tpu.memref_slice %arg2[%add3A_23] : memref<640000xi32, #tpu.memory_space<hbm>> -> memref<2000xi32, #tpu.memory_space<hbm>>
    %dma_start3A_25 = tpu.memref_slice %arg2[%add3A_23] : memref<640000xi32, #tpu.memory_space<hbm>> -> memref<2000xi32, #tpu.memory_space<hbm>>
    tpu.enqueue_dma source(%dma_start3A_25 : memref<2000xi32, #tpu.memory_space<hbm>>) target(%arg5 : memref<2000xi32, #tpu.memory_space<vmem>>) target_semaphore(%arg9 : memref<!tpu.dma_semaphore, #tpu.memory_space<semaphore_mem>>)
    %dma_wait3A_26 = tpu.memref_slice %arg2[%add3A_10] : memref<640000xi32, #tpu.memory_space<hbm>> -> memref<2000xi32, #tpu.memory_space<hbm>>
    %dma_wait3A_27 = tpu.memref_slice %arg2[%add3A_10] : memref<640000xi32, #tpu.memory_space<hbm>> -> memref<2000xi32, #tpu.memory_space<hbm>>
    tpu.wait_dma2 semaphore(%arg10 : memref<!tpu.dma_semaphore, #tpu.memory_space<semaphore_mem>>) src(%dma_wait3A_27 : memref<2000xi32, #tpu.memory_space<hbm>>) dst(%arg6 : memref<2000xi32, #tpu.memory_space<vmem>>)
    %scan3A_28 = arith.constant 0 : i32
    %scan3A_29 = arith.constant 0 : i32
    %scan3A_30 = arith.constant 25 : i32
    %scan3A_31 = arith.addi %scan3A_29, %scan3A_30 : i32
    %scan3A_32 = arith.constant 1 : i32
    %scan3A_33 = scf.for %scan3A_83 = %scan3A_29 to %scan3A_31 step %scan3A_32 iter_args(%scan3A_84 = %scan3A_28) -> (i32)  : i32 {
      %mul3A_85 = arith.constant 5 : i32
      %mul3A_86 = arith.muli %scan3A_83, %mul3A_85 : i32
      %add3A_87 = arith.constant 0 : i32
      %add3A_88 = arith.addi %mul3A_86, %add3A_87 : i32
      %mul3A_89 = arith.constant 16 : i32
      %mul3A_90 = arith.muli %add3A_88, %mul3A_89 : i32
      %get3A = arith.index_cast %mul3A_90 : i32 to index
      %get3A_91 = tpu.vector_load %arg6[%get3A] {strides = array<i32>} : memref<2000xi32, #tpu.memory_space<vmem>>, vector<16xi32>,
      tpu.vector_store_idx %arg7[%get3A_91], %broadcast_in_dim3A_3 {add = true} : memref<10240xf32, #tpu.memory_space<vmem>>[vector<16xi32>], vector<16xf32>,
      %mul3A_92 = arith.constant 5 : i32
      %mul3A_93 = arith.muli %scan3A_83, %mul3A_92 : i32
      %add3A_94 = arith.constant 1 : i32
      %add3A_95 = arith.addi %mul3A_93, %add3A_94 : i32
      %mul3A_96 = arith.constant 16 : i32
      %mul3A_97 = arith.muli %add3A_95, %mul3A_96 : i32
      %get3A_98 = arith.index_cast %mul3A_97 : i32 to index
      %get3A_99 = tpu.vector_load %arg6[%get3A_98] {strides = array<i32>} : memref<2000xi32, #tpu.memory_space<vmem>>, vector<16xi32>,
      tpu.vector_store_idx %arg8[%get3A_99], %broadcast_in_dim3A_3 {add = true} : memref<10240xf32, #tpu.memory_space<vmem>>[vector<16xi32>], vector<16xf32>,
      %mul3A_100 = arith.constant 5 : i32
      %mul3A_101 = arith.muli %scan3A_83, %mul3A_100 : i32
      %add3A_102 = arith.constant 2 : i32
      %add3A_103 = arith.addi %mul3A_101, %add3A_102 : i32
      %mul3A_104 = arith.constant 16 : i32
      %mul3A_105 = arith.muli %add3A_103, %mul3A_104 : i32
      %get3A_106 = arith.index_cast %mul3A_105 : i32 to index
      %get3A_107 = tpu.vector_load %arg6[%get3A_106] {strides = array<i32>} : memref<2000xi32, #tpu.memory_space<vmem>>, vector<16xi32>,
      tpu.vector_store_idx %arg7[%get3A_107], %broadcast_in_dim3A_3 {add = true} : memref<10240xf32, #tpu.memory_space<vmem>>[vector<16xi32>], vector<16xf32>,
      %mul3A_108 = arith.constant 5 : i32
      %mul3A_109 = arith.muli %scan3A_83, %mul3A_108 : i32
      %add3A_110 = arith.constant 3 : i32
      %add3A_111 = arith.addi %mul3A_109, %add3A_110 : i32
      %mul3A_112 = arith.constant 16 : i32
      %mul3A_113 = arith.muli %add3A_111, %mul3A_112 : i32
      %get3A_114 = arith.index_cast %mul3A_113 : i32 to index
      %get3A_115 = tpu.vector_load %arg6[%get3A_114] {strides = array<i32>} : memref<2000xi32, #tpu.memory_space<vmem>>, vector<16xi32>,
      tpu.vector_store_idx %arg8[%get3A_115], %broadcast_in_dim3A_3 {add = true} : memref<10240xf32, #tpu.memory_space<vmem>>[vector<16xi32>], vector<16xf32>,
      %mul3A_116 = arith.constant 5 : i32
      %mul3A_117 = arith.muli %scan3A_83, %mul3A_116 : i32
      %add3A_118 = arith.constant 4 : i32
      %add3A_119 = arith.addi %mul3A_117, %add3A_118 : i32
      %mul3A_120 = arith.constant 16 : i32
      %mul3A_121 = arith.muli %add3A_119, %mul3A_120 : i32
      %get3A_122 = arith.index_cast %mul3A_121 : i32 to index
      %get3A_123 = tpu.vector_load %arg6[%get3A_122] {strides = array<i32>} : memref<2000xi32, #tpu.memory_space<vmem>>, vector<16xi32>,
      tpu.vector_store_idx %arg7[%get3A_123], %broadcast_in_dim3A_3 {add = true} : memref<10240xf32, #tpu.memory_space<vmem>>[vector<16xi32>], vector<16xf32>,
      %scan3A_124 = arith.constant 0 : i32
      scf.yield %scan3A_124 : i32
    }
    %scan3A_34 = arith.constant 25 : i32
    %add3A_35 = arith.constant 320000 : i32
    %add3A_36 = arith.addi %add3A_35, %mul3A_2 : i32
    %add3A_37 = arith.constant 6000 : i32
    %add3A_38 = arith.addi %add3A_36, %add3A_37 : i32
    %dma_start3A_39 = tpu.memref_slice %arg2[%add3A_38] : memref<640000xi32, #tpu.memory_space<hbm>> -> memref<2000xi32, #tpu.memory_space<hbm>>
    %dma_start3A_40 = tpu.memref_slice %arg2[%add3A_38] : memref<640000xi32, #tpu.memory_space<hbm>> -> memref<2000xi32, #tpu.memory_space<hbm>>
    tpu.enqueue_dma source(%dma_start3A_40 : memref<2000xi32, #tpu.memory_space<hbm>>) target(%arg6 : memref<2000xi32, #tpu.memory_space<vmem>>) target_semaphore(%arg10 : memref<!tpu.dma_semaphore, #tpu.memory_space<semaphore_mem>>)
    %dma_wait3A_41 = tpu.memref_slice %arg2[%add3A_23] : memref<640000xi32, #tpu.memory_space<hbm>> -> memref<2000xi32, #tpu.memory_space<hbm>>
    %dma_wait3A_42 = tpu.memref_slice %arg2[%add3A_23] : memref<640000xi32, #tpu.memory_space<hbm>> -> memref<2000xi32, #tpu.memory_space<hbm>>
    tpu.wait_dma2 semaphore(%arg9 : memref<!tpu.dma_semaphore, #tpu.memory_space<semaphore_mem>>) src(%dma_wait3A_42 : memref<2000xi32, #tpu.memory_space<hbm>>) dst(%arg5 : memref<2000xi32, #tpu.memory_space<vmem>>)
    %scan3A_43 = arith.constant 0 : i32
    %scan3A_44 = arith.constant 0 : i32
    %scan3A_45 = arith.constant 25 : i32
    %scan3A_46 = arith.addi %scan3A_44, %scan3A_45 : i32
    %scan3A_47 = arith.constant 1 : i32
    %scan3A_48 = scf.for %scan3A_83 = %scan3A_44 to %scan3A_46 step %scan3A_47 iter_args(%scan3A_84 = %scan3A_43) -> (i32)  : i32 {
      %mul3A_85 = arith.constant 5 : i32
      %mul3A_86 = arith.muli %scan3A_83, %mul3A_85 : i32
      %add3A_87 = arith.constant 0 : i32
      %add3A_88 = arith.addi %mul3A_86, %add3A_87 : i32
      %mul3A_89 = arith.constant 16 : i32
      %mul3A_90 = arith.muli %add3A_88, %mul3A_89 : i32
      %get3A = arith.index_cast %mul3A_90 : i32 to index
      %get3A_91 = tpu.vector_load %arg5[%get3A] {strides = array<i32>} : memref<2000xi32, #tpu.memory_space<vmem>>, vector<16xi32>,
      tpu.vector_store_idx %arg7[%get3A_91], %broadcast_in_dim3A_3 {add = true} : memref<10240xf32, #tpu.memory_space<vmem>>[vector<16xi32>], vector<16xf32>,
      %mul3A_92 = arith.constant 5 : i32
      %mul3A_93 = arith.muli %scan3A_83, %mul3A_92 : i32
      %add3A_94 = arith.constant 1 : i32
      %add3A_95 = arith.addi %mul3A_93, %add3A_94 : i32
      %mul3A_96 = arith.constant 16 : i32
      %mul3A_97 = arith.muli %add3A_95, %mul3A_96 : i32
      %get3A_98 = arith.index_cast %mul3A_97 : i32 to index
      %get3A_99 = tpu.vector_load %arg5[%get3A_98] {strides = array<i32>} : memref<2000xi32, #tpu.memory_space<vmem>>, vector<16xi32>,
      tpu.vector_store_idx %arg8[%get3A_99], %broadcast_in_dim3A_3 {add = true} : memref<10240xf32, #tpu.memory_space<vmem>>[vector<16xi32>], vector<16xf32>,
      %mul3A_100 = arith.constant 5 : i32
      %mul3A_101 = arith.muli %scan3A_83, %mul3A_100 : i32
      %add3A_102 = arith.constant 2 : i32
      %add3A_103 = arith.addi %mul3A_101, %add3A_102 : i32
      %mul3A_104 = arith.constant 16 : i32
      %mul3A_105 = arith.muli %add3A_103, %mul3A_104 : i32
      %get3A_106 = arith.index_cast %mul3A_105 : i32 to index
      %get3A_107 = tpu.vector_load %arg5[%get3A_106] {strides = array<i32>} : memref<2000xi32, #tpu.memory_space<vmem>>, vector<16xi32>,
      tpu.vector_store_idx %arg7[%get3A_107], %broadcast_in_dim3A_3 {add = true} : memref<10240xf32, #tpu.memory_space<vmem>>[vector<16xi32>], vector<16xf32>,
      %mul3A_108 = arith.constant 5 : i32
      %mul3A_109 = arith.muli %scan3A_83, %mul3A_108 : i32
      %add3A_110 = arith.constant 3 : i32
      %add3A_111 = arith.addi %mul3A_109, %add3A_110 : i32
      %mul3A_112 = arith.constant 16 : i32
      %mul3A_113 = arith.muli %add3A_111, %mul3A_112 : i32
      %get3A_114 = arith.index_cast %mul3A_113 : i32 to index
      %get3A_115 = tpu.vector_load %arg5[%get3A_114] {strides = array<i32>} : memref<2000xi32, #tpu.memory_space<vmem>>, vector<16xi32>,
      tpu.vector_store_idx %arg8[%get3A_115], %broadcast_in_dim3A_3 {add = true} : memref<10240xf32, #tpu.memory_space<vmem>>[vector<16xi32>], vector<16xf32>,
      %mul3A_116 = arith.constant 5 : i32
      %mul3A_117 = arith.muli %scan3A_83, %mul3A_116 : i32
      %add3A_118 = arith.constant 4 : i32
      %add3A_119 = arith.addi %mul3A_117, %add3A_118 : i32
      %mul3A_120 = arith.constant 16 : i32
      %mul3A_121 = arith.muli %add3A_119, %mul3A_120 : i32
      %get3A_122 = arith.index_cast %mul3A_121 : i32 to index
      %get3A_123 = tpu.vector_load %arg5[%get3A_122] {strides = array<i32>} : memref<2000xi32, #tpu.memory_space<vmem>>, vector<16xi32>,
      tpu.vector_store_idx %arg7[%get3A_123], %broadcast_in_dim3A_3 {add = true} : memref<10240xf32, #tpu.memory_space<vmem>>[vector<16xi32>], vector<16xf32>,
      %scan3A_124 = arith.constant 0 : i32
      scf.yield %scan3A_124 : i32
    }
    %scan3A_49 = arith.constant 25 : i32
    %add3A_50 = arith.constant 320000 : i32
    %add3A_51 = arith.addi %add3A_50, %mul3A_2 : i32
    %add3A_52 = arith.constant 8000 : i32
    %add3A_53 = arith.addi %add3A_51, %add3A_52 : i32
    %dma_start3A_54 = tpu.memref_slice %arg2[%add3A_53] : memref<640000xi32, #tpu.memory_space<hbm>> -> memref<2000xi32, #tpu.memory_space<hbm>>
    %dma_start3A_55 = tpu.memref_slice %arg2[%add3A_53] : memref<640000xi32, #tpu.memory_space<hbm>> -> memref<2000xi32, #tpu.memory_space<hbm>>
    tpu.enqueue_dma source(%dma_start3A_55 : memref<2000xi32, #tpu.memory_space<hbm>>) target(%arg5 : memref<2000xi32, #tpu.memory_space<vmem>>) target_semaphore(%arg9 : memref<!tpu.dma_semaphore, #tpu.memory_space<semaphore_mem>>)
    %dma_wait3A_56 = tpu.memref_slice %arg2[%add3A_38] : memref<640000xi32, #tpu.memory_space<hbm>> -> memref<2000xi32, #tpu.memory_space<hbm>>
    %dma_wait3A_57 = tpu.memref_slice %arg2[%add3A_38] : memref<640000xi32, #tpu.memory_space<hbm>> -> memref<2000xi32, #tpu.memory_space<hbm>>
    tpu.wait_dma2 semaphore(%arg10 : memref<!tpu.dma_semaphore, #tpu.memory_space<semaphore_mem>>) src(%dma_wait3A_57 : memref<2000xi32, #tpu.memory_space<hbm>>) dst(%arg6 : memref<2000xi32, #tpu.memory_space<vmem>>)
    %scan3A_58 = arith.constant 0 : i32
    %scan3A_59 = arith.constant 0 : i32
    %scan3A_60 = arith.constant 25 : i32
    %scan3A_61 = arith.addi %scan3A_59, %scan3A_60 : i32
    %scan3A_62 = arith.constant 1 : i32
    %scan3A_63 = scf.for %scan3A_83 = %scan3A_59 to %scan3A_61 step %scan3A_62 iter_args(%scan3A_84 = %scan3A_58) -> (i32)  : i32 {
      %mul3A_85 = arith.constant 5 : i32
      %mul3A_86 = arith.muli %scan3A_83, %mul3A_85 : i32
      %add3A_87 = arith.constant 0 : i32
      %add3A_88 = arith.addi %mul3A_86, %add3A_87 : i32
      %mul3A_89 = arith.constant 16 : i32
      %mul3A_90 = arith.muli %add3A_88, %mul3A_89 : i32
      %get3A = arith.index_cast %mul3A_90 : i32 to index
      %get3A_91 = tpu.vector_load %arg6[%get3A] {strides = array<i32>} : memref<2000xi32, #tpu.memory_space<vmem>>, vector<16xi32>,
      tpu.vector_store_idx %arg7[%get3A_91], %broadcast_in_dim3A_3 {add = true} : memref<10240xf32, #tpu.memory_space<vmem>>[vector<16xi32>], vector<16xf32>,
      %mul3A_92 = arith.constant 5 : i32
      %mul3A_93 = arith.muli %scan3A_83, %mul3A_92 : i32
      %add3A_94 = arith.constant 1 : i32
      %add3A_95 = arith.addi %mul3A_93, %add3A_94 : i32
      %mul3A_96 = arith.constant 16 : i32
      %mul3A_97 = arith.muli %add3A_95, %mul3A_96 : i32
      %get3A_98 = arith.index_cast %mul3A_97 : i32 to index
      %get3A_99 = tpu.vector_load %arg6[%get3A_98] {strides = array<i32>} : memref<2000xi32, #tpu.memory_space<vmem>>, vector<16xi32>,
      tpu.vector_store_idx %arg8[%get3A_99], %broadcast_in_dim3A_3 {add = true} : memref<10240xf32, #tpu.memory_space<vmem>>[vector<16xi32>], vector<16xf32>,
      %mul3A_100 = arith.constant 5 : i32
      %mul3A_101 = arith.muli %scan3A_83, %mul3A_100 : i32
      %add3A_102 = arith.constant 2 : i32
      %add3A_103 = arith.addi %mul3A_101, %add3A_102 : i32
      %mul3A_104 = arith.constant 16 : i32
      %mul3A_105 = arith.muli %add3A_103, %mul3A_104 : i32
      %get3A_106 = arith.index_cast %mul3A_105 : i32 to index
      %get3A_107 = tpu.vector_load %arg6[%get3A_106] {strides = array<i32>} : memref<2000xi32, #tpu.memory_space<vmem>>, vector<16xi32>,
      tpu.vector_store_idx %arg7[%get3A_107], %broadcast_in_dim3A_3 {add = true} : memref<10240xf32, #tpu.memory_space<vmem>>[vector<16xi32>], vector<16xf32>,
      %mul3A_108 = arith.constant 5 : i32
      %mul3A_109 = arith.muli %scan3A_83, %mul3A_108 : i32
      %add3A_110 = arith.constant 3 : i32
      %add3A_111 = arith.addi %mul3A_109, %add3A_110 : i32
      %mul3A_112 = arith.constant 16 : i32
      %mul3A_113 = arith.muli %add3A_111, %mul3A_112 : i32
      %get3A_114 = arith.index_cast %mul3A_113 : i32 to index
      %get3A_115 = tpu.vector_load %arg6[%get3A_114] {strides = array<i32>} : memref<2000xi32, #tpu.memory_space<vmem>>, vector<16xi32>,
      tpu.vector_store_idx %arg8[%get3A_115], %broadcast_in_dim3A_3 {add = true} : memref<10240xf32, #tpu.memory_space<vmem>>[vector<16xi32>], vector<16xf32>,
      %mul3A_116 = arith.constant 5 : i32
      %mul3A_117 = arith.muli %scan3A_83, %mul3A_116 : i32
      %add3A_118 = arith.constant 4 : i32
      %add3A_119 = arith.addi %mul3A_117, %add3A_118 : i32
      %mul3A_120 = arith.constant 16 : i32
      %mul3A_121 = arith.muli %add3A_119, %mul3A_120 : i32
      %get3A_122 = arith.index_cast %mul3A_121 : i32 to index
      %get3A_123 = tpu.vector_load %arg6[%get3A_122] {strides = array<i32>} : memref<2000xi32, #tpu.memory_space<vmem>>, vector<16xi32>,
      tpu.vector_store_idx %arg7[%get3A_123], %broadcast_in_dim3A_3 {add = true} : memref<10240xf32, #tpu.memory_space<vmem>>[vector<16xi32>], vector<16xf32>,
      %scan3A_124 = arith.constant 0 : i32
      scf.yield %scan3A_124 : i32
    }
    %scan3A_64 = arith.constant 25 : i32
    %dma_wait3A_65 = tpu.memref_slice %arg2[%add3A_53] : memref<640000xi32, #tpu.memory_space<hbm>> -> memref<2000xi32, #tpu.memory_space<hbm>>
    %dma_wait3A_66 = tpu.memref_slice %arg2[%add3A_53] : memref<640000xi32, #tpu.memory_space<hbm>> -> memref<2000xi32, #tpu.memory_space<hbm>>
    tpu.wait_dma2 semaphore(%arg9 : memref<!tpu.dma_semaphore, #tpu.memory_space<semaphore_mem>>) src(%dma_wait3A_66 : memref<2000xi32, #tpu.memory_space<hbm>>) dst(%arg5 : memref<2000xi32, #tpu.memory_space<vmem>>)
    %scan3A_67 = arith.constant 0 : i32
    %scan3A_68 = arith.constant 0 : i32
    %scan3A_69 = arith.constant 25 : i32
    %scan3A_70 = arith.addi %scan3A_68, %scan3A_69 : i32
    %scan3A_71 = arith.constant 1 : i32
    %scan3A_72 = scf.for %scan3A_83 = %scan3A_68 to %scan3A_70 step %scan3A_71 iter_args(%scan3A_84 = %scan3A_67) -> (i32)  : i32 {
      %mul3A_85 = arith.constant 5 : i32
      %mul3A_86 = arith.muli %scan3A_83, %mul3A_85 : i32
      %add3A_87 = arith.constant 0 : i32
      %add3A_88 = arith.addi %mul3A_86, %add3A_87 : i32
      %mul3A_89 = arith.constant 16 : i32
      %mul3A_90 = arith.muli %add3A_88, %mul3A_89 : i32
      %get3A = arith.index_cast %mul3A_90 : i32 to index
      %get3A_91 = tpu.vector_load %arg5[%get3A] {strides = array<i32>} : memref<2000xi32, #tpu.memory_space<vmem>>, vector<16xi32>,
      tpu.vector_store_idx %arg7[%get3A_91], %broadcast_in_dim3A_3 {add = true} : memref<10240xf32, #tpu.memory_space<vmem>>[vector<16xi32>], vector<16xf32>,
      %mul3A_92 = arith.constant 5 : i32
      %mul3A_93 = arith.muli %scan3A_83, %mul3A_92 : i32
      %add3A_94 = arith.constant 1 : i32
      %add3A_95 = arith.addi %mul3A_93, %add3A_94 : i32
      %mul3A_96 = arith.constant 16 : i32
      %mul3A_97 = arith.muli %add3A_95, %mul3A_96 : i32
      %get3A_98 = arith.index_cast %mul3A_97 : i32 to index
      %get3A_99 = tpu.vector_load %arg5[%get3A_98] {strides = array<i32>} : memref<2000xi32, #tpu.memory_space<vmem>>, vector<16xi32>,
      tpu.vector_store_idx %arg8[%get3A_99], %broadcast_in_dim3A_3 {add = true} : memref<10240xf32, #tpu.memory_space<vmem>>[vector<16xi32>], vector<16xf32>,
      %mul3A_100 = arith.constant 5 : i32
      %mul3A_101 = arith.muli %scan3A_83, %mul3A_100 : i32
      %add3A_102 = arith.constant 2 : i32
      %add3A_103 = arith.addi %mul3A_101, %add3A_102 : i32
      %mul3A_104 = arith.constant 16 : i32
      %mul3A_105 = arith.muli %add3A_103, %mul3A_104 : i32
      %get3A_106 = arith.index_cast %mul3A_105 : i32 to index
      %get3A_107 = tpu.vector_load %arg5[%get3A_106] {strides = array<i32>} : memref<2000xi32, #tpu.memory_space<vmem>>, vector<16xi32>,
      tpu.vector_store_idx %arg7[%get3A_107], %broadcast_in_dim3A_3 {add = true} : memref<10240xf32, #tpu.memory_space<vmem>>[vector<16xi32>], vector<16xf32>,
      %mul3A_108 = arith.constant 5 : i32
      %mul3A_109 = arith.muli %scan3A_83, %mul3A_108 : i32
      %add3A_110 = arith.constant 3 : i32
      %add3A_111 = arith.addi %mul3A_109, %add3A_110 : i32
      %mul3A_112 = arith.constant 16 : i32
      %mul3A_113 = arith.muli %add3A_111, %mul3A_112 : i32
      %get3A_114 = arith.index_cast %mul3A_113 : i32 to index
      %get3A_115 = tpu.vector_load %arg5[%get3A_114] {strides = array<i32>} : memref<2000xi32, #tpu.memory_space<vmem>>, vector<16xi32>,
      tpu.vector_store_idx %arg8[%get3A_115], %broadcast_in_dim3A_3 {add = true} : memref<10240xf32, #tpu.memory_space<vmem>>[vector<16xi32>], vector<16xf32>,
      %mul3A_116 = arith.constant 5 : i32
      %mul3A_117 = arith.muli %scan3A_83, %mul3A_116 : i32
      %add3A_118 = arith.constant 4 : i32
      %add3A_119 = arith.addi %mul3A_117, %add3A_118 : i32
      %mul3A_120 = arith.constant 16 : i32
      %mul3A_121 = arith.muli %add3A_119, %mul3A_120 : i32
      %get3A_122 = arith.index_cast %mul3A_121 : i32 to index
      %get3A_123 = tpu.vector_load %arg5[%get3A_122] {strides = array<i32>} : memref<2000xi32, #tpu.memory_space<vmem>>, vector<16xi32>,
      tpu.vector_store_idx %arg7[%get3A_123], %broadcast_in_dim3A_3 {add = true} : memref<10240xf32, #tpu.memory_space<vmem>>[vector<16xi32>], vector<16xf32>,
      %scan3A_124 = arith.constant 0 : i32
      scf.yield %scan3A_124 : i32
    }
    %scan3A_73 = arith.constant 25 : i32
    %scan3A_74 = arith.constant 0 : i32
    %scan3A_75 = arith.constant 0 : i32
    %scan3A_76 = arith.constant 128 : i32
    %scan3A_77 = arith.addi %scan3A_75, %scan3A_76 : i32
    %scan3A_78 = arith.constant 1 : i32
    %scan3A_79 = scf.for %scan3A_83 = %scan3A_75 to %scan3A_77 step %scan3A_78 iter_args(%scan3A_84 = %scan3A_74) -> (i32)  : i32 {
      %mul3A_85 = arith.constant 5 : i32
      %mul3A_86 = arith.muli %scan3A_83, %mul3A_85 : i32
      %add3A_87 = arith.constant 0 : i32
      %add3A_88 = arith.addi %mul3A_86, %add3A_87 : i32
      %mul3A_89 = arith.constant 16 : i32
      %mul3A_90 = arith.muli %add3A_88, %mul3A_89 : i32
      %get3A = arith.index_cast %mul3A_90 : i32 to index
      %get3A_91 = tpu.vector_load %arg7[%get3A] {strides = array<i32>} : memref<10240xf32, #tpu.memory_space<vmem>>, vector<16xf32>,
      %get3A_92 = arith.index_cast %mul3A_90 : i32 to index
      %get3A_93 = tpu.vector_load %arg8[%get3A_92] {strides = array<i32>} : memref<10240xf32, #tpu.memory_space<vmem>>, vector<16xf32>,
      %add3A_94 = arith.addf %get3A_91, %get3A_93 : vector<16xf32>
      %swap3A = arith.index_cast %mul3A_90 : i32 to index
      %swap3A_95 = tpu.vector_load %arg7[%swap3A] {strides = array<i32>} : memref<10240xf32, #tpu.memory_space<vmem>>, vector<16xf32>,
      tpu.vector_store %arg7[%swap3A], %add3A_94 {strides = array<i32>} : memref<10240xf32, #tpu.memory_space<vmem>>, vector<16xf32>,
      %mul3A_96 = arith.constant 5 : i32
      %mul3A_97 = arith.muli %scan3A_83, %mul3A_96 : i32
      %add3A_98 = arith.constant 1 : i32
      %add3A_99 = arith.addi %mul3A_97, %add3A_98 : i32
      %mul3A_100 = arith.constant 16 : i32
      %mul3A_101 = arith.muli %add3A_99, %mul3A_100 : i32
      %get3A_102 = arith.index_cast %mul3A_101 : i32 to index
      %get3A_103 = tpu.vector_load %arg7[%get3A_102] {strides = array<i32>} : memref<10240xf32, #tpu.memory_space<vmem>>, vector<16xf32>,
      %get3A_104 = arith.index_cast %mul3A_101 : i32 to index
      %get3A_105 = tpu.vector_load %arg8[%get3A_104] {strides = array<i32>} : memref<10240xf32, #tpu.memory_space<vmem>>, vector<16xf32>,
      %add3A_106 = arith.addf %get3A_103, %get3A_105 : vector<16xf32>
      %swap3A_107 = arith.index_cast %mul3A_101 : i32 to index
      %swap3A_108 = tpu.vector_load %arg7[%swap3A_107] {strides = array<i32>} : memref<10240xf32, #tpu.memory_space<vmem>>, vector<16xf32>,
      tpu.vector_store %arg7[%swap3A_107], %add3A_106 {strides = array<i32>} : memref<10240xf32, #tpu.memory_space<vmem>>, vector<16xf32>,
      %mul3A_109 = arith.constant 5 : i32
      %mul3A_110 = arith.muli %scan3A_83, %mul3A_109 : i32
      %add3A_111 = arith.constant 2 : i32
      %add3A_112 = arith.addi %mul3A_110, %add3A_111 : i32
      %mul3A_113 = arith.constant 16 : i32
      %mul3A_114 = arith.muli %add3A_112, %mul3A_113 : i32
      %get3A_115 = arith.index_cast %mul3A_114 : i32 to index
      %get3A_116 = tpu.vector_load %arg7[%get3A_115] {strides = array<i32>} : memref<10240xf32, #tpu.memory_space<vmem>>, vector<16xf32>,
      %get3A_117 = arith.index_cast %mul3A_114 : i32 to index
      %get3A_118 = tpu.vector_load %arg8[%get3A_117] {strides = array<i32>} : memref<10240xf32, #tpu.memory_space<vmem>>, vector<16xf32>,
      %add3A_119 = arith.addf %get3A_116, %get3A_118 : vector<16xf32>
      %swap3A_120 = arith.index_cast %mul3A_114 : i32 to index
      %swap3A_121 = tpu.vector_load %arg7[%swap3A_120] {strides = array<i32>} : memref<10240xf32, #tpu.memory_space<vmem>>, vector<16xf32>,
      tpu.vector_store %arg7[%swap3A_120], %add3A_119 {strides = array<i32>} : memref<10240xf32, #tpu.memory_space<vmem>>, vector<16xf32>,
      %mul3A_122 = arith.constant 5 : i32
      %mul3A_123 = arith.muli %scan3A_83, %mul3A_122 : i32
      %add3A_124 = arith.constant 3 : i32
      %add3A_125 = arith.addi %mul3A_123, %add3A_124 : i32
      %mul3A_126 = arith.constant 16 : i32
      %mul3A_127 = arith.muli %add3A_125, %mul3A_126 : i32
      %get3A_128 = arith.index_cast %mul3A_127 : i32 to index
      %get3A_129 = tpu.vector_load %arg7[%get3A_128] {strides = array<i32>} : memref<10240xf32, #tpu.memory_space<vmem>>, vector<16xf32>,
      %get3A_130 = arith.index_cast %mul3A_127 : i32 to index
      %get3A_131 = tpu.vector_load %arg8[%get3A_130] {strides = array<i32>} : memref<10240xf32, #tpu.memory_space<vmem>>, vector<16xf32>,
      %add3A_132 = arith.addf %get3A_129, %get3A_131 : vector<16xf32>
      %swap3A_133 = arith.index_cast %mul3A_127 : i32 to index
      %swap3A_134 = tpu.vector_load %arg7[%swap3A_133] {strides = array<i32>} : memref<10240xf32, #tpu.memory_space<vmem>>, vector<16xf32>,
      tpu.vector_store %arg7[%swap3A_133], %add3A_132 {strides = array<i32>} : memref<10240xf32, #tpu.memory_space<vmem>>, vector<16xf32>,
      %mul3A_135 = arith.constant 5 : i32
      %mul3A_136 = arith.muli %scan3A_83, %mul3A_135 : i32
      %add3A_137 = arith.constant 4 : i32
      %add3A_138 = arith.addi %mul3A_136, %add3A_137 : i32
      %mul3A_139 = arith.constant 16 : i32
      %mul3A_140 = arith.muli %add3A_138, %mul3A_139 : i32
      %get3A_141 = arith.index_cast %mul3A_140 : i32 to index
      %get3A_142 = tpu.vector_load %arg7[%get3A_141] {strides = array<i32>} : memref<10240xf32, #tpu.memory_space<vmem>>, vector<16xf32>,
      %get3A_143 = arith.index_cast %mul3A_140 : i32 to index
      %get3A_144 = tpu.vector_load %arg8[%get3A_143] {strides = array<i32>} : memref<10240xf32, #tpu.memory_space<vmem>>, vector<16xf32>,
      %add3A_145 = arith.addf %get3A_142, %get3A_144 : vector<16xf32>
      %swap3A_146 = arith.index_cast %mul3A_140 : i32 to index
      %swap3A_147 = tpu.vector_load %arg7[%swap3A_146] {strides = array<i32>} : memref<10240xf32, #tpu.memory_space<vmem>>, vector<16xf32>,
      tpu.vector_store %arg7[%swap3A_146], %add3A_145 {strides = array<i32>} : memref<10240xf32, #tpu.memory_space<vmem>>, vector<16xf32>,
      %scan3A_148 = arith.constant 0 : i32
      scf.yield %scan3A_148 : i32
    }
    %scan3A_80 = arith.constant 128 : i32
    %mul3A_81 = arith.constant 10240 : i32
    %mul3A_82 = arith.muli %add3A, %mul3A_81 : i32
    "tpu.region"() ({
      %run_scoped3A = tpu.sem_alloc : memref<!tpu.dma_semaphore, #tpu.memory_space<semaphore_mem>>
      %dma_start3A_83 = tpu.memref_slice %arg4[%mul3A_82] : memref<327680xf32, #tpu.memory_space<hbm>> -> memref<10240xf32, #tpu.memory_space<hbm>>
      %dma_start3A_84 = tpu.memref_slice %arg4[%mul3A_82] : memref<327680xf32, #tpu.memory_space<hbm>> -> memref<10240xf32, #tpu.memory_space<hbm>>
      tpu.enqueue_dma source(%arg7 : memref<10240xf32, #tpu.memory_space<vmem>>) target(%dma_start3A_84 : memref<10240xf32, #tpu.memory_space<hbm>>) target_semaphore(%run_scoped3A : memref<!tpu.dma_semaphore, #tpu.memory_space<semaphore_mem>>)
      %dma_wait3A_85 = tpu.memref_slice %arg4[%mul3A_82] : memref<327680xf32, #tpu.memory_space<hbm>> -> memref<10240xf32, #tpu.memory_space<hbm>>
      %dma_wait3A_86 = tpu.memref_slice %arg4[%mul3A_82] : memref<327680xf32, #tpu.memory_space<hbm>> -> memref<10240xf32, #tpu.memory_space<hbm>>
      tpu.wait_dma2 semaphore(%run_scoped3A : memref<!tpu.dma_semaphore, #tpu.memory_space<semaphore_mem>>) src(%arg7 : memref<10240xf32, #tpu.memory_space<vmem>>) dst(%dma_wait3A_86 : memref<10240xf32, #tpu.memory_space<hbm>>)
      tpu.yield
    }) : () -> ()
    return
  }
}

#map = affine_map<(d0, d1) -> (0)>
module attributes {stable_mosaic.version = 14 : i64} {
  func.func @_agg_kernel(%arg0: i32, %arg1: i32, %arg2: memref<640000xi32, #tpu.memory_space<hbm>>, %arg3: memref<20480xf32, #tpu.memory_space<hbm>>, %arg4: memref<10240xf32, #tpu.memory_space<hbm>>, %arg5: memref<10240xf32, #tpu.memory_space<hbm>>, %arg6: memref<327680xf32, #tpu.memory_space<hbm>>, %arg7: memref<327680xf32, #tpu.memory_space<hbm>>, %arg8: memref<20480xf32, #tpu.memory_space<vmem>>, %arg9: memref<10240xf32, #tpu.memory_space<vmem>>, %arg10: memref<10240xf32, #tpu.memory_space<vmem>>, %arg11: memref<10240xf32, #tpu.memory_space<vmem>>, %arg12: memref<10240xf32, #tpu.memory_space<vmem>>, %arg13: memref<10240xf32, #tpu.memory_space<vmem>>, %arg14: memref<2000xi32, #tpu.memory_space<vmem>>, %arg15: memref<2000xi32, #tpu.memory_space<vmem>>, %arg16: memref<2000xi32, #tpu.memory_space<vmem>>, %arg17: memref<2000xi32, #tpu.memory_space<vmem>>, %arg18: memref<!tpu.dma_semaphore, #tpu.memory_space<semaphore_mem>>, %arg19: memref<!tpu.dma_semaphore, #tpu.memory_space<semaphore_mem>>) attributes {dimension_semantics = [#tpu.dimension_semantics<core_parallel>, #tpu.dimension_semantics<subcore_parallel>], iteration_bounds = array<i64: 2, 16>, scalar_prefetch = 0 : i64, scratch_operands = 12 : i64, tpu.core_type = #tpu.core_type<sc_vector_subcore>, window_params = [{transform_indices = #map}, {transform_indices = #map}, {transform_indices = #map}, {transform_indices = #map}, {transform_indices = #map}, {transform_indices = #map}]} {
    %mul3A = arith.constant 16 : i32
    %mul3A_0 = arith.muli %arg0, %mul3A : i32
    %add3A = arith.addi %mul3A_0, %arg1 : i32
    %mul3A_1 = arith.constant 10000 : i32
    %mul3A_2 = arith.muli %add3A, %mul3A_1 : i32
    %dma_start3A = tpu.memref_slice %arg2[%mul3A_2] : memref<640000xi32, #tpu.memory_space<hbm>> -> memref<2000xi32, #tpu.memory_space<hbm>>
    %dma_start3A_3 = tpu.memref_slice %arg2[%mul3A_2] : memref<640000xi32, #tpu.memory_space<hbm>> -> memref<2000xi32, #tpu.memory_space<hbm>>
    tpu.enqueue_dma source(%dma_start3A_3 : memref<2000xi32, #tpu.memory_space<hbm>>) target(%arg14 : memref<2000xi32, #tpu.memory_space<vmem>>) target_semaphore(%arg18 : memref<!tpu.dma_semaphore, #tpu.memory_space<semaphore_mem>>)
    %add3A_4 = arith.constant 320000 : i32
    %add3A_5 = arith.addi %add3A_4, %mul3A_2 : i32
    %dma_start3A_6 = tpu.memref_slice %arg2[%add3A_5] : memref<640000xi32, #tpu.memory_space<hbm>> -> memref<2000xi32, #tpu.memory_space<hbm>>
    %dma_start3A_7 = tpu.memref_slice %arg2[%add3A_5] : memref<640000xi32, #tpu.memory_space<hbm>> -> memref<2000xi32, #tpu.memory_space<hbm>>
    tpu.enqueue_dma source(%dma_start3A_7 : memref<2000xi32, #tpu.memory_space<hbm>>) target(%arg15 : memref<2000xi32, #tpu.memory_space<vmem>>) target_semaphore(%arg18 : memref<!tpu.dma_semaphore, #tpu.memory_space<semaphore_mem>>)
    "tpu.region"() ({
      %run_scoped3A = tpu.sem_alloc : memref<!tpu.dma_semaphore, #tpu.memory_space<semaphore_mem>>
      tpu.enqueue_dma source(%arg3 : memref<20480xf32, #tpu.memory_space<hbm>>) target(%arg8 : memref<20480xf32, #tpu.memory_space<vmem>>) target_semaphore(%run_scoped3A : memref<!tpu.dma_semaphore, #tpu.memory_space<semaphore_mem>>)
      tpu.wait_dma2 semaphore(%run_scoped3A : memref<!tpu.dma_semaphore, #tpu.memory_space<semaphore_mem>>) src(%arg3 : memref<20480xf32, #tpu.memory_space<hbm>>) dst(%arg8 : memref<20480xf32, #tpu.memory_space<vmem>>)
      tpu.yield
    }) : () -> ()
    "tpu.region"() ({
      %run_scoped3A = tpu.sem_alloc : memref<!tpu.dma_semaphore, #tpu.memory_space<semaphore_mem>>
      tpu.enqueue_dma source(%arg4 : memref<10240xf32, #tpu.memory_space<hbm>>) target(%arg9 : memref<10240xf32, #tpu.memory_space<vmem>>) target_semaphore(%run_scoped3A : memref<!tpu.dma_semaphore, #tpu.memory_space<semaphore_mem>>)
      tpu.wait_dma2 semaphore(%run_scoped3A : memref<!tpu.dma_semaphore, #tpu.memory_space<semaphore_mem>>) src(%arg4 : memref<10240xf32, #tpu.memory_space<hbm>>) dst(%arg9 : memref<10240xf32, #tpu.memory_space<vmem>>)
      tpu.yield
    }) : () -> ()
    "tpu.region"() ({
      %run_scoped3A = tpu.sem_alloc : memref<!tpu.dma_semaphore, #tpu.memory_space<semaphore_mem>>
      tpu.enqueue_dma source(%arg5 : memref<10240xf32, #tpu.memory_space<hbm>>) target(%arg10 : memref<10240xf32, #tpu.memory_space<vmem>>) target_semaphore(%run_scoped3A : memref<!tpu.dma_semaphore, #tpu.memory_space<semaphore_mem>>)
      tpu.wait_dma2 semaphore(%run_scoped3A : memref<!tpu.dma_semaphore, #tpu.memory_space<semaphore_mem>>) src(%arg5 : memref<10240xf32, #tpu.memory_space<hbm>>) dst(%arg10 : memref<10240xf32, #tpu.memory_space<vmem>>)
      tpu.yield
    }) : () -> ()
    "tpu.region"() ({
      %run_scoped3A = tpu.sem_alloc : memref<!tpu.dma_semaphore, #tpu.memory_space<semaphore_mem>>
      tpu.enqueue_dma source(%arg5 : memref<10240xf32, #tpu.memory_space<hbm>>) target(%arg11 : memref<10240xf32, #tpu.memory_space<vmem>>) target_semaphore(%run_scoped3A : memref<!tpu.dma_semaphore, #tpu.memory_space<semaphore_mem>>)
      tpu.wait_dma2 semaphore(%run_scoped3A : memref<!tpu.dma_semaphore, #tpu.memory_space<semaphore_mem>>) src(%arg5 : memref<10240xf32, #tpu.memory_space<hbm>>) dst(%arg11 : memref<10240xf32, #tpu.memory_space<vmem>>)
      tpu.yield
    }) : () -> ()
    "tpu.region"() ({
      %run_scoped3A = tpu.sem_alloc : memref<!tpu.dma_semaphore, #tpu.memory_space<semaphore_mem>>
      tpu.enqueue_dma source(%arg5 : memref<10240xf32, #tpu.memory_space<hbm>>) target(%arg12 : memref<10240xf32, #tpu.memory_space<vmem>>) target_semaphore(%run_scoped3A : memref<!tpu.dma_semaphore, #tpu.memory_space<semaphore_mem>>)
      tpu.wait_dma2 semaphore(%run_scoped3A : memref<!tpu.dma_semaphore, #tpu.memory_space<semaphore_mem>>) src(%arg5 : memref<10240xf32, #tpu.memory_space<hbm>>) dst(%arg12 : memref<10240xf32, #tpu.memory_space<vmem>>)
      tpu.yield
    }) : () -> ()
    "tpu.region"() ({
      %run_scoped3A = tpu.sem_alloc : memref<!tpu.dma_semaphore, #tpu.memory_space<semaphore_mem>>
      tpu.enqueue_dma source(%arg5 : memref<10240xf32, #tpu.memory_space<hbm>>) target(%arg13 : memref<10240xf32, #tpu.memory_space<vmem>>) target_semaphore(%run_scoped3A : memref<!tpu.dma_semaphore, #tpu.memory_space<semaphore_mem>>)
      tpu.wait_dma2 semaphore(%run_scoped3A : memref<!tpu.dma_semaphore, #tpu.memory_space<semaphore_mem>>) src(%arg5 : memref<10240xf32, #tpu.memory_space<hbm>>) dst(%arg13 : memref<10240xf32, #tpu.memory_space<vmem>>)
      tpu.yield
    }) : () -> ()
    %iota3A = tpu.iota {dimensions = array<i32: 0>} : vector<16xi32>
    %eq3A = arith.constant 0 : i32
    %eq3A_8 = arith.cmpi eq, %arg0, %eq3A : i32
    %convert_element_type3A = arith.extui %eq3A_8 : i1 to i32
    %cond3A = arith.constant 0 : i32
    %cond3A_9 = arith.cmpi ne, %convert_element_type3A, %cond3A : i32
    scf.if %cond3A_9 {
      %mul3A_121 = arith.constant 640 : i32
      %mul3A_122 = arith.muli %arg1, %mul3A_121 : i32
      %scan3A_123 = arith.constant 0 : i32
      %scan3A_124 = arith.constant 0 : i32
      %scan3A_125 = arith.constant 40 : i32
      %scan3A_126 = arith.addi %scan3A_124, %scan3A_125 : i32
      %scan3A_127 = arith.constant 1 : i32
      %scan3A_128 = scf.for %scan3A_130 = %scan3A_124 to %scan3A_126 step %scan3A_127 iter_args(%scan3A_131 = %scan3A_123) -> (i32)  : i32 {
        %mul3A_132 = arith.constant 16 : i32
        %mul3A_133 = arith.muli %scan3A_130, %mul3A_132 : i32
        %add3A_134 = arith.addi %mul3A_122, %mul3A_133 : i32
        %add3A_135 = vector.broadcast %add3A_134 : i32 to vector<16xi32>
        %add3A_136 = arith.addi %add3A_135, %iota3A : vector<16xi32>
        %mul3A_137 = arith.constant 2 : i32
        %mul3A_138 = vector.broadcast %mul3A_137 : i32 to vector<16xi32>
        %mul3A_139 = arith.muli %add3A_136, %mul3A_138 : vector<16xi32>
        %gather3A = tpu.vector_load_idx %arg8[%mul3A_139] : memref<20480xf32, #tpu.memory_space<vmem>>[vector<16xi32>], vector<16xf32>,
        %add3A_140 = arith.constant 1 : i32
        %add3A_141 = vector.broadcast %add3A_140 : i32 to vector<16xi32>
        %add3A_142 = arith.addi %mul3A_139, %add3A_141 : vector<16xi32>
        %gather3A_143 = tpu.vector_load_idx %arg8[%add3A_142] : memref<20480xf32, #tpu.memory_space<vmem>>[vector<16xi32>], vector<16xf32>,
        %get3A = arith.index_cast %add3A_134 : i32 to index
        %get3A_144 = tpu.vector_load %arg9[%get3A] {strides = array<i32>} : memref<10240xf32, #tpu.memory_space<vmem>>, vector<16xf32>,
        %mul3A_145 = arith.mulf %gather3A, %get3A_144 : vector<16xf32>
        %swap3A = arith.index_cast %add3A_134 : i32 to index
        %swap3A_146 = tpu.vector_load %arg10[%swap3A] {strides = array<i32>} : memref<10240xf32, #tpu.memory_space<vmem>>, vector<16xf32>,
        tpu.vector_store %arg10[%swap3A], %mul3A_145 {strides = array<i32>} : memref<10240xf32, #tpu.memory_space<vmem>>, vector<16xf32>,
        %mul3A_147 = arith.mulf %gather3A_143, %get3A_144 : vector<16xf32>
        %swap3A_148 = arith.index_cast %add3A_134 : i32 to index
        %swap3A_149 = tpu.vector_load %arg11[%swap3A_148] {strides = array<i32>} : memref<10240xf32, #tpu.memory_space<vmem>>, vector<16xf32>,
        tpu.vector_store %arg11[%swap3A_148], %mul3A_147 {strides = array<i32>} : memref<10240xf32, #tpu.memory_space<vmem>>, vector<16xf32>,
        %scan3A_150 = arith.constant 0 : i32
        scf.yield %scan3A_150 : i32
      }
      %scan3A_129 = arith.constant 40 : i32
    } else {
    }
    %add3A_10 = arith.constant 2000 : i32
    %add3A_11 = arith.addi %mul3A_2, %add3A_10 : i32
    %dma_start3A_12 = tpu.memref_slice %arg2[%add3A_11] : memref<640000xi32, #tpu.memory_space<hbm>> -> memref<2000xi32, #tpu.memory_space<hbm>>
    %dma_start3A_13 = tpu.memref_slice %arg2[%add3A_11] : memref<640000xi32, #tpu.memory_space<hbm>> -> memref<2000xi32, #tpu.memory_space<hbm>>
    tpu.enqueue_dma source(%dma_start3A_13 : memref<2000xi32, #tpu.memory_space<hbm>>) target(%arg16 : memref<2000xi32, #tpu.memory_space<vmem>>) target_semaphore(%arg19 : memref<!tpu.dma_semaphore, #tpu.memory_space<semaphore_mem>>)
    %add3A_14 = arith.constant 320000 : i32
    %add3A_15 = arith.addi %add3A_14, %mul3A_2 : i32
    %add3A_16 = arith.constant 2000 : i32
    %add3A_17 = arith.addi %add3A_15, %add3A_16 : i32
    %dma_start3A_18 = tpu.memref_slice %arg2[%add3A_17] : memref<640000xi32, #tpu.memory_space<hbm>> -> memref<2000xi32, #tpu.memory_space<hbm>>
    %dma_start3A_19 = tpu.memref_slice %arg2[%add3A_17] : memref<640000xi32, #tpu.memory_space<hbm>> -> memref<2000xi32, #tpu.memory_space<hbm>>
    tpu.enqueue_dma source(%dma_start3A_19 : memref<2000xi32, #tpu.memory_space<hbm>>) target(%arg17 : memref<2000xi32, #tpu.memory_space<vmem>>) target_semaphore(%arg19 : memref<!tpu.dma_semaphore, #tpu.memory_space<semaphore_mem>>)
    %dma_wait3A = tpu.memref_slice %arg2[%mul3A_2] : memref<640000xi32, #tpu.memory_space<hbm>> -> memref<2000xi32, #tpu.memory_space<hbm>>
    %dma_wait3A_20 = tpu.memref_slice %arg2[%mul3A_2] : memref<640000xi32, #tpu.memory_space<hbm>> -> memref<2000xi32, #tpu.memory_space<hbm>>
    tpu.wait_dma2 semaphore(%arg18 : memref<!tpu.dma_semaphore, #tpu.memory_space<semaphore_mem>>) src(%dma_wait3A_20 : memref<2000xi32, #tpu.memory_space<hbm>>) dst(%arg14 : memref<2000xi32, #tpu.memory_space<vmem>>)
    %dma_wait3A_21 = tpu.memref_slice %arg2[%add3A_5] : memref<640000xi32, #tpu.memory_space<hbm>> -> memref<2000xi32, #tpu.memory_space<hbm>>
    %dma_wait3A_22 = tpu.memref_slice %arg2[%add3A_5] : memref<640000xi32, #tpu.memory_space<hbm>> -> memref<2000xi32, #tpu.memory_space<hbm>>
    tpu.wait_dma2 semaphore(%arg18 : memref<!tpu.dma_semaphore, #tpu.memory_space<semaphore_mem>>) src(%dma_wait3A_22 : memref<2000xi32, #tpu.memory_space<hbm>>) dst(%arg15 : memref<2000xi32, #tpu.memory_space<vmem>>)
    %scan3A = arith.constant 0 : i32
    %scan3A_23 = arith.constant 0 : i32
    %scan3A_24 = arith.constant 25 : i32
    %scan3A_25 = arith.addi %scan3A_23, %scan3A_24 : i32
    %scan3A_26 = arith.constant 1 : i32
    %scan3A_27 = scf.for %scan3A_121 = %scan3A_23 to %scan3A_25 step %scan3A_26 iter_args(%scan3A_122 = %scan3A) -> (i32)  : i32 {
      %mul3A_123 = arith.constant 5 : i32
      %mul3A_124 = arith.muli %scan3A_121, %mul3A_123 : i32
      %add3A_125 = arith.constant 0 : i32
      %add3A_126 = arith.addi %mul3A_124, %add3A_125 : i32
      %mul3A_127 = arith.constant 16 : i32
      %mul3A_128 = arith.muli %add3A_126, %mul3A_127 : i32
      %get3A = arith.index_cast %mul3A_128 : i32 to index
      %get3A_129 = tpu.vector_load %arg14[%get3A] {strides = array<i32>} : memref<2000xi32, #tpu.memory_space<vmem>>, vector<16xi32>,
      %get3A_130 = arith.index_cast %mul3A_128 : i32 to index
      %get3A_131 = tpu.vector_load %arg15[%get3A_130] {strides = array<i32>} : memref<2000xi32, #tpu.memory_space<vmem>>, vector<16xi32>,
      %add3A_132 = arith.addi %get3A_129, %get3A_129 : vector<16xi32>
      %gather3A = tpu.vector_load_idx %arg8[%add3A_132] : memref<20480xf32, #tpu.memory_space<vmem>>[vector<16xi32>], vector<16xf32>,
      %add3A_133 = arith.constant 1 : i32
      %add3A_134 = vector.broadcast %add3A_133 : i32 to vector<16xi32>
      %add3A_135 = arith.addi %add3A_132, %add3A_134 : vector<16xi32>
      %gather3A_136 = tpu.vector_load_idx %arg8[%add3A_135] : memref<20480xf32, #tpu.memory_space<vmem>>[vector<16xi32>], vector<16xf32>,
      %gather3A_137 = tpu.vector_load_idx %arg9[%get3A_129] : memref<10240xf32, #tpu.memory_space<vmem>>[vector<16xi32>], vector<16xf32>,
      %mul3A_138 = arith.mulf %gather3A, %gather3A_137 : vector<16xf32>
      tpu.vector_store_idx %arg10[%get3A_131], %mul3A_138 {add = true} : memref<10240xf32, #tpu.memory_space<vmem>>[vector<16xi32>], vector<16xf32>,
      %mul3A_139 = arith.mulf %gather3A_136, %gather3A_137 : vector<16xf32>
      tpu.vector_store_idx %arg11[%get3A_131], %mul3A_139 {add = true} : memref<10240xf32, #tpu.memory_space<vmem>>[vector<16xi32>], vector<16xf32>,
      %mul3A_140 = arith.constant 5 : i32
      %mul3A_141 = arith.muli %scan3A_121, %mul3A_140 : i32
      %add3A_142 = arith.constant 1 : i32
      %add3A_143 = arith.addi %mul3A_141, %add3A_142 : i32
      %mul3A_144 = arith.constant 16 : i32
      %mul3A_145 = arith.muli %add3A_143, %mul3A_144 : i32
      %get3A_146 = arith.index_cast %mul3A_145 : i32 to index
      %get3A_147 = tpu.vector_load %arg14[%get3A_146] {strides = array<i32>} : memref<2000xi32, #tpu.memory_space<vmem>>, vector<16xi32>,
      %get3A_148 = arith.index_cast %mul3A_145 : i32 to index
      %get3A_149 = tpu.vector_load %arg15[%get3A_148] {strides = array<i32>} : memref<2000xi32, #tpu.memory_space<vmem>>, vector<16xi32>,
      %add3A_150 = arith.addi %get3A_147, %get3A_147 : vector<16xi32>
      %gather3A_151 = tpu.vector_load_idx %arg8[%add3A_150] : memref<20480xf32, #tpu.memory_space<vmem>>[vector<16xi32>], vector<16xf32>,
      %add3A_152 = arith.constant 1 : i32
      %add3A_153 = vector.broadcast %add3A_152 : i32 to vector<16xi32>
      %add3A_154 = arith.addi %add3A_150, %add3A_153 : vector<16xi32>
      %gather3A_155 = tpu.vector_load_idx %arg8[%add3A_154] : memref<20480xf32, #tpu.memory_space<vmem>>[vector<16xi32>], vector<16xf32>,
      %gather3A_156 = tpu.vector_load_idx %arg9[%get3A_147] : memref<10240xf32, #tpu.memory_space<vmem>>[vector<16xi32>], vector<16xf32>,
      %mul3A_157 = arith.mulf %gather3A_151, %gather3A_156 : vector<16xf32>
      tpu.vector_store_idx %arg12[%get3A_149], %mul3A_157 {add = true} : memref<10240xf32, #tpu.memory_space<vmem>>[vector<16xi32>], vector<16xf32>,
      %mul3A_158 = arith.mulf %gather3A_155, %gather3A_156 : vector<16xf32>
      tpu.vector_store_idx %arg13[%get3A_149], %mul3A_158 {add = true} : memref<10240xf32, #tpu.memory_space<vmem>>[vector<16xi32>], vector<16xf32>,
      %mul3A_159 = arith.constant 5 : i32
      %mul3A_160 = arith.muli %scan3A_121, %mul3A_159 : i32
      %add3A_161 = arith.constant 2 : i32
      %add3A_162 = arith.addi %mul3A_160, %add3A_161 : i32
      %mul3A_163 = arith.constant 16 : i32
      %mul3A_164 = arith.muli %add3A_162, %mul3A_163 : i32
      %get3A_165 = arith.index_cast %mul3A_164 : i32 to index
      %get3A_166 = tpu.vector_load %arg14[%get3A_165] {strides = array<i32>} : memref<2000xi32, #tpu.memory_space<vmem>>, vector<16xi32>,
      %get3A_167 = arith.index_cast %mul3A_164 : i32 to index
      %get3A_168 = tpu.vector_load %arg15[%get3A_167] {strides = array<i32>} : memref<2000xi32, #tpu.memory_space<vmem>>, vector<16xi32>,
      %add3A_169 = arith.addi %get3A_166, %get3A_166 : vector<16xi32>
      %gather3A_170 = tpu.vector_load_idx %arg8[%add3A_169] : memref<20480xf32, #tpu.memory_space<vmem>>[vector<16xi32>], vector<16xf32>,
      %add3A_171 = arith.constant 1 : i32
      %add3A_172 = vector.broadcast %add3A_171 : i32 to vector<16xi32>
      %add3A_173 = arith.addi %add3A_169, %add3A_172 : vector<16xi32>
      %gather3A_174 = tpu.vector_load_idx %arg8[%add3A_173] : memref<20480xf32, #tpu.memory_space<vmem>>[vector<16xi32>], vector<16xf32>,
      %gather3A_175 = tpu.vector_load_idx %arg9[%get3A_166] : memref<10240xf32, #tpu.memory_space<vmem>>[vector<16xi32>], vector<16xf32>,
      %mul3A_176 = arith.mulf %gather3A_170, %gather3A_175 : vector<16xf32>
      tpu.vector_store_idx %arg10[%get3A_168], %mul3A_176 {add = true} : memref<10240xf32, #tpu.memory_space<vmem>>[vector<16xi32>], vector<16xf32>,
      %mul3A_177 = arith.mulf %gather3A_174, %gather3A_175 : vector<16xf32>
      tpu.vector_store_idx %arg11[%get3A_168], %mul3A_177 {add = true} : memref<10240xf32, #tpu.memory_space<vmem>>[vector<16xi32>], vector<16xf32>,
      %mul3A_178 = arith.constant 5 : i32
      %mul3A_179 = arith.muli %scan3A_121, %mul3A_178 : i32
      %add3A_180 = arith.constant 3 : i32
      %add3A_181 = arith.addi %mul3A_179, %add3A_180 : i32
      %mul3A_182 = arith.constant 16 : i32
      %mul3A_183 = arith.muli %add3A_181, %mul3A_182 : i32
      %get3A_184 = arith.index_cast %mul3A_183 : i32 to index
      %get3A_185 = tpu.vector_load %arg14[%get3A_184] {strides = array<i32>} : memref<2000xi32, #tpu.memory_space<vmem>>, vector<16xi32>,
      %get3A_186 = arith.index_cast %mul3A_183 : i32 to index
      %get3A_187 = tpu.vector_load %arg15[%get3A_186] {strides = array<i32>} : memref<2000xi32, #tpu.memory_space<vmem>>, vector<16xi32>,
      %add3A_188 = arith.addi %get3A_185, %get3A_185 : vector<16xi32>
      %gather3A_189 = tpu.vector_load_idx %arg8[%add3A_188] : memref<20480xf32, #tpu.memory_space<vmem>>[vector<16xi32>], vector<16xf32>,
      %add3A_190 = arith.constant 1 : i32
      %add3A_191 = vector.broadcast %add3A_190 : i32 to vector<16xi32>
      %add3A_192 = arith.addi %add3A_188, %add3A_191 : vector<16xi32>
      %gather3A_193 = tpu.vector_load_idx %arg8[%add3A_192] : memref<20480xf32, #tpu.memory_space<vmem>>[vector<16xi32>], vector<16xf32>,
      %gather3A_194 = tpu.vector_load_idx %arg9[%get3A_185] : memref<10240xf32, #tpu.memory_space<vmem>>[vector<16xi32>], vector<16xf32>,
      %mul3A_195 = arith.mulf %gather3A_189, %gather3A_194 : vector<16xf32>
      tpu.vector_store_idx %arg12[%get3A_187], %mul3A_195 {add = true} : memref<10240xf32, #tpu.memory_space<vmem>>[vector<16xi32>], vector<16xf32>,
      %mul3A_196 = arith.mulf %gather3A_193, %gather3A_194 : vector<16xf32>
      tpu.vector_store_idx %arg13[%get3A_187], %mul3A_196 {add = true} : memref<10240xf32, #tpu.memory_space<vmem>>[vector<16xi32>], vector<16xf32>,
      %mul3A_197 = arith.constant 5 : i32
      %mul3A_198 = arith.muli %scan3A_121, %mul3A_197 : i32
      %add3A_199 = arith.constant 4 : i32
      %add3A_200 = arith.addi %mul3A_198, %add3A_199 : i32
      %mul3A_201 = arith.constant 16 : i32
      %mul3A_202 = arith.muli %add3A_200, %mul3A_201 : i32
      %get3A_203 = arith.index_cast %mul3A_202 : i32 to index
      %get3A_204 = tpu.vector_load %arg14[%get3A_203] {strides = array<i32>} : memref<2000xi32, #tpu.memory_space<vmem>>, vector<16xi32>,
      %get3A_205 = arith.index_cast %mul3A_202 : i32 to index
      %get3A_206 = tpu.vector_load %arg15[%get3A_205] {strides = array<i32>} : memref<2000xi32, #tpu.memory_space<vmem>>, vector<16xi32>,
      %add3A_207 = arith.addi %get3A_204, %get3A_204 : vector<16xi32>
      %gather3A_208 = tpu.vector_load_idx %arg8[%add3A_207] : memref<20480xf32, #tpu.memory_space<vmem>>[vector<16xi32>], vector<16xf32>,
      %add3A_209 = arith.constant 1 : i32
      %add3A_210 = vector.broadcast %add3A_209 : i32 to vector<16xi32>
      %add3A_211 = arith.addi %add3A_207, %add3A_210 : vector<16xi32>
      %gather3A_212 = tpu.vector_load_idx %arg8[%add3A_211] : memref<20480xf32, #tpu.memory_space<vmem>>[vector<16xi32>], vector<16xf32>,
      %gather3A_213 = tpu.vector_load_idx %arg9[%get3A_204] : memref<10240xf32, #tpu.memory_space<vmem>>[vector<16xi32>], vector<16xf32>,
      %mul3A_214 = arith.mulf %gather3A_208, %gather3A_213 : vector<16xf32>
      tpu.vector_store_idx %arg10[%get3A_206], %mul3A_214 {add = true} : memref<10240xf32, #tpu.memory_space<vmem>>[vector<16xi32>], vector<16xf32>,
      %mul3A_215 = arith.mulf %gather3A_212, %gather3A_213 : vector<16xf32>
      tpu.vector_store_idx %arg11[%get3A_206], %mul3A_215 {add = true} : memref<10240xf32, #tpu.memory_space<vmem>>[vector<16xi32>], vector<16xf32>,
      %scan3A_216 = arith.constant 0 : i32
      scf.yield %scan3A_216 : i32
    }
    %scan3A_28 = arith.constant 25 : i32
    %add3A_29 = arith.constant 4000 : i32
    %add3A_30 = arith.addi %mul3A_2, %add3A_29 : i32
    %dma_start3A_31 = tpu.memref_slice %arg2[%add3A_30] : memref<640000xi32, #tpu.memory_space<hbm>> -> memref<2000xi32, #tpu.memory_space<hbm>>
    %dma_start3A_32 = tpu.memref_slice %arg2[%add3A_30] : memref<640000xi32, #tpu.memory_space<hbm>> -> memref<2000xi32, #tpu.memory_space<hbm>>
    tpu.enqueue_dma source(%dma_start3A_32 : memref<2000xi32, #tpu.memory_space<hbm>>) target(%arg14 : memref<2000xi32, #tpu.memory_space<vmem>>) target_semaphore(%arg18 : memref<!tpu.dma_semaphore, #tpu.memory_space<semaphore_mem>>)
    %add3A_33 = arith.constant 320000 : i32
    %add3A_34 = arith.addi %add3A_33, %mul3A_2 : i32
    %add3A_35 = arith.constant 4000 : i32
    %add3A_36 = arith.addi %add3A_34, %add3A_35 : i32
    %dma_start3A_37 = tpu.memref_slice %arg2[%add3A_36] : memref<640000xi32, #tpu.memory_space<hbm>> -> memref<2000xi32, #tpu.memory_space<hbm>>
    %dma_start3A_38 = tpu.memref_slice %arg2[%add3A_36] : memref<640000xi32, #tpu.memory_space<hbm>> -> memref<2000xi32, #tpu.memory_space<hbm>>
    tpu.enqueue_dma source(%dma_start3A_38 : memref<2000xi32, #tpu.memory_space<hbm>>) target(%arg15 : memref<2000xi32, #tpu.memory_space<vmem>>) target_semaphore(%arg18 : memref<!tpu.dma_semaphore, #tpu.memory_space<semaphore_mem>>)
    %dma_wait3A_39 = tpu.memref_slice %arg2[%add3A_11] : memref<640000xi32, #tpu.memory_space<hbm>> -> memref<2000xi32, #tpu.memory_space<hbm>>
    %dma_wait3A_40 = tpu.memref_slice %arg2[%add3A_11] : memref<640000xi32, #tpu.memory_space<hbm>> -> memref<2000xi32, #tpu.memory_space<hbm>>
    tpu.wait_dma2 semaphore(%arg19 : memref<!tpu.dma_semaphore, #tpu.memory_space<semaphore_mem>>) src(%dma_wait3A_40 : memref<2000xi32, #tpu.memory_space<hbm>>) dst(%arg16 : memref<2000xi32, #tpu.memory_space<vmem>>)
    %dma_wait3A_41 = tpu.memref_slice %arg2[%add3A_17] : memref<640000xi32, #tpu.memory_space<hbm>> -> memref<2000xi32, #tpu.memory_space<hbm>>
    %dma_wait3A_42 = tpu.memref_slice %arg2[%add3A_17] : memref<640000xi32, #tpu.memory_space<hbm>> -> memref<2000xi32, #tpu.memory_space<hbm>>
    tpu.wait_dma2 semaphore(%arg19 : memref<!tpu.dma_semaphore, #tpu.memory_space<semaphore_mem>>) src(%dma_wait3A_42 : memref<2000xi32, #tpu.memory_space<hbm>>) dst(%arg17 : memref<2000xi32, #tpu.memory_space<vmem>>)
    %scan3A_43 = arith.constant 0 : i32
    %scan3A_44 = arith.constant 0 : i32
    %scan3A_45 = arith.constant 25 : i32
    %scan3A_46 = arith.addi %scan3A_44, %scan3A_45 : i32
    %scan3A_47 = arith.constant 1 : i32
    %scan3A_48 = scf.for %scan3A_121 = %scan3A_44 to %scan3A_46 step %scan3A_47 iter_args(%scan3A_122 = %scan3A_43) -> (i32)  : i32 {
      %mul3A_123 = arith.constant 5 : i32
      %mul3A_124 = arith.muli %scan3A_121, %mul3A_123 : i32
      %add3A_125 = arith.constant 0 : i32
      %add3A_126 = arith.addi %mul3A_124, %add3A_125 : i32
      %mul3A_127 = arith.constant 16 : i32
      %mul3A_128 = arith.muli %add3A_126, %mul3A_127 : i32
      %get3A = arith.index_cast %mul3A_128 : i32 to index
      %get3A_129 = tpu.vector_load %arg16[%get3A] {strides = array<i32>} : memref<2000xi32, #tpu.memory_space<vmem>>, vector<16xi32>,
      %get3A_130 = arith.index_cast %mul3A_128 : i32 to index
      %get3A_131 = tpu.vector_load %arg17[%get3A_130] {strides = array<i32>} : memref<2000xi32, #tpu.memory_space<vmem>>, vector<16xi32>,
      %add3A_132 = arith.addi %get3A_129, %get3A_129 : vector<16xi32>
      %gather3A = tpu.vector_load_idx %arg8[%add3A_132] : memref<20480xf32, #tpu.memory_space<vmem>>[vector<16xi32>], vector<16xf32>,
      %add3A_133 = arith.constant 1 : i32
      %add3A_134 = vector.broadcast %add3A_133 : i32 to vector<16xi32>
      %add3A_135 = arith.addi %add3A_132, %add3A_134 : vector<16xi32>
      %gather3A_136 = tpu.vector_load_idx %arg8[%add3A_135] : memref<20480xf32, #tpu.memory_space<vmem>>[vector<16xi32>], vector<16xf32>,
      %gather3A_137 = tpu.vector_load_idx %arg9[%get3A_129] : memref<10240xf32, #tpu.memory_space<vmem>>[vector<16xi32>], vector<16xf32>,
      %mul3A_138 = arith.mulf %gather3A, %gather3A_137 : vector<16xf32>
      tpu.vector_store_idx %arg10[%get3A_131], %mul3A_138 {add = true} : memref<10240xf32, #tpu.memory_space<vmem>>[vector<16xi32>], vector<16xf32>,
      %mul3A_139 = arith.mulf %gather3A_136, %gather3A_137 : vector<16xf32>
      tpu.vector_store_idx %arg11[%get3A_131], %mul3A_139 {add = true} : memref<10240xf32, #tpu.memory_space<vmem>>[vector<16xi32>], vector<16xf32>,
      %mul3A_140 = arith.constant 5 : i32
      %mul3A_141 = arith.muli %scan3A_121, %mul3A_140 : i32
      %add3A_142 = arith.constant 1 : i32
      %add3A_143 = arith.addi %mul3A_141, %add3A_142 : i32
      %mul3A_144 = arith.constant 16 : i32
      %mul3A_145 = arith.muli %add3A_143, %mul3A_144 : i32
      %get3A_146 = arith.index_cast %mul3A_145 : i32 to index
      %get3A_147 = tpu.vector_load %arg16[%get3A_146] {strides = array<i32>} : memref<2000xi32, #tpu.memory_space<vmem>>, vector<16xi32>,
      %get3A_148 = arith.index_cast %mul3A_145 : i32 to index
      %get3A_149 = tpu.vector_load %arg17[%get3A_148] {strides = array<i32>} : memref<2000xi32, #tpu.memory_space<vmem>>, vector<16xi32>,
      %add3A_150 = arith.addi %get3A_147, %get3A_147 : vector<16xi32>
      %gather3A_151 = tpu.vector_load_idx %arg8[%add3A_150] : memref<20480xf32, #tpu.memory_space<vmem>>[vector<16xi32>], vector<16xf32>,
      %add3A_152 = arith.constant 1 : i32
      %add3A_153 = vector.broadcast %add3A_152 : i32 to vector<16xi32>
      %add3A_154 = arith.addi %add3A_150, %add3A_153 : vector<16xi32>
      %gather3A_155 = tpu.vector_load_idx %arg8[%add3A_154] : memref<20480xf32, #tpu.memory_space<vmem>>[vector<16xi32>], vector<16xf32>,
      %gather3A_156 = tpu.vector_load_idx %arg9[%get3A_147] : memref<10240xf32, #tpu.memory_space<vmem>>[vector<16xi32>], vector<16xf32>,
      %mul3A_157 = arith.mulf %gather3A_151, %gather3A_156 : vector<16xf32>
      tpu.vector_store_idx %arg12[%get3A_149], %mul3A_157 {add = true} : memref<10240xf32, #tpu.memory_space<vmem>>[vector<16xi32>], vector<16xf32>,
      %mul3A_158 = arith.mulf %gather3A_155, %gather3A_156 : vector<16xf32>
      tpu.vector_store_idx %arg13[%get3A_149], %mul3A_158 {add = true} : memref<10240xf32, #tpu.memory_space<vmem>>[vector<16xi32>], vector<16xf32>,
      %mul3A_159 = arith.constant 5 : i32
      %mul3A_160 = arith.muli %scan3A_121, %mul3A_159 : i32
      %add3A_161 = arith.constant 2 : i32
      %add3A_162 = arith.addi %mul3A_160, %add3A_161 : i32
      %mul3A_163 = arith.constant 16 : i32
      %mul3A_164 = arith.muli %add3A_162, %mul3A_163 : i32
      %get3A_165 = arith.index_cast %mul3A_164 : i32 to index
      %get3A_166 = tpu.vector_load %arg16[%get3A_165] {strides = array<i32>} : memref<2000xi32, #tpu.memory_space<vmem>>, vector<16xi32>,
      %get3A_167 = arith.index_cast %mul3A_164 : i32 to index
      %get3A_168 = tpu.vector_load %arg17[%get3A_167] {strides = array<i32>} : memref<2000xi32, #tpu.memory_space<vmem>>, vector<16xi32>,
      %add3A_169 = arith.addi %get3A_166, %get3A_166 : vector<16xi32>
      %gather3A_170 = tpu.vector_load_idx %arg8[%add3A_169] : memref<20480xf32, #tpu.memory_space<vmem>>[vector<16xi32>], vector<16xf32>,
      %add3A_171 = arith.constant 1 : i32
      %add3A_172 = vector.broadcast %add3A_171 : i32 to vector<16xi32>
      %add3A_173 = arith.addi %add3A_169, %add3A_172 : vector<16xi32>
      %gather3A_174 = tpu.vector_load_idx %arg8[%add3A_173] : memref<20480xf32, #tpu.memory_space<vmem>>[vector<16xi32>], vector<16xf32>,
      %gather3A_175 = tpu.vector_load_idx %arg9[%get3A_166] : memref<10240xf32, #tpu.memory_space<vmem>>[vector<16xi32>], vector<16xf32>,
      %mul3A_176 = arith.mulf %gather3A_170, %gather3A_175 : vector<16xf32>
      tpu.vector_store_idx %arg10[%get3A_168], %mul3A_176 {add = true} : memref<10240xf32, #tpu.memory_space<vmem>>[vector<16xi32>], vector<16xf32>,
      %mul3A_177 = arith.mulf %gather3A_174, %gather3A_175 : vector<16xf32>
      tpu.vector_store_idx %arg11[%get3A_168], %mul3A_177 {add = true} : memref<10240xf32, #tpu.memory_space<vmem>>[vector<16xi32>], vector<16xf32>,
      %mul3A_178 = arith.constant 5 : i32
      %mul3A_179 = arith.muli %scan3A_121, %mul3A_178 : i32
      %add3A_180 = arith.constant 3 : i32
      %add3A_181 = arith.addi %mul3A_179, %add3A_180 : i32
      %mul3A_182 = arith.constant 16 : i32
      %mul3A_183 = arith.muli %add3A_181, %mul3A_182 : i32
      %get3A_184 = arith.index_cast %mul3A_183 : i32 to index
      %get3A_185 = tpu.vector_load %arg16[%get3A_184] {strides = array<i32>} : memref<2000xi32, #tpu.memory_space<vmem>>, vector<16xi32>,
      %get3A_186 = arith.index_cast %mul3A_183 : i32 to index
      %get3A_187 = tpu.vector_load %arg17[%get3A_186] {strides = array<i32>} : memref<2000xi32, #tpu.memory_space<vmem>>, vector<16xi32>,
      %add3A_188 = arith.addi %get3A_185, %get3A_185 : vector<16xi32>
      %gather3A_189 = tpu.vector_load_idx %arg8[%add3A_188] : memref<20480xf32, #tpu.memory_space<vmem>>[vector<16xi32>], vector<16xf32>,
      %add3A_190 = arith.constant 1 : i32
      %add3A_191 = vector.broadcast %add3A_190 : i32 to vector<16xi32>
      %add3A_192 = arith.addi %add3A_188, %add3A_191 : vector<16xi32>
      %gather3A_193 = tpu.vector_load_idx %arg8[%add3A_192] : memref<20480xf32, #tpu.memory_space<vmem>>[vector<16xi32>], vector<16xf32>,
      %gather3A_194 = tpu.vector_load_idx %arg9[%get3A_185] : memref<10240xf32, #tpu.memory_space<vmem>>[vector<16xi32>], vector<16xf32>,
      %mul3A_195 = arith.mulf %gather3A_189, %gather3A_194 : vector<16xf32>
      tpu.vector_store_idx %arg12[%get3A_187], %mul3A_195 {add = true} : memref<10240xf32, #tpu.memory_space<vmem>>[vector<16xi32>], vector<16xf32>,
      %mul3A_196 = arith.mulf %gather3A_193, %gather3A_194 : vector<16xf32>
      tpu.vector_store_idx %arg13[%get3A_187], %mul3A_196 {add = true} : memref<10240xf32, #tpu.memory_space<vmem>>[vector<16xi32>], vector<16xf32>,
      %mul3A_197 = arith.constant 5 : i32
      %mul3A_198 = arith.muli %scan3A_121, %mul3A_197 : i32
      %add3A_199 = arith.constant 4 : i32
      %add3A_200 = arith.addi %mul3A_198, %add3A_199 : i32
      %mul3A_201 = arith.constant 16 : i32
      %mul3A_202 = arith.muli %add3A_200, %mul3A_201 : i32
      %get3A_203 = arith.index_cast %mul3A_202 : i32 to index
      %get3A_204 = tpu.vector_load %arg16[%get3A_203] {strides = array<i32>} : memref<2000xi32, #tpu.memory_space<vmem>>, vector<16xi32>,
      %get3A_205 = arith.index_cast %mul3A_202 : i32 to index
      %get3A_206 = tpu.vector_load %arg17[%get3A_205] {strides = array<i32>} : memref<2000xi32, #tpu.memory_space<vmem>>, vector<16xi32>,
      %add3A_207 = arith.addi %get3A_204, %get3A_204 : vector<16xi32>
      %gather3A_208 = tpu.vector_load_idx %arg8[%add3A_207] : memref<20480xf32, #tpu.memory_space<vmem>>[vector<16xi32>], vector<16xf32>,
      %add3A_209 = arith.constant 1 : i32
      %add3A_210 = vector.broadcast %add3A_209 : i32 to vector<16xi32>
      %add3A_211 = arith.addi %add3A_207, %add3A_210 : vector<16xi32>
      %gather3A_212 = tpu.vector_load_idx %arg8[%add3A_211] : memref<20480xf32, #tpu.memory_space<vmem>>[vector<16xi32>], vector<16xf32>,
      %gather3A_213 = tpu.vector_load_idx %arg9[%get3A_204] : memref<10240xf32, #tpu.memory_space<vmem>>[vector<16xi32>], vector<16xf32>,
      %mul3A_214 = arith.mulf %gather3A_208, %gather3A_213 : vector<16xf32>
      tpu.vector_store_idx %arg10[%get3A_206], %mul3A_214 {add = true} : memref<10240xf32, #tpu.memory_space<vmem>>[vector<16xi32>], vector<16xf32>,
      %mul3A_215 = arith.mulf %gather3A_212, %gather3A_213 : vector<16xf32>
      tpu.vector_store_idx %arg11[%get3A_206], %mul3A_215 {add = true} : memref<10240xf32, #tpu.memory_space<vmem>>[vector<16xi32>], vector<16xf32>,
      %scan3A_216 = arith.constant 0 : i32
      scf.yield %scan3A_216 : i32
    }
    %scan3A_49 = arith.constant 25 : i32
    %add3A_50 = arith.constant 6000 : i32
    %add3A_51 = arith.addi %mul3A_2, %add3A_50 : i32
    %dma_start3A_52 = tpu.memref_slice %arg2[%add3A_51] : memref<640000xi32, #tpu.memory_space<hbm>> -> memref<2000xi32, #tpu.memory_space<hbm>>
    %dma_start3A_53 = tpu.memref_slice %arg2[%add3A_51] : memref<640000xi32, #tpu.memory_space<hbm>> -> memref<2000xi32, #tpu.memory_space<hbm>>
    tpu.enqueue_dma source(%dma_start3A_53 : memref<2000xi32, #tpu.memory_space<hbm>>) target(%arg16 : memref<2000xi32, #tpu.memory_space<vmem>>) target_semaphore(%arg19 : memref<!tpu.dma_semaphore, #tpu.memory_space<semaphore_mem>>)
    %add3A_54 = arith.constant 320000 : i32
    %add3A_55 = arith.addi %add3A_54, %mul3A_2 : i32
    %add3A_56 = arith.constant 6000 : i32
    %add3A_57 = arith.addi %add3A_55, %add3A_56 : i32
    %dma_start3A_58 = tpu.memref_slice %arg2[%add3A_57] : memref<640000xi32, #tpu.memory_space<hbm>> -> memref<2000xi32, #tpu.memory_space<hbm>>
    %dma_start3A_59 = tpu.memref_slice %arg2[%add3A_57] : memref<640000xi32, #tpu.memory_space<hbm>> -> memref<2000xi32, #tpu.memory_space<hbm>>
    tpu.enqueue_dma source(%dma_start3A_59 : memref<2000xi32, #tpu.memory_space<hbm>>) target(%arg17 : memref<2000xi32, #tpu.memory_space<vmem>>) target_semaphore(%arg19 : memref<!tpu.dma_semaphore, #tpu.memory_space<semaphore_mem>>)
    %dma_wait3A_60 = tpu.memref_slice %arg2[%add3A_30] : memref<640000xi32, #tpu.memory_space<hbm>> -> memref<2000xi32, #tpu.memory_space<hbm>>
    %dma_wait3A_61 = tpu.memref_slice %arg2[%add3A_30] : memref<640000xi32, #tpu.memory_space<hbm>> -> memref<2000xi32, #tpu.memory_space<hbm>>
    tpu.wait_dma2 semaphore(%arg18 : memref<!tpu.dma_semaphore, #tpu.memory_space<semaphore_mem>>) src(%dma_wait3A_61 : memref<2000xi32, #tpu.memory_space<hbm>>) dst(%arg14 : memref<2000xi32, #tpu.memory_space<vmem>>)
    %dma_wait3A_62 = tpu.memref_slice %arg2[%add3A_36] : memref<640000xi32, #tpu.memory_space<hbm>> -> memref<2000xi32, #tpu.memory_space<hbm>>
    %dma_wait3A_63 = tpu.memref_slice %arg2[%add3A_36] : memref<640000xi32, #tpu.memory_space<hbm>> -> memref<2000xi32, #tpu.memory_space<hbm>>
    tpu.wait_dma2 semaphore(%arg18 : memref<!tpu.dma_semaphore, #tpu.memory_space<semaphore_mem>>) src(%dma_wait3A_63 : memref<2000xi32, #tpu.memory_space<hbm>>) dst(%arg15 : memref<2000xi32, #tpu.memory_space<vmem>>)
    %scan3A_64 = arith.constant 0 : i32
    %scan3A_65 = arith.constant 0 : i32
    %scan3A_66 = arith.constant 25 : i32
    %scan3A_67 = arith.addi %scan3A_65, %scan3A_66 : i32
    %scan3A_68 = arith.constant 1 : i32
    %scan3A_69 = scf.for %scan3A_121 = %scan3A_65 to %scan3A_67 step %scan3A_68 iter_args(%scan3A_122 = %scan3A_64) -> (i32)  : i32 {
      %mul3A_123 = arith.constant 5 : i32
      %mul3A_124 = arith.muli %scan3A_121, %mul3A_123 : i32
      %add3A_125 = arith.constant 0 : i32
      %add3A_126 = arith.addi %mul3A_124, %add3A_125 : i32
      %mul3A_127 = arith.constant 16 : i32
      %mul3A_128 = arith.muli %add3A_126, %mul3A_127 : i32
      %get3A = arith.index_cast %mul3A_128 : i32 to index
      %get3A_129 = tpu.vector_load %arg14[%get3A] {strides = array<i32>} : memref<2000xi32, #tpu.memory_space<vmem>>, vector<16xi32>,
      %get3A_130 = arith.index_cast %mul3A_128 : i32 to index
      %get3A_131 = tpu.vector_load %arg15[%get3A_130] {strides = array<i32>} : memref<2000xi32, #tpu.memory_space<vmem>>, vector<16xi32>,
      %add3A_132 = arith.addi %get3A_129, %get3A_129 : vector<16xi32>
      %gather3A = tpu.vector_load_idx %arg8[%add3A_132] : memref<20480xf32, #tpu.memory_space<vmem>>[vector<16xi32>], vector<16xf32>,
      %add3A_133 = arith.constant 1 : i32
      %add3A_134 = vector.broadcast %add3A_133 : i32 to vector<16xi32>
      %add3A_135 = arith.addi %add3A_132, %add3A_134 : vector<16xi32>
      %gather3A_136 = tpu.vector_load_idx %arg8[%add3A_135] : memref<20480xf32, #tpu.memory_space<vmem>>[vector<16xi32>], vector<16xf32>,
      %gather3A_137 = tpu.vector_load_idx %arg9[%get3A_129] : memref<10240xf32, #tpu.memory_space<vmem>>[vector<16xi32>], vector<16xf32>,
      %mul3A_138 = arith.mulf %gather3A, %gather3A_137 : vector<16xf32>
      tpu.vector_store_idx %arg10[%get3A_131], %mul3A_138 {add = true} : memref<10240xf32, #tpu.memory_space<vmem>>[vector<16xi32>], vector<16xf32>,
      %mul3A_139 = arith.mulf %gather3A_136, %gather3A_137 : vector<16xf32>
      tpu.vector_store_idx %arg11[%get3A_131], %mul3A_139 {add = true} : memref<10240xf32, #tpu.memory_space<vmem>>[vector<16xi32>], vector<16xf32>,
      %mul3A_140 = arith.constant 5 : i32
      %mul3A_141 = arith.muli %scan3A_121, %mul3A_140 : i32
      %add3A_142 = arith.constant 1 : i32
      %add3A_143 = arith.addi %mul3A_141, %add3A_142 : i32
      %mul3A_144 = arith.constant 16 : i32
      %mul3A_145 = arith.muli %add3A_143, %mul3A_144 : i32
      %get3A_146 = arith.index_cast %mul3A_145 : i32 to index
      %get3A_147 = tpu.vector_load %arg14[%get3A_146] {strides = array<i32>} : memref<2000xi32, #tpu.memory_space<vmem>>, vector<16xi32>,
      %get3A_148 = arith.index_cast %mul3A_145 : i32 to index
      %get3A_149 = tpu.vector_load %arg15[%get3A_148] {strides = array<i32>} : memref<2000xi32, #tpu.memory_space<vmem>>, vector<16xi32>,
      %add3A_150 = arith.addi %get3A_147, %get3A_147 : vector<16xi32>
      %gather3A_151 = tpu.vector_load_idx %arg8[%add3A_150] : memref<20480xf32, #tpu.memory_space<vmem>>[vector<16xi32>], vector<16xf32>,
      %add3A_152 = arith.constant 1 : i32
      %add3A_153 = vector.broadcast %add3A_152 : i32 to vector<16xi32>
      %add3A_154 = arith.addi %add3A_150, %add3A_153 : vector<16xi32>
      %gather3A_155 = tpu.vector_load_idx %arg8[%add3A_154] : memref<20480xf32, #tpu.memory_space<vmem>>[vector<16xi32>], vector<16xf32>,
      %gather3A_156 = tpu.vector_load_idx %arg9[%get3A_147] : memref<10240xf32, #tpu.memory_space<vmem>>[vector<16xi32>], vector<16xf32>,
      %mul3A_157 = arith.mulf %gather3A_151, %gather3A_156 : vector<16xf32>
      tpu.vector_store_idx %arg12[%get3A_149], %mul3A_157 {add = true} : memref<10240xf32, #tpu.memory_space<vmem>>[vector<16xi32>], vector<16xf32>,
      %mul3A_158 = arith.mulf %gather3A_155, %gather3A_156 : vector<16xf32>
      tpu.vector_store_idx %arg13[%get3A_149], %mul3A_158 {add = true} : memref<10240xf32, #tpu.memory_space<vmem>>[vector<16xi32>], vector<16xf32>,
      %mul3A_159 = arith.constant 5 : i32
      %mul3A_160 = arith.muli %scan3A_121, %mul3A_159 : i32
      %add3A_161 = arith.constant 2 : i32
      %add3A_162 = arith.addi %mul3A_160, %add3A_161 : i32
      %mul3A_163 = arith.constant 16 : i32
      %mul3A_164 = arith.muli %add3A_162, %mul3A_163 : i32
      %get3A_165 = arith.index_cast %mul3A_164 : i32 to index
      %get3A_166 = tpu.vector_load %arg14[%get3A_165] {strides = array<i32>} : memref<2000xi32, #tpu.memory_space<vmem>>, vector<16xi32>,
      %get3A_167 = arith.index_cast %mul3A_164 : i32 to index
      %get3A_168 = tpu.vector_load %arg15[%get3A_167] {strides = array<i32>} : memref<2000xi32, #tpu.memory_space<vmem>>, vector<16xi32>,
      %add3A_169 = arith.addi %get3A_166, %get3A_166 : vector<16xi32>
      %gather3A_170 = tpu.vector_load_idx %arg8[%add3A_169] : memref<20480xf32, #tpu.memory_space<vmem>>[vector<16xi32>], vector<16xf32>,
      %add3A_171 = arith.constant 1 : i32
      %add3A_172 = vector.broadcast %add3A_171 : i32 to vector<16xi32>
      %add3A_173 = arith.addi %add3A_169, %add3A_172 : vector<16xi32>
      %gather3A_174 = tpu.vector_load_idx %arg8[%add3A_173] : memref<20480xf32, #tpu.memory_space<vmem>>[vector<16xi32>], vector<16xf32>,
      %gather3A_175 = tpu.vector_load_idx %arg9[%get3A_166] : memref<10240xf32, #tpu.memory_space<vmem>>[vector<16xi32>], vector<16xf32>,
      %mul3A_176 = arith.mulf %gather3A_170, %gather3A_175 : vector<16xf32>
      tpu.vector_store_idx %arg10[%get3A_168], %mul3A_176 {add = true} : memref<10240xf32, #tpu.memory_space<vmem>>[vector<16xi32>], vector<16xf32>,
      %mul3A_177 = arith.mulf %gather3A_174, %gather3A_175 : vector<16xf32>
      tpu.vector_store_idx %arg11[%get3A_168], %mul3A_177 {add = true} : memref<10240xf32, #tpu.memory_space<vmem>>[vector<16xi32>], vector<16xf32>,
      %mul3A_178 = arith.constant 5 : i32
      %mul3A_179 = arith.muli %scan3A_121, %mul3A_178 : i32
      %add3A_180 = arith.constant 3 : i32
      %add3A_181 = arith.addi %mul3A_179, %add3A_180 : i32
      %mul3A_182 = arith.constant 16 : i32
      %mul3A_183 = arith.muli %add3A_181, %mul3A_182 : i32
      %get3A_184 = arith.index_cast %mul3A_183 : i32 to index
      %get3A_185 = tpu.vector_load %arg14[%get3A_184] {strides = array<i32>} : memref<2000xi32, #tpu.memory_space<vmem>>, vector<16xi32>,
      %get3A_186 = arith.index_cast %mul3A_183 : i32 to index
      %get3A_187 = tpu.vector_load %arg15[%get3A_186] {strides = array<i32>} : memref<2000xi32, #tpu.memory_space<vmem>>, vector<16xi32>,
      %add3A_188 = arith.addi %get3A_185, %get3A_185 : vector<16xi32>
      %gather3A_189 = tpu.vector_load_idx %arg8[%add3A_188] : memref<20480xf32, #tpu.memory_space<vmem>>[vector<16xi32>], vector<16xf32>,
      %add3A_190 = arith.constant 1 : i32
      %add3A_191 = vector.broadcast %add3A_190 : i32 to vector<16xi32>
      %add3A_192 = arith.addi %add3A_188, %add3A_191 : vector<16xi32>
      %gather3A_193 = tpu.vector_load_idx %arg8[%add3A_192] : memref<20480xf32, #tpu.memory_space<vmem>>[vector<16xi32>], vector<16xf32>,
      %gather3A_194 = tpu.vector_load_idx %arg9[%get3A_185] : memref<10240xf32, #tpu.memory_space<vmem>>[vector<16xi32>], vector<16xf32>,
      %mul3A_195 = arith.mulf %gather3A_189, %gather3A_194 : vector<16xf32>
      tpu.vector_store_idx %arg12[%get3A_187], %mul3A_195 {add = true} : memref<10240xf32, #tpu.memory_space<vmem>>[vector<16xi32>], vector<16xf32>,
      %mul3A_196 = arith.mulf %gather3A_193, %gather3A_194 : vector<16xf32>
      tpu.vector_store_idx %arg13[%get3A_187], %mul3A_196 {add = true} : memref<10240xf32, #tpu.memory_space<vmem>>[vector<16xi32>], vector<16xf32>,
      %mul3A_197 = arith.constant 5 : i32
      %mul3A_198 = arith.muli %scan3A_121, %mul3A_197 : i32
      %add3A_199 = arith.constant 4 : i32
      %add3A_200 = arith.addi %mul3A_198, %add3A_199 : i32
      %mul3A_201 = arith.constant 16 : i32
      %mul3A_202 = arith.muli %add3A_200, %mul3A_201 : i32
      %get3A_203 = arith.index_cast %mul3A_202 : i32 to index
      %get3A_204 = tpu.vector_load %arg14[%get3A_203] {strides = array<i32>} : memref<2000xi32, #tpu.memory_space<vmem>>, vector<16xi32>,
      %get3A_205 = arith.index_cast %mul3A_202 : i32 to index
      %get3A_206 = tpu.vector_load %arg15[%get3A_205] {strides = array<i32>} : memref<2000xi32, #tpu.memory_space<vmem>>, vector<16xi32>,
      %add3A_207 = arith.addi %get3A_204, %get3A_204 : vector<16xi32>
      %gather3A_208 = tpu.vector_load_idx %arg8[%add3A_207] : memref<20480xf32, #tpu.memory_space<vmem>>[vector<16xi32>], vector<16xf32>,
      %add3A_209 = arith.constant 1 : i32
      %add3A_210 = vector.broadcast %add3A_209 : i32 to vector<16xi32>
      %add3A_211 = arith.addi %add3A_207, %add3A_210 : vector<16xi32>
      %gather3A_212 = tpu.vector_load_idx %arg8[%add3A_211] : memref<20480xf32, #tpu.memory_space<vmem>>[vector<16xi32>], vector<16xf32>,
      %gather3A_213 = tpu.vector_load_idx %arg9[%get3A_204] : memref<10240xf32, #tpu.memory_space<vmem>>[vector<16xi32>], vector<16xf32>,
      %mul3A_214 = arith.mulf %gather3A_208, %gather3A_213 : vector<16xf32>
      tpu.vector_store_idx %arg10[%get3A_206], %mul3A_214 {add = true} : memref<10240xf32, #tpu.memory_space<vmem>>[vector<16xi32>], vector<16xf32>,
      %mul3A_215 = arith.mulf %gather3A_212, %gather3A_213 : vector<16xf32>
      tpu.vector_store_idx %arg11[%get3A_206], %mul3A_215 {add = true} : memref<10240xf32, #tpu.memory_space<vmem>>[vector<16xi32>], vector<16xf32>,
      %scan3A_216 = arith.constant 0 : i32
      scf.yield %scan3A_216 : i32
    }
    %scan3A_70 = arith.constant 25 : i32
    %add3A_71 = arith.constant 8000 : i32
    %add3A_72 = arith.addi %mul3A_2, %add3A_71 : i32
    %dma_start3A_73 = tpu.memref_slice %arg2[%add3A_72] : memref<640000xi32, #tpu.memory_space<hbm>> -> memref<2000xi32, #tpu.memory_space<hbm>>
    %dma_start3A_74 = tpu.memref_slice %arg2[%add3A_72] : memref<640000xi32, #tpu.memory_space<hbm>> -> memref<2000xi32, #tpu.memory_space<hbm>>
    tpu.enqueue_dma source(%dma_start3A_74 : memref<2000xi32, #tpu.memory_space<hbm>>) target(%arg14 : memref<2000xi32, #tpu.memory_space<vmem>>) target_semaphore(%arg18 : memref<!tpu.dma_semaphore, #tpu.memory_space<semaphore_mem>>)
    %add3A_75 = arith.constant 320000 : i32
    %add3A_76 = arith.addi %add3A_75, %mul3A_2 : i32
    %add3A_77 = arith.constant 8000 : i32
    %add3A_78 = arith.addi %add3A_76, %add3A_77 : i32
    %dma_start3A_79 = tpu.memref_slice %arg2[%add3A_78] : memref<640000xi32, #tpu.memory_space<hbm>> -> memref<2000xi32, #tpu.memory_space<hbm>>
    %dma_start3A_80 = tpu.memref_slice %arg2[%add3A_78] : memref<640000xi32, #tpu.memory_space<hbm>> -> memref<2000xi32, #tpu.memory_space<hbm>>
    tpu.enqueue_dma source(%dma_start3A_80 : memref<2000xi32, #tpu.memory_space<hbm>>) target(%arg15 : memref<2000xi32, #tpu.memory_space<vmem>>) target_semaphore(%arg18 : memref<!tpu.dma_semaphore, #tpu.memory_space<semaphore_mem>>)
    %dma_wait3A_81 = tpu.memref_slice %arg2[%add3A_51] : memref<640000xi32, #tpu.memory_space<hbm>> -> memref<2000xi32, #tpu.memory_space<hbm>>
    %dma_wait3A_82 = tpu.memref_slice %arg2[%add3A_51] : memref<640000xi32, #tpu.memory_space<hbm>> -> memref<2000xi32, #tpu.memory_space<hbm>>
    tpu.wait_dma2 semaphore(%arg19 : memref<!tpu.dma_semaphore, #tpu.memory_space<semaphore_mem>>) src(%dma_wait3A_82 : memref<2000xi32, #tpu.memory_space<hbm>>) dst(%arg16 : memref<2000xi32, #tpu.memory_space<vmem>>)
    %dma_wait3A_83 = tpu.memref_slice %arg2[%add3A_57] : memref<640000xi32, #tpu.memory_space<hbm>> -> memref<2000xi32, #tpu.memory_space<hbm>>
    %dma_wait3A_84 = tpu.memref_slice %arg2[%add3A_57] : memref<640000xi32, #tpu.memory_space<hbm>> -> memref<2000xi32, #tpu.memory_space<hbm>>
    tpu.wait_dma2 semaphore(%arg19 : memref<!tpu.dma_semaphore, #tpu.memory_space<semaphore_mem>>) src(%dma_wait3A_84 : memref<2000xi32, #tpu.memory_space<hbm>>) dst(%arg17 : memref<2000xi32, #tpu.memory_space<vmem>>)
    %scan3A_85 = arith.constant 0 : i32
    %scan3A_86 = arith.constant 0 : i32
    %scan3A_87 = arith.constant 25 : i32
    %scan3A_88 = arith.addi %scan3A_86, %scan3A_87 : i32
    %scan3A_89 = arith.constant 1 : i32
    %scan3A_90 = scf.for %scan3A_121 = %scan3A_86 to %scan3A_88 step %scan3A_89 iter_args(%scan3A_122 = %scan3A_85) -> (i32)  : i32 {
      %mul3A_123 = arith.constant 5 : i32
      %mul3A_124 = arith.muli %scan3A_121, %mul3A_123 : i32
      %add3A_125 = arith.constant 0 : i32
      %add3A_126 = arith.addi %mul3A_124, %add3A_125 : i32
      %mul3A_127 = arith.constant 16 : i32
      %mul3A_128 = arith.muli %add3A_126, %mul3A_127 : i32
      %get3A = arith.index_cast %mul3A_128 : i32 to index
      %get3A_129 = tpu.vector_load %arg16[%get3A] {strides = array<i32>} : memref<2000xi32, #tpu.memory_space<vmem>>, vector<16xi32>,
      %get3A_130 = arith.index_cast %mul3A_128 : i32 to index
      %get3A_131 = tpu.vector_load %arg17[%get3A_130] {strides = array<i32>} : memref<2000xi32, #tpu.memory_space<vmem>>, vector<16xi32>,
      %add3A_132 = arith.addi %get3A_129, %get3A_129 : vector<16xi32>
      %gather3A = tpu.vector_load_idx %arg8[%add3A_132] : memref<20480xf32, #tpu.memory_space<vmem>>[vector<16xi32>], vector<16xf32>,
      %add3A_133 = arith.constant 1 : i32
      %add3A_134 = vector.broadcast %add3A_133 : i32 to vector<16xi32>
      %add3A_135 = arith.addi %add3A_132, %add3A_134 : vector<16xi32>
      %gather3A_136 = tpu.vector_load_idx %arg8[%add3A_135] : memref<20480xf32, #tpu.memory_space<vmem>>[vector<16xi32>], vector<16xf32>,
      %gather3A_137 = tpu.vector_load_idx %arg9[%get3A_129] : memref<10240xf32, #tpu.memory_space<vmem>>[vector<16xi32>], vector<16xf32>,
      %mul3A_138 = arith.mulf %gather3A, %gather3A_137 : vector<16xf32>
      tpu.vector_store_idx %arg10[%get3A_131], %mul3A_138 {add = true} : memref<10240xf32, #tpu.memory_space<vmem>>[vector<16xi32>], vector<16xf32>,
      %mul3A_139 = arith.mulf %gather3A_136, %gather3A_137 : vector<16xf32>
      tpu.vector_store_idx %arg11[%get3A_131], %mul3A_139 {add = true} : memref<10240xf32, #tpu.memory_space<vmem>>[vector<16xi32>], vector<16xf32>,
      %mul3A_140 = arith.constant 5 : i32
      %mul3A_141 = arith.muli %scan3A_121, %mul3A_140 : i32
      %add3A_142 = arith.constant 1 : i32
      %add3A_143 = arith.addi %mul3A_141, %add3A_142 : i32
      %mul3A_144 = arith.constant 16 : i32
      %mul3A_145 = arith.muli %add3A_143, %mul3A_144 : i32
      %get3A_146 = arith.index_cast %mul3A_145 : i32 to index
      %get3A_147 = tpu.vector_load %arg16[%get3A_146] {strides = array<i32>} : memref<2000xi32, #tpu.memory_space<vmem>>, vector<16xi32>,
      %get3A_148 = arith.index_cast %mul3A_145 : i32 to index
      %get3A_149 = tpu.vector_load %arg17[%get3A_148] {strides = array<i32>} : memref<2000xi32, #tpu.memory_space<vmem>>, vector<16xi32>,
      %add3A_150 = arith.addi %get3A_147, %get3A_147 : vector<16xi32>
      %gather3A_151 = tpu.vector_load_idx %arg8[%add3A_150] : memref<20480xf32, #tpu.memory_space<vmem>>[vector<16xi32>], vector<16xf32>,
      %add3A_152 = arith.constant 1 : i32
      %add3A_153 = vector.broadcast %add3A_152 : i32 to vector<16xi32>
      %add3A_154 = arith.addi %add3A_150, %add3A_153 : vector<16xi32>
      %gather3A_155 = tpu.vector_load_idx %arg8[%add3A_154] : memref<20480xf32, #tpu.memory_space<vmem>>[vector<16xi32>], vector<16xf32>,
      %gather3A_156 = tpu.vector_load_idx %arg9[%get3A_147] : memref<10240xf32, #tpu.memory_space<vmem>>[vector<16xi32>], vector<16xf32>,
      %mul3A_157 = arith.mulf %gather3A_151, %gather3A_156 : vector<16xf32>
      tpu.vector_store_idx %arg12[%get3A_149], %mul3A_157 {add = true} : memref<10240xf32, #tpu.memory_space<vmem>>[vector<16xi32>], vector<16xf32>,
      %mul3A_158 = arith.mulf %gather3A_155, %gather3A_156 : vector<16xf32>
      tpu.vector_store_idx %arg13[%get3A_149], %mul3A_158 {add = true} : memref<10240xf32, #tpu.memory_space<vmem>>[vector<16xi32>], vector<16xf32>,
      %mul3A_159 = arith.constant 5 : i32
      %mul3A_160 = arith.muli %scan3A_121, %mul3A_159 : i32
      %add3A_161 = arith.constant 2 : i32
      %add3A_162 = arith.addi %mul3A_160, %add3A_161 : i32
      %mul3A_163 = arith.constant 16 : i32
      %mul3A_164 = arith.muli %add3A_162, %mul3A_163 : i32
      %get3A_165 = arith.index_cast %mul3A_164 : i32 to index
      %get3A_166 = tpu.vector_load %arg16[%get3A_165] {strides = array<i32>} : memref<2000xi32, #tpu.memory_space<vmem>>, vector<16xi32>,
      %get3A_167 = arith.index_cast %mul3A_164 : i32 to index
      %get3A_168 = tpu.vector_load %arg17[%get3A_167] {strides = array<i32>} : memref<2000xi32, #tpu.memory_space<vmem>>, vector<16xi32>,
      %add3A_169 = arith.addi %get3A_166, %get3A_166 : vector<16xi32>
      %gather3A_170 = tpu.vector_load_idx %arg8[%add3A_169] : memref<20480xf32, #tpu.memory_space<vmem>>[vector<16xi32>], vector<16xf32>,
      %add3A_171 = arith.constant 1 : i32
      %add3A_172 = vector.broadcast %add3A_171 : i32 to vector<16xi32>
      %add3A_173 = arith.addi %add3A_169, %add3A_172 : vector<16xi32>
      %gather3A_174 = tpu.vector_load_idx %arg8[%add3A_173] : memref<20480xf32, #tpu.memory_space<vmem>>[vector<16xi32>], vector<16xf32>,
      %gather3A_175 = tpu.vector_load_idx %arg9[%get3A_166] : memref<10240xf32, #tpu.memory_space<vmem>>[vector<16xi32>], vector<16xf32>,
      %mul3A_176 = arith.mulf %gather3A_170, %gather3A_175 : vector<16xf32>
      tpu.vector_store_idx %arg10[%get3A_168], %mul3A_176 {add = true} : memref<10240xf32, #tpu.memory_space<vmem>>[vector<16xi32>], vector<16xf32>,
      %mul3A_177 = arith.mulf %gather3A_174, %gather3A_175 : vector<16xf32>
      tpu.vector_store_idx %arg11[%get3A_168], %mul3A_177 {add = true} : memref<10240xf32, #tpu.memory_space<vmem>>[vector<16xi32>], vector<16xf32>,
      %mul3A_178 = arith.constant 5 : i32
      %mul3A_179 = arith.muli %scan3A_121, %mul3A_178 : i32
      %add3A_180 = arith.constant 3 : i32
      %add3A_181 = arith.addi %mul3A_179, %add3A_180 : i32
      %mul3A_182 = arith.constant 16 : i32
      %mul3A_183 = arith.muli %add3A_181, %mul3A_182 : i32
      %get3A_184 = arith.index_cast %mul3A_183 : i32 to index
      %get3A_185 = tpu.vector_load %arg16[%get3A_184] {strides = array<i32>} : memref<2000xi32, #tpu.memory_space<vmem>>, vector<16xi32>,
      %get3A_186 = arith.index_cast %mul3A_183 : i32 to index
      %get3A_187 = tpu.vector_load %arg17[%get3A_186] {strides = array<i32>} : memref<2000xi32, #tpu.memory_space<vmem>>, vector<16xi32>,
      %add3A_188 = arith.addi %get3A_185, %get3A_185 : vector<16xi32>
      %gather3A_189 = tpu.vector_load_idx %arg8[%add3A_188] : memref<20480xf32, #tpu.memory_space<vmem>>[vector<16xi32>], vector<16xf32>,
      %add3A_190 = arith.constant 1 : i32
      %add3A_191 = vector.broadcast %add3A_190 : i32 to vector<16xi32>
      %add3A_192 = arith.addi %add3A_188, %add3A_191 : vector<16xi32>
      %gather3A_193 = tpu.vector_load_idx %arg8[%add3A_192] : memref<20480xf32, #tpu.memory_space<vmem>>[vector<16xi32>], vector<16xf32>,
      %gather3A_194 = tpu.vector_load_idx %arg9[%get3A_185] : memref<10240xf32, #tpu.memory_space<vmem>>[vector<16xi32>], vector<16xf32>,
      %mul3A_195 = arith.mulf %gather3A_189, %gather3A_194 : vector<16xf32>
      tpu.vector_store_idx %arg12[%get3A_187], %mul3A_195 {add = true} : memref<10240xf32, #tpu.memory_space<vmem>>[vector<16xi32>], vector<16xf32>,
      %mul3A_196 = arith.mulf %gather3A_193, %gather3A_194 : vector<16xf32>
      tpu.vector_store_idx %arg13[%get3A_187], %mul3A_196 {add = true} : memref<10240xf32, #tpu.memory_space<vmem>>[vector<16xi32>], vector<16xf32>,
      %mul3A_197 = arith.constant 5 : i32
      %mul3A_198 = arith.muli %scan3A_121, %mul3A_197 : i32
      %add3A_199 = arith.constant 4 : i32
      %add3A_200 = arith.addi %mul3A_198, %add3A_199 : i32
      %mul3A_201 = arith.constant 16 : i32
      %mul3A_202 = arith.muli %add3A_200, %mul3A_201 : i32
      %get3A_203 = arith.index_cast %mul3A_202 : i32 to index
      %get3A_204 = tpu.vector_load %arg16[%get3A_203] {strides = array<i32>} : memref<2000xi32, #tpu.memory_space<vmem>>, vector<16xi32>,
      %get3A_205 = arith.index_cast %mul3A_202 : i32 to index
      %get3A_206 = tpu.vector_load %arg17[%get3A_205] {strides = array<i32>} : memref<2000xi32, #tpu.memory_space<vmem>>, vector<16xi32>,
      %add3A_207 = arith.addi %get3A_204, %get3A_204 : vector<16xi32>
      %gather3A_208 = tpu.vector_load_idx %arg8[%add3A_207] : memref<20480xf32, #tpu.memory_space<vmem>>[vector<16xi32>], vector<16xf32>,
      %add3A_209 = arith.constant 1 : i32
      %add3A_210 = vector.broadcast %add3A_209 : i32 to vector<16xi32>
      %add3A_211 = arith.addi %add3A_207, %add3A_210 : vector<16xi32>
      %gather3A_212 = tpu.vector_load_idx %arg8[%add3A_211] : memref<20480xf32, #tpu.memory_space<vmem>>[vector<16xi32>], vector<16xf32>,
      %gather3A_213 = tpu.vector_load_idx %arg9[%get3A_204] : memref<10240xf32, #tpu.memory_space<vmem>>[vector<16xi32>], vector<16xf32>,
      %mul3A_214 = arith.mulf %gather3A_208, %gather3A_213 : vector<16xf32>
      tpu.vector_store_idx %arg10[%get3A_206], %mul3A_214 {add = true} : memref<10240xf32, #tpu.memory_space<vmem>>[vector<16xi32>], vector<16xf32>,
      %mul3A_215 = arith.mulf %gather3A_212, %gather3A_213 : vector<16xf32>
      tpu.vector_store_idx %arg11[%get3A_206], %mul3A_215 {add = true} : memref<10240xf32, #tpu.memory_space<vmem>>[vector<16xi32>], vector<16xf32>,
      %scan3A_216 = arith.constant 0 : i32
      scf.yield %scan3A_216 : i32
    }
    %scan3A_91 = arith.constant 25 : i32
    %dma_wait3A_92 = tpu.memref_slice %arg2[%add3A_72] : memref<640000xi32, #tpu.memory_space<hbm>> -> memref<2000xi32, #tpu.memory_space<hbm>>
    %dma_wait3A_93 = tpu.memref_slice %arg2[%add3A_72] : memref<640000xi32, #tpu.memory_space<hbm>> -> memref<2000xi32, #tpu.memory_space<hbm>>
    tpu.wait_dma2 semaphore(%arg18 : memref<!tpu.dma_semaphore, #tpu.memory_space<semaphore_mem>>) src(%dma_wait3A_93 : memref<2000xi32, #tpu.memory_space<hbm>>) dst(%arg14 : memref<2000xi32, #tpu.memory_space<vmem>>)
    %dma_wait3A_94 = tpu.memref_slice %arg2[%add3A_78] : memref<640000xi32, #tpu.memory_space<hbm>> -> memref<2000xi32, #tpu.memory_space<hbm>>
    %dma_wait3A_95 = tpu.memref_slice %arg2[%add3A_78] : memref<640000xi32, #tpu.memory_space<hbm>> -> memref<2000xi32, #tpu.memory_space<hbm>>
    tpu.wait_dma2 semaphore(%arg18 : memref<!tpu.dma_semaphore, #tpu.memory_space<semaphore_mem>>) src(%dma_wait3A_95 : memref<2000xi32, #tpu.memory_space<hbm>>) dst(%arg15 : memref<2000xi32, #tpu.memory_space<vmem>>)
    %scan3A_96 = arith.constant 0 : i32
    %scan3A_97 = arith.constant 0 : i32
    %scan3A_98 = arith.constant 25 : i32
    %scan3A_99 = arith.addi %scan3A_97, %scan3A_98 : i32
    %scan3A_100 = arith.constant 1 : i32
    %scan3A_101 = scf.for %scan3A_121 = %scan3A_97 to %scan3A_99 step %scan3A_100 iter_args(%scan3A_122 = %scan3A_96) -> (i32)  : i32 {
      %mul3A_123 = arith.constant 5 : i32
      %mul3A_124 = arith.muli %scan3A_121, %mul3A_123 : i32
      %add3A_125 = arith.constant 0 : i32
      %add3A_126 = arith.addi %mul3A_124, %add3A_125 : i32
      %mul3A_127 = arith.constant 16 : i32
      %mul3A_128 = arith.muli %add3A_126, %mul3A_127 : i32
      %get3A = arith.index_cast %mul3A_128 : i32 to index
      %get3A_129 = tpu.vector_load %arg14[%get3A] {strides = array<i32>} : memref<2000xi32, #tpu.memory_space<vmem>>, vector<16xi32>,
      %get3A_130 = arith.index_cast %mul3A_128 : i32 to index
      %get3A_131 = tpu.vector_load %arg15[%get3A_130] {strides = array<i32>} : memref<2000xi32, #tpu.memory_space<vmem>>, vector<16xi32>,
      %add3A_132 = arith.addi %get3A_129, %get3A_129 : vector<16xi32>
      %gather3A = tpu.vector_load_idx %arg8[%add3A_132] : memref<20480xf32, #tpu.memory_space<vmem>>[vector<16xi32>], vector<16xf32>,
      %add3A_133 = arith.constant 1 : i32
      %add3A_134 = vector.broadcast %add3A_133 : i32 to vector<16xi32>
      %add3A_135 = arith.addi %add3A_132, %add3A_134 : vector<16xi32>
      %gather3A_136 = tpu.vector_load_idx %arg8[%add3A_135] : memref<20480xf32, #tpu.memory_space<vmem>>[vector<16xi32>], vector<16xf32>,
      %gather3A_137 = tpu.vector_load_idx %arg9[%get3A_129] : memref<10240xf32, #tpu.memory_space<vmem>>[vector<16xi32>], vector<16xf32>,
      %mul3A_138 = arith.mulf %gather3A, %gather3A_137 : vector<16xf32>
      tpu.vector_store_idx %arg10[%get3A_131], %mul3A_138 {add = true} : memref<10240xf32, #tpu.memory_space<vmem>>[vector<16xi32>], vector<16xf32>,
      %mul3A_139 = arith.mulf %gather3A_136, %gather3A_137 : vector<16xf32>
      tpu.vector_store_idx %arg11[%get3A_131], %mul3A_139 {add = true} : memref<10240xf32, #tpu.memory_space<vmem>>[vector<16xi32>], vector<16xf32>,
      %mul3A_140 = arith.constant 5 : i32
      %mul3A_141 = arith.muli %scan3A_121, %mul3A_140 : i32
      %add3A_142 = arith.constant 1 : i32
      %add3A_143 = arith.addi %mul3A_141, %add3A_142 : i32
      %mul3A_144 = arith.constant 16 : i32
      %mul3A_145 = arith.muli %add3A_143, %mul3A_144 : i32
      %get3A_146 = arith.index_cast %mul3A_145 : i32 to index
      %get3A_147 = tpu.vector_load %arg14[%get3A_146] {strides = array<i32>} : memref<2000xi32, #tpu.memory_space<vmem>>, vector<16xi32>,
      %get3A_148 = arith.index_cast %mul3A_145 : i32 to index
      %get3A_149 = tpu.vector_load %arg15[%get3A_148] {strides = array<i32>} : memref<2000xi32, #tpu.memory_space<vmem>>, vector<16xi32>,
      %add3A_150 = arith.addi %get3A_147, %get3A_147 : vector<16xi32>
      %gather3A_151 = tpu.vector_load_idx %arg8[%add3A_150] : memref<20480xf32, #tpu.memory_space<vmem>>[vector<16xi32>], vector<16xf32>,
      %add3A_152 = arith.constant 1 : i32
      %add3A_153 = vector.broadcast %add3A_152 : i32 to vector<16xi32>
      %add3A_154 = arith.addi %add3A_150, %add3A_153 : vector<16xi32>
      %gather3A_155 = tpu.vector_load_idx %arg8[%add3A_154] : memref<20480xf32, #tpu.memory_space<vmem>>[vector<16xi32>], vector<16xf32>,
      %gather3A_156 = tpu.vector_load_idx %arg9[%get3A_147] : memref<10240xf32, #tpu.memory_space<vmem>>[vector<16xi32>], vector<16xf32>,
      %mul3A_157 = arith.mulf %gather3A_151, %gather3A_156 : vector<16xf32>
      tpu.vector_store_idx %arg12[%get3A_149], %mul3A_157 {add = true} : memref<10240xf32, #tpu.memory_space<vmem>>[vector<16xi32>], vector<16xf32>,
      %mul3A_158 = arith.mulf %gather3A_155, %gather3A_156 : vector<16xf32>
      tpu.vector_store_idx %arg13[%get3A_149], %mul3A_158 {add = true} : memref<10240xf32, #tpu.memory_space<vmem>>[vector<16xi32>], vector<16xf32>,
      %mul3A_159 = arith.constant 5 : i32
      %mul3A_160 = arith.muli %scan3A_121, %mul3A_159 : i32
      %add3A_161 = arith.constant 2 : i32
      %add3A_162 = arith.addi %mul3A_160, %add3A_161 : i32
      %mul3A_163 = arith.constant 16 : i32
      %mul3A_164 = arith.muli %add3A_162, %mul3A_163 : i32
      %get3A_165 = arith.index_cast %mul3A_164 : i32 to index
      %get3A_166 = tpu.vector_load %arg14[%get3A_165] {strides = array<i32>} : memref<2000xi32, #tpu.memory_space<vmem>>, vector<16xi32>,
      %get3A_167 = arith.index_cast %mul3A_164 : i32 to index
      %get3A_168 = tpu.vector_load %arg15[%get3A_167] {strides = array<i32>} : memref<2000xi32, #tpu.memory_space<vmem>>, vector<16xi32>,
      %add3A_169 = arith.addi %get3A_166, %get3A_166 : vector<16xi32>
      %gather3A_170 = tpu.vector_load_idx %arg8[%add3A_169] : memref<20480xf32, #tpu.memory_space<vmem>>[vector<16xi32>], vector<16xf32>,
      %add3A_171 = arith.constant 1 : i32
      %add3A_172 = vector.broadcast %add3A_171 : i32 to vector<16xi32>
      %add3A_173 = arith.addi %add3A_169, %add3A_172 : vector<16xi32>
      %gather3A_174 = tpu.vector_load_idx %arg8[%add3A_173] : memref<20480xf32, #tpu.memory_space<vmem>>[vector<16xi32>], vector<16xf32>,
      %gather3A_175 = tpu.vector_load_idx %arg9[%get3A_166] : memref<10240xf32, #tpu.memory_space<vmem>>[vector<16xi32>], vector<16xf32>,
      %mul3A_176 = arith.mulf %gather3A_170, %gather3A_175 : vector<16xf32>
      tpu.vector_store_idx %arg10[%get3A_168], %mul3A_176 {add = true} : memref<10240xf32, #tpu.memory_space<vmem>>[vector<16xi32>], vector<16xf32>,
      %mul3A_177 = arith.mulf %gather3A_174, %gather3A_175 : vector<16xf32>
      tpu.vector_store_idx %arg11[%get3A_168], %mul3A_177 {add = true} : memref<10240xf32, #tpu.memory_space<vmem>>[vector<16xi32>], vector<16xf32>,
      %mul3A_178 = arith.constant 5 : i32
      %mul3A_179 = arith.muli %scan3A_121, %mul3A_178 : i32
      %add3A_180 = arith.constant 3 : i32
      %add3A_181 = arith.addi %mul3A_179, %add3A_180 : i32
      %mul3A_182 = arith.constant 16 : i32
      %mul3A_183 = arith.muli %add3A_181, %mul3A_182 : i32
      %get3A_184 = arith.index_cast %mul3A_183 : i32 to index
      %get3A_185 = tpu.vector_load %arg14[%get3A_184] {strides = array<i32>} : memref<2000xi32, #tpu.memory_space<vmem>>, vector<16xi32>,
      %get3A_186 = arith.index_cast %mul3A_183 : i32 to index
      %get3A_187 = tpu.vector_load %arg15[%get3A_186] {strides = array<i32>} : memref<2000xi32, #tpu.memory_space<vmem>>, vector<16xi32>,
      %add3A_188 = arith.addi %get3A_185, %get3A_185 : vector<16xi32>
      %gather3A_189 = tpu.vector_load_idx %arg8[%add3A_188] : memref<20480xf32, #tpu.memory_space<vmem>>[vector<16xi32>], vector<16xf32>,
      %add3A_190 = arith.constant 1 : i32
      %add3A_191 = vector.broadcast %add3A_190 : i32 to vector<16xi32>
      %add3A_192 = arith.addi %add3A_188, %add3A_191 : vector<16xi32>
      %gather3A_193 = tpu.vector_load_idx %arg8[%add3A_192] : memref<20480xf32, #tpu.memory_space<vmem>>[vector<16xi32>], vector<16xf32>,
      %gather3A_194 = tpu.vector_load_idx %arg9[%get3A_185] : memref<10240xf32, #tpu.memory_space<vmem>>[vector<16xi32>], vector<16xf32>,
      %mul3A_195 = arith.mulf %gather3A_189, %gather3A_194 : vector<16xf32>
      tpu.vector_store_idx %arg12[%get3A_187], %mul3A_195 {add = true} : memref<10240xf32, #tpu.memory_space<vmem>>[vector<16xi32>], vector<16xf32>,
      %mul3A_196 = arith.mulf %gather3A_193, %gather3A_194 : vector<16xf32>
      tpu.vector_store_idx %arg13[%get3A_187], %mul3A_196 {add = true} : memref<10240xf32, #tpu.memory_space<vmem>>[vector<16xi32>], vector<16xf32>,
      %mul3A_197 = arith.constant 5 : i32
      %mul3A_198 = arith.muli %scan3A_121, %mul3A_197 : i32
      %add3A_199 = arith.constant 4 : i32
      %add3A_200 = arith.addi %mul3A_198, %add3A_199 : i32
      %mul3A_201 = arith.constant 16 : i32
      %mul3A_202 = arith.muli %add3A_200, %mul3A_201 : i32
      %get3A_203 = arith.index_cast %mul3A_202 : i32 to index
      %get3A_204 = tpu.vector_load %arg14[%get3A_203] {strides = array<i32>} : memref<2000xi32, #tpu.memory_space<vmem>>, vector<16xi32>,
      %get3A_205 = arith.index_cast %mul3A_202 : i32 to index
      %get3A_206 = tpu.vector_load %arg15[%get3A_205] {strides = array<i32>} : memref<2000xi32, #tpu.memory_space<vmem>>, vector<16xi32>,
      %add3A_207 = arith.addi %get3A_204, %get3A_204 : vector<16xi32>
      %gather3A_208 = tpu.vector_load_idx %arg8[%add3A_207] : memref<20480xf32, #tpu.memory_space<vmem>>[vector<16xi32>], vector<16xf32>,
      %add3A_209 = arith.constant 1 : i32
      %add3A_210 = vector.broadcast %add3A_209 : i32 to vector<16xi32>
      %add3A_211 = arith.addi %add3A_207, %add3A_210 : vector<16xi32>
      %gather3A_212 = tpu.vector_load_idx %arg8[%add3A_211] : memref<20480xf32, #tpu.memory_space<vmem>>[vector<16xi32>], vector<16xf32>,
      %gather3A_213 = tpu.vector_load_idx %arg9[%get3A_204] : memref<10240xf32, #tpu.memory_space<vmem>>[vector<16xi32>], vector<16xf32>,
      %mul3A_214 = arith.mulf %gather3A_208, %gather3A_213 : vector<16xf32>
      tpu.vector_store_idx %arg10[%get3A_206], %mul3A_214 {add = true} : memref<10240xf32, #tpu.memory_space<vmem>>[vector<16xi32>], vector<16xf32>,
      %mul3A_215 = arith.mulf %gather3A_212, %gather3A_213 : vector<16xf32>
      tpu.vector_store_idx %arg11[%get3A_206], %mul3A_215 {add = true} : memref<10240xf32, #tpu.memory_space<vmem>>[vector<16xi32>], vector<16xf32>,
      %scan3A_216 = arith.constant 0 : i32
      scf.yield %scan3A_216 : i32
    }
    %scan3A_102 = arith.constant 25 : i32
    %scan3A_103 = arith.constant 0 : i32
    %scan3A_104 = arith.constant 0 : i32
    %scan3A_105 = arith.constant 128 : i32
    %scan3A_106 = arith.addi %scan3A_104, %scan3A_105 : i32
    %scan3A_107 = arith.constant 1 : i32
    %scan3A_108 = scf.for %scan3A_121 = %scan3A_104 to %scan3A_106 step %scan3A_107 iter_args(%scan3A_122 = %scan3A_103) -> (i32)  : i32 {
      %mul3A_123 = arith.constant 5 : i32
      %mul3A_124 = arith.muli %scan3A_121, %mul3A_123 : i32
      %add3A_125 = arith.constant 0 : i32
      %add3A_126 = arith.addi %mul3A_124, %add3A_125 : i32
      %mul3A_127 = arith.constant 16 : i32
      %mul3A_128 = arith.muli %add3A_126, %mul3A_127 : i32
      %get3A = arith.index_cast %mul3A_128 : i32 to index
      %get3A_129 = tpu.vector_load %arg10[%get3A] {strides = array<i32>} : memref<10240xf32, #tpu.memory_space<vmem>>, vector<16xf32>,
      %get3A_130 = arith.index_cast %mul3A_128 : i32 to index
      %get3A_131 = tpu.vector_load %arg12[%get3A_130] {strides = array<i32>} : memref<10240xf32, #tpu.memory_space<vmem>>, vector<16xf32>,
      %add3A_132 = arith.addf %get3A_129, %get3A_131 : vector<16xf32>
      %swap3A = arith.index_cast %mul3A_128 : i32 to index
      %swap3A_133 = tpu.vector_load %arg10[%swap3A] {strides = array<i32>} : memref<10240xf32, #tpu.memory_space<vmem>>, vector<16xf32>,
      tpu.vector_store %arg10[%swap3A], %add3A_132 {strides = array<i32>} : memref<10240xf32, #tpu.memory_space<vmem>>, vector<16xf32>,
      %mul3A_134 = arith.constant 5 : i32
      %mul3A_135 = arith.muli %scan3A_121, %mul3A_134 : i32
      %add3A_136 = arith.constant 1 : i32
      %add3A_137 = arith.addi %mul3A_135, %add3A_136 : i32
      %mul3A_138 = arith.constant 16 : i32
      %mul3A_139 = arith.muli %add3A_137, %mul3A_138 : i32
      %get3A_140 = arith.index_cast %mul3A_139 : i32 to index
      %get3A_141 = tpu.vector_load %arg10[%get3A_140] {strides = array<i32>} : memref<10240xf32, #tpu.memory_space<vmem>>, vector<16xf32>,
      %get3A_142 = arith.index_cast %mul3A_139 : i32 to index
      %get3A_143 = tpu.vector_load %arg12[%get3A_142] {strides = array<i32>} : memref<10240xf32, #tpu.memory_space<vmem>>, vector<16xf32>,
      %add3A_144 = arith.addf %get3A_141, %get3A_143 : vector<16xf32>
      %swap3A_145 = arith.index_cast %mul3A_139 : i32 to index
      %swap3A_146 = tpu.vector_load %arg10[%swap3A_145] {strides = array<i32>} : memref<10240xf32, #tpu.memory_space<vmem>>, vector<16xf32>,
      tpu.vector_store %arg10[%swap3A_145], %add3A_144 {strides = array<i32>} : memref<10240xf32, #tpu.memory_space<vmem>>, vector<16xf32>,
      %mul3A_147 = arith.constant 5 : i32
      %mul3A_148 = arith.muli %scan3A_121, %mul3A_147 : i32
      %add3A_149 = arith.constant 2 : i32
      %add3A_150 = arith.addi %mul3A_148, %add3A_149 : i32
      %mul3A_151 = arith.constant 16 : i32
      %mul3A_152 = arith.muli %add3A_150, %mul3A_151 : i32
      %get3A_153 = arith.index_cast %mul3A_152 : i32 to index
      %get3A_154 = tpu.vector_load %arg10[%get3A_153] {strides = array<i32>} : memref<10240xf32, #tpu.memory_space<vmem>>, vector<16xf32>,
      %get3A_155 = arith.index_cast %mul3A_152 : i32 to index
      %get3A_156 = tpu.vector_load %arg12[%get3A_155] {strides = array<i32>} : memref<10240xf32, #tpu.memory_space<vmem>>, vector<16xf32>,
      %add3A_157 = arith.addf %get3A_154, %get3A_156 : vector<16xf32>
      %swap3A_158 = arith.index_cast %mul3A_152 : i32 to index
      %swap3A_159 = tpu.vector_load %arg10[%swap3A_158] {strides = array<i32>} : memref<10240xf32, #tpu.memory_space<vmem>>, vector<16xf32>,
      tpu.vector_store %arg10[%swap3A_158], %add3A_157 {strides = array<i32>} : memref<10240xf32, #tpu.memory_space<vmem>>, vector<16xf32>,
      %mul3A_160 = arith.constant 5 : i32
      %mul3A_161 = arith.muli %scan3A_121, %mul3A_160 : i32
      %add3A_162 = arith.constant 3 : i32
      %add3A_163 = arith.addi %mul3A_161, %add3A_162 : i32
      %mul3A_164 = arith.constant 16 : i32
      %mul3A_165 = arith.muli %add3A_163, %mul3A_164 : i32
      %get3A_166 = arith.index_cast %mul3A_165 : i32 to index
      %get3A_167 = tpu.vector_load %arg10[%get3A_166] {strides = array<i32>} : memref<10240xf32, #tpu.memory_space<vmem>>, vector<16xf32>,
      %get3A_168 = arith.index_cast %mul3A_165 : i32 to index
      %get3A_169 = tpu.vector_load %arg12[%get3A_168] {strides = array<i32>} : memref<10240xf32, #tpu.memory_space<vmem>>, vector<16xf32>,
      %add3A_170 = arith.addf %get3A_167, %get3A_169 : vector<16xf32>
      %swap3A_171 = arith.index_cast %mul3A_165 : i32 to index
      %swap3A_172 = tpu.vector_load %arg10[%swap3A_171] {strides = array<i32>} : memref<10240xf32, #tpu.memory_space<vmem>>, vector<16xf32>,
      tpu.vector_store %arg10[%swap3A_171], %add3A_170 {strides = array<i32>} : memref<10240xf32, #tpu.memory_space<vmem>>, vector<16xf32>,
      %mul3A_173 = arith.constant 5 : i32
      %mul3A_174 = arith.muli %scan3A_121, %mul3A_173 : i32
      %add3A_175 = arith.constant 4 : i32
      %add3A_176 = arith.addi %mul3A_174, %add3A_175 : i32
      %mul3A_177 = arith.constant 16 : i32
      %mul3A_178 = arith.muli %add3A_176, %mul3A_177 : i32
      %get3A_179 = arith.index_cast %mul3A_178 : i32 to index
      %get3A_180 = tpu.vector_load %arg10[%get3A_179] {strides = array<i32>} : memref<10240xf32, #tpu.memory_space<vmem>>, vector<16xf32>,
      %get3A_181 = arith.index_cast %mul3A_178 : i32 to index
      %get3A_182 = tpu.vector_load %arg12[%get3A_181] {strides = array<i32>} : memref<10240xf32, #tpu.memory_space<vmem>>, vector<16xf32>,
      %add3A_183 = arith.addf %get3A_180, %get3A_182 : vector<16xf32>
      %swap3A_184 = arith.index_cast %mul3A_178 : i32 to index
      %swap3A_185 = tpu.vector_load %arg10[%swap3A_184] {strides = array<i32>} : memref<10240xf32, #tpu.memory_space<vmem>>, vector<16xf32>,
      tpu.vector_store %arg10[%swap3A_184], %add3A_183 {strides = array<i32>} : memref<10240xf32, #tpu.memory_space<vmem>>, vector<16xf32>,
      %scan3A_186 = arith.constant 0 : i32
      scf.yield %scan3A_186 : i32
    }
    %scan3A_109 = arith.constant 128 : i32
    %scan3A_110 = arith.constant 0 : i32
    %scan3A_111 = arith.constant 0 : i32
    %scan3A_112 = arith.constant 128 : i32
    %scan3A_113 = arith.addi %scan3A_111, %scan3A_112 : i32
    %scan3A_114 = arith.constant 1 : i32
    %scan3A_115 = scf.for %scan3A_121 = %scan3A_111 to %scan3A_113 step %scan3A_114 iter_args(%scan3A_122 = %scan3A_110) -> (i32)  : i32 {
      %mul3A_123 = arith.constant 5 : i32
      %mul3A_124 = arith.muli %scan3A_121, %mul3A_123 : i32
      %add3A_125 = arith.constant 0 : i32
      %add3A_126 = arith.addi %mul3A_124, %add3A_125 : i32
      %mul3A_127 = arith.constant 16 : i32
      %mul3A_128 = arith.muli %add3A_126, %mul3A_127 : i32
      %get3A = arith.index_cast %mul3A_128 : i32 to index
      %get3A_129 = tpu.vector_load %arg11[%get3A] {strides = array<i32>} : memref<10240xf32, #tpu.memory_space<vmem>>, vector<16xf32>,
      %get3A_130 = arith.index_cast %mul3A_128 : i32 to index
      %get3A_131 = tpu.vector_load %arg13[%get3A_130] {strides = array<i32>} : memref<10240xf32, #tpu.memory_space<vmem>>, vector<16xf32>,
      %add3A_132 = arith.addf %get3A_129, %get3A_131 : vector<16xf32>
      %swap3A = arith.index_cast %mul3A_128 : i32 to index
      %swap3A_133 = tpu.vector_load %arg11[%swap3A] {strides = array<i32>} : memref<10240xf32, #tpu.memory_space<vmem>>, vector<16xf32>,
      tpu.vector_store %arg11[%swap3A], %add3A_132 {strides = array<i32>} : memref<10240xf32, #tpu.memory_space<vmem>>, vector<16xf32>,
      %mul3A_134 = arith.constant 5 : i32
      %mul3A_135 = arith.muli %scan3A_121, %mul3A_134 : i32
      %add3A_136 = arith.constant 1 : i32
      %add3A_137 = arith.addi %mul3A_135, %add3A_136 : i32
      %mul3A_138 = arith.constant 16 : i32
      %mul3A_139 = arith.muli %add3A_137, %mul3A_138 : i32
      %get3A_140 = arith.index_cast %mul3A_139 : i32 to index
      %get3A_141 = tpu.vector_load %arg11[%get3A_140] {strides = array<i32>} : memref<10240xf32, #tpu.memory_space<vmem>>, vector<16xf32>,
      %get3A_142 = arith.index_cast %mul3A_139 : i32 to index
      %get3A_143 = tpu.vector_load %arg13[%get3A_142] {strides = array<i32>} : memref<10240xf32, #tpu.memory_space<vmem>>, vector<16xf32>,
      %add3A_144 = arith.addf %get3A_141, %get3A_143 : vector<16xf32>
      %swap3A_145 = arith.index_cast %mul3A_139 : i32 to index
      %swap3A_146 = tpu.vector_load %arg11[%swap3A_145] {strides = array<i32>} : memref<10240xf32, #tpu.memory_space<vmem>>, vector<16xf32>,
      tpu.vector_store %arg11[%swap3A_145], %add3A_144 {strides = array<i32>} : memref<10240xf32, #tpu.memory_space<vmem>>, vector<16xf32>,
      %mul3A_147 = arith.constant 5 : i32
      %mul3A_148 = arith.muli %scan3A_121, %mul3A_147 : i32
      %add3A_149 = arith.constant 2 : i32
      %add3A_150 = arith.addi %mul3A_148, %add3A_149 : i32
      %mul3A_151 = arith.constant 16 : i32
      %mul3A_152 = arith.muli %add3A_150, %mul3A_151 : i32
      %get3A_153 = arith.index_cast %mul3A_152 : i32 to index
      %get3A_154 = tpu.vector_load %arg11[%get3A_153] {strides = array<i32>} : memref<10240xf32, #tpu.memory_space<vmem>>, vector<16xf32>,
      %get3A_155 = arith.index_cast %mul3A_152 : i32 to index
      %get3A_156 = tpu.vector_load %arg13[%get3A_155] {strides = array<i32>} : memref<10240xf32, #tpu.memory_space<vmem>>, vector<16xf32>,
      %add3A_157 = arith.addf %get3A_154, %get3A_156 : vector<16xf32>
      %swap3A_158 = arith.index_cast %mul3A_152 : i32 to index
      %swap3A_159 = tpu.vector_load %arg11[%swap3A_158] {strides = array<i32>} : memref<10240xf32, #tpu.memory_space<vmem>>, vector<16xf32>,
      tpu.vector_store %arg11[%swap3A_158], %add3A_157 {strides = array<i32>} : memref<10240xf32, #tpu.memory_space<vmem>>, vector<16xf32>,
      %mul3A_160 = arith.constant 5 : i32
      %mul3A_161 = arith.muli %scan3A_121, %mul3A_160 : i32
      %add3A_162 = arith.constant 3 : i32
      %add3A_163 = arith.addi %mul3A_161, %add3A_162 : i32
      %mul3A_164 = arith.constant 16 : i32
      %mul3A_165 = arith.muli %add3A_163, %mul3A_164 : i32
      %get3A_166 = arith.index_cast %mul3A_165 : i32 to index
      %get3A_167 = tpu.vector_load %arg11[%get3A_166] {strides = array<i32>} : memref<10240xf32, #tpu.memory_space<vmem>>, vector<16xf32>,
      %get3A_168 = arith.index_cast %mul3A_165 : i32 to index
      %get3A_169 = tpu.vector_load %arg13[%get3A_168] {strides = array<i32>} : memref<10240xf32, #tpu.memory_space<vmem>>, vector<16xf32>,
      %add3A_170 = arith.addf %get3A_167, %get3A_169 : vector<16xf32>
      %swap3A_171 = arith.index_cast %mul3A_165 : i32 to index
      %swap3A_172 = tpu.vector_load %arg11[%swap3A_171] {strides = array<i32>} : memref<10240xf32, #tpu.memory_space<vmem>>, vector<16xf32>,
      tpu.vector_store %arg11[%swap3A_171], %add3A_170 {strides = array<i32>} : memref<10240xf32, #tpu.memory_space<vmem>>, vector<16xf32>,
      %mul3A_173 = arith.constant 5 : i32
      %mul3A_174 = arith.muli %scan3A_121, %mul3A_173 : i32
      %add3A_175 = arith.constant 4 : i32
      %add3A_176 = arith.addi %mul3A_174, %add3A_175 : i32
      %mul3A_177 = arith.constant 16 : i32
      %mul3A_178 = arith.muli %add3A_176, %mul3A_177 : i32
      %get3A_179 = arith.index_cast %mul3A_178 : i32 to index
      %get3A_180 = tpu.vector_load %arg11[%get3A_179] {strides = array<i32>} : memref<10240xf32, #tpu.memory_space<vmem>>, vector<16xf32>,
      %get3A_181 = arith.index_cast %mul3A_178 : i32 to index
      %get3A_182 = tpu.vector_load %arg13[%get3A_181] {strides = array<i32>} : memref<10240xf32, #tpu.memory_space<vmem>>, vector<16xf32>,
      %add3A_183 = arith.addf %get3A_180, %get3A_182 : vector<16xf32>
      %swap3A_184 = arith.index_cast %mul3A_178 : i32 to index
      %swap3A_185 = tpu.vector_load %arg11[%swap3A_184] {strides = array<i32>} : memref<10240xf32, #tpu.memory_space<vmem>>, vector<16xf32>,
      tpu.vector_store %arg11[%swap3A_184], %add3A_183 {strides = array<i32>} : memref<10240xf32, #tpu.memory_space<vmem>>, vector<16xf32>,
      %scan3A_186 = arith.constant 0 : i32
      scf.yield %scan3A_186 : i32
    }
    %scan3A_116 = arith.constant 128 : i32
    %mul3A_117 = arith.constant 10240 : i32
    %mul3A_118 = arith.muli %add3A, %mul3A_117 : i32
    "tpu.region"() ({
      %run_scoped3A = tpu.sem_alloc : memref<!tpu.dma_semaphore, #tpu.memory_space<semaphore_mem>>
      %dma_start3A_121 = tpu.memref_slice %arg6[%mul3A_118] : memref<327680xf32, #tpu.memory_space<hbm>> -> memref<10240xf32, #tpu.memory_space<hbm>>
      %dma_start3A_122 = tpu.memref_slice %arg6[%mul3A_118] : memref<327680xf32, #tpu.memory_space<hbm>> -> memref<10240xf32, #tpu.memory_space<hbm>>
      tpu.enqueue_dma source(%arg10 : memref<10240xf32, #tpu.memory_space<vmem>>) target(%dma_start3A_122 : memref<10240xf32, #tpu.memory_space<hbm>>) target_semaphore(%run_scoped3A : memref<!tpu.dma_semaphore, #tpu.memory_space<semaphore_mem>>)
      %dma_wait3A_123 = tpu.memref_slice %arg6[%mul3A_118] : memref<327680xf32, #tpu.memory_space<hbm>> -> memref<10240xf32, #tpu.memory_space<hbm>>
      %dma_wait3A_124 = tpu.memref_slice %arg6[%mul3A_118] : memref<327680xf32, #tpu.memory_space<hbm>> -> memref<10240xf32, #tpu.memory_space<hbm>>
      tpu.wait_dma2 semaphore(%run_scoped3A : memref<!tpu.dma_semaphore, #tpu.memory_space<semaphore_mem>>) src(%arg10 : memref<10240xf32, #tpu.memory_space<vmem>>) dst(%dma_wait3A_124 : memref<10240xf32, #tpu.memory_space<hbm>>)
      tpu.yield
    }) : () -> ()
    %mul3A_119 = arith.constant 10240 : i32
    %mul3A_120 = arith.muli %add3A, %mul3A_119 : i32
    "tpu.region"() ({
      %run_scoped3A = tpu.sem_alloc : memref<!tpu.dma_semaphore, #tpu.memory_space<semaphore_mem>>
      %dma_start3A_121 = tpu.memref_slice %arg7[%mul3A_120] : memref<327680xf32, #tpu.memory_space<hbm>> -> memref<10240xf32, #tpu.memory_space<hbm>>
      %dma_start3A_122 = tpu.memref_slice %arg7[%mul3A_120] : memref<327680xf32, #tpu.memory_space<hbm>> -> memref<10240xf32, #tpu.memory_space<hbm>>
      tpu.enqueue_dma source(%arg11 : memref<10240xf32, #tpu.memory_space<vmem>>) target(%dma_start3A_122 : memref<10240xf32, #tpu.memory_space<hbm>>) target_semaphore(%run_scoped3A : memref<!tpu.dma_semaphore, #tpu.memory_space<semaphore_mem>>)
      %dma_wait3A_123 = tpu.memref_slice %arg7[%mul3A_120] : memref<327680xf32, #tpu.memory_space<hbm>> -> memref<10240xf32, #tpu.memory_space<hbm>>
      %dma_wait3A_124 = tpu.memref_slice %arg7[%mul3A_120] : memref<327680xf32, #tpu.memory_space<hbm>> -> memref<10240xf32, #tpu.memory_space<hbm>>
      tpu.wait_dma2 semaphore(%run_scoped3A : memref<!tpu.dma_semaphore, #tpu.memory_space<semaphore_mem>>) src(%arg11 : memref<10240xf32, #tpu.memory_space<vmem>>) dst(%dma_wait3A_124 : memref<10240xf32, #tpu.memory_space<hbm>>)
      tpu.yield
    }) : () -> ()
    return
  }
}

module attributes {stable_mosaic.version = 14 : i64} {
  func.func @_scale_body(%arg0: memref<2560x128xf32, #tpu.memory_space<vmem>>, %arg1: memref<160x128xf32, #tpu.memory_space<vmem>>, %arg2: memref<80x128xf32, #tpu.memory_space<vmem>>, %arg3: memref<160x128xf32, #tpu.memory_space<vmem>>) attributes {dimension_semantics = [], scalar_prefetch = 0 : i64, scratch_operands = 0 : i64, tpu.core_type = #tpu.core_type<tc>} {
    %get3A = arith.constant 0 : index
    %get3A_0 = arith.constant 0 : index
    %get3A_1 = vector.load %arg0[%get3A, %get3A_0] : memref<2560x128xf32, #tpu.memory_space<vmem>>, vector<2560x128xf32>
    %reshape3A = vector.shape_cast %get3A_1 : vector<2560x128xf32> to vector<32x80x128xf32>
    %reduce_sum3A = arith.constant dense<0.000000e+00> : vector<80x128xf32>
    %reduce_sum3A_2 = vector.multi_reduction <add>, %reshape3A, %reduce_sum3A [0] : vector<32x80x128xf32> to vector<80x128xf32>
    %add3A = arith.constant 1.000000e+00 : f32
    %add3A_3 = vector.broadcast %add3A : f32 to vector<80x128xf32>
    %add3A_4 = arith.addf %reduce_sum3A_2, %add3A_3 : vector<80x128xf32>
    %sqrt3A = math.sqrt %add3A_4 : vector<80x128xf32>
    %div3A = arith.constant 1.000000e+00 : f32
    %div3A_5 = vector.broadcast %div3A : f32 to vector<80x128xf32>
    %div3A_6 = arith.divf %div3A_5, %sqrt3A : vector<80x128xf32>
    %swap3A = arith.constant 0 : index
    %swap3A_7 = arith.constant 0 : index
    %swap3A_8 = vector.load %arg2[%swap3A, %swap3A_7] : memref<80x128xf32, #tpu.memory_space<vmem>>, vector<80x128xf32>
    tpu.vector_store %arg2[%swap3A, %swap3A_7], %div3A_6 {strides = array<i32>} : memref<80x128xf32, #tpu.memory_space<vmem>>, vector<80x128xf32>,
    %get3A_9 = arith.constant 0 : index
    %get3A_10 = arith.constant 0 : index
    %get3A_11 = vector.load %arg1[%get3A_9, %get3A_10] : memref<160x128xf32, #tpu.memory_space<vmem>>, vector<160x128xf32>
    %convert_element_type3A = arith.truncf %get3A_11 : vector<160x128xf32> to vector<160x128xbf16>
    %convert_element_type3A_12 = arith.extf %convert_element_type3A : vector<160x128xbf16> to vector<160x128xf32>
    %swap3A_13 = arith.constant 0 : index
    %swap3A_14 = arith.constant 0 : index
    %swap3A_15 = vector.load %arg3[%swap3A_13, %swap3A_14] : memref<160x128xf32, #tpu.memory_space<vmem>>, vector<160x128xf32>
    tpu.vector_store %arg3[%swap3A_13, %swap3A_14], %convert_element_type3A_12 {strides = array<i32>} : memref<160x128xf32, #tpu.memory_space<vmem>>, vector<160x128xf32>,
    return
  }
}

module attributes {stable_mosaic.version = 14 : i64} {
  func.func @_final_body(%arg0: memref<2560x128xf32, #tpu.memory_space<vmem>>, %arg1: memref<2560x128xf32, #tpu.memory_space<vmem>>, %arg2: memref<80x128xf32, #tpu.memory_space<vmem>>, %arg3: memref<2x256xf32, #tpu.memory_space<vmem>>, %arg4: memref<1x256xf32, #tpu.memory_space<vmem>>, %arg5: memref<1x256xf32, #tpu.memory_space<vmem>>, %arg6: memref<1x256xf32, #tpu.memory_space<vmem>>, %arg7: memref<256x256xf32, #tpu.memory_space<vmem>>, %arg8: memref<1x256xf32, #tpu.memory_space<vmem>>, %arg9: memref<256x128xf32, #tpu.memory_space<vmem>>, %arg10: memref<1x128xf32, #tpu.memory_space<vmem>>, %arg11: memref<1x128xf32, #tpu.memory_space<vmem>>) attributes {dimension_semantics = [], scalar_prefetch = 0 : i64, scratch_operands = 0 : i64, tpu.core_type = #tpu.core_type<tc>} {
    %get3A = arith.constant 0 : index
    %get3A_0 = arith.constant 0 : index
    %get3A_1 = vector.load %arg0[%get3A, %get3A_0] : memref<2560x128xf32, #tpu.memory_space<vmem>>, vector<80x128xf32>
    %get3A_2 = arith.constant 0 : index
    %get3A_3 = arith.constant 0 : index
    %get3A_4 = vector.load %arg1[%get3A_2, %get3A_3] : memref<2560x128xf32, #tpu.memory_space<vmem>>, vector<80x128xf32>
    %get3A_5 = arith.constant 80 : index
    %get3A_6 = arith.constant 0 : index
    %get3A_7 = vector.load %arg0[%get3A_5, %get3A_6] : memref<2560x128xf32, #tpu.memory_space<vmem>>, vector<80x128xf32>
    %add3A = arith.addf %get3A_1, %get3A_7 : vector<80x128xf32>
    %get3A_8 = arith.constant 80 : index
    %get3A_9 = arith.constant 0 : index
    %get3A_10 = vector.load %arg1[%get3A_8, %get3A_9] : memref<2560x128xf32, #tpu.memory_space<vmem>>, vector<80x128xf32>
    %add3A_11 = arith.addf %get3A_4, %get3A_10 : vector<80x128xf32>
    %get3A_12 = arith.constant 160 : index
    %get3A_13 = arith.constant 0 : index
    %get3A_14 = vector.load %arg0[%get3A_12, %get3A_13] : memref<2560x128xf32, #tpu.memory_space<vmem>>, vector<80x128xf32>
    %add3A_15 = arith.addf %add3A, %get3A_14 : vector<80x128xf32>
    %get3A_16 = arith.constant 160 : index
    %get3A_17 = arith.constant 0 : index
    %get3A_18 = vector.load %arg1[%get3A_16, %get3A_17] : memref<2560x128xf32, #tpu.memory_space<vmem>>, vector<80x128xf32>
    %add3A_19 = arith.addf %add3A_11, %get3A_18 : vector<80x128xf32>
    %get3A_20 = arith.constant 240 : index
    %get3A_21 = arith.constant 0 : index
    %get3A_22 = vector.load %arg0[%get3A_20, %get3A_21] : memref<2560x128xf32, #tpu.memory_space<vmem>>, vector<80x128xf32>
    %add3A_23 = arith.addf %add3A_15, %get3A_22 : vector<80x128xf32>
    %get3A_24 = arith.constant 240 : index
    %get3A_25 = arith.constant 0 : index
    %get3A_26 = vector.load %arg1[%get3A_24, %get3A_25] : memref<2560x128xf32, #tpu.memory_space<vmem>>, vector<80x128xf32>
    %add3A_27 = arith.addf %add3A_19, %get3A_26 : vector<80x128xf32>
    %get3A_28 = arith.constant 320 : index
    %get3A_29 = arith.constant 0 : index
    %get3A_30 = vector.load %arg0[%get3A_28, %get3A_29] : memref<2560x128xf32, #tpu.memory_space<vmem>>, vector<80x128xf32>
    %add3A_31 = arith.addf %add3A_23, %get3A_30 : vector<80x128xf32>
    %get3A_32 = arith.constant 320 : index
    %get3A_33 = arith.constant 0 : index
    %get3A_34 = vector.load %arg1[%get3A_32, %get3A_33] : memref<2560x128xf32, #tpu.memory_space<vmem>>, vector<80x128xf32>
    %add3A_35 = arith.addf %add3A_27, %get3A_34 : vector<80x128xf32>
    %get3A_36 = arith.constant 400 : index
    %get3A_37 = arith.constant 0 : index
    %get3A_38 = vector.load %arg0[%get3A_36, %get3A_37] : memref<2560x128xf32, #tpu.memory_space<vmem>>, vector<80x128xf32>
    %add3A_39 = arith.addf %add3A_31, %get3A_38 : vector<80x128xf32>
    %get3A_40 = arith.constant 400 : index
    %get3A_41 = arith.constant 0 : index
    %get3A_42 = vector.load %arg1[%get3A_40, %get3A_41] : memref<2560x128xf32, #tpu.memory_space<vmem>>, vector<80x128xf32>
    %add3A_43 = arith.addf %add3A_35, %get3A_42 : vector<80x128xf32>
    %get3A_44 = arith.constant 480 : index
    %get3A_45 = arith.constant 0 : index
    %get3A_46 = vector.load %arg0[%get3A_44, %get3A_45] : memref<2560x128xf32, #tpu.memory_space<vmem>>, vector<80x128xf32>
    %add3A_47 = arith.addf %add3A_39, %get3A_46 : vector<80x128xf32>
    %get3A_48 = arith.constant 480 : index
    %get3A_49 = arith.constant 0 : index
    %get3A_50 = vector.load %arg1[%get3A_48, %get3A_49] : memref<2560x128xf32, #tpu.memory_space<vmem>>, vector<80x128xf32>
    %add3A_51 = arith.addf %add3A_43, %get3A_50 : vector<80x128xf32>
    %get3A_52 = arith.constant 560 : index
    %get3A_53 = arith.constant 0 : index
    %get3A_54 = vector.load %arg0[%get3A_52, %get3A_53] : memref<2560x128xf32, #tpu.memory_space<vmem>>, vector<80x128xf32>
    %add3A_55 = arith.addf %add3A_47, %get3A_54 : vector<80x128xf32>
    %get3A_56 = arith.constant 560 : index
    %get3A_57 = arith.constant 0 : index
    %get3A_58 = vector.load %arg1[%get3A_56, %get3A_57] : memref<2560x128xf32, #tpu.memory_space<vmem>>, vector<80x128xf32>
    %add3A_59 = arith.addf %add3A_51, %get3A_58 : vector<80x128xf32>
    %get3A_60 = arith.constant 640 : index
    %get3A_61 = arith.constant 0 : index
    %get3A_62 = vector.load %arg0[%get3A_60, %get3A_61] : memref<2560x128xf32, #tpu.memory_space<vmem>>, vector<80x128xf32>
    %add3A_63 = arith.addf %add3A_55, %get3A_62 : vector<80x128xf32>
    %get3A_64 = arith.constant 640 : index
    %get3A_65 = arith.constant 0 : index
    %get3A_66 = vector.load %arg1[%get3A_64, %get3A_65] : memref<2560x128xf32, #tpu.memory_space<vmem>>, vector<80x128xf32>
    %add3A_67 = arith.addf %add3A_59, %get3A_66 : vector<80x128xf32>
    %get3A_68 = arith.constant 720 : index
    %get3A_69 = arith.constant 0 : index
    %get3A_70 = vector.load %arg0[%get3A_68, %get3A_69] : memref<2560x128xf32, #tpu.memory_space<vmem>>, vector<80x128xf32>
    %add3A_71 = arith.addf %add3A_63, %get3A_70 : vector<80x128xf32>
    %get3A_72 = arith.constant 720 : index
    %get3A_73 = arith.constant 0 : index
    %get3A_74 = vector.load %arg1[%get3A_72, %get3A_73] : memref<2560x128xf32, #tpu.memory_space<vmem>>, vector<80x128xf32>
    %add3A_75 = arith.addf %add3A_67, %get3A_74 : vector<80x128xf32>
    %get3A_76 = arith.constant 800 : index
    %get3A_77 = arith.constant 0 : index
    %get3A_78 = vector.load %arg0[%get3A_76, %get3A_77] : memref<2560x128xf32, #tpu.memory_space<vmem>>, vector<80x128xf32>
    %add3A_79 = arith.addf %add3A_71, %get3A_78 : vector<80x128xf32>
    %get3A_80 = arith.constant 800 : index
    %get3A_81 = arith.constant 0 : index
    %get3A_82 = vector.load %arg1[%get3A_80, %get3A_81] : memref<2560x128xf32, #tpu.memory_space<vmem>>, vector<80x128xf32>
    %add3A_83 = arith.addf %add3A_75, %get3A_82 : vector<80x128xf32>
    %get3A_84 = arith.constant 880 : index
    %get3A_85 = arith.constant 0 : index
    %get3A_86 = vector.load %arg0[%get3A_84, %get3A_85] : memref<2560x128xf32, #tpu.memory_space<vmem>>, vector<80x128xf32>
    %add3A_87 = arith.addf %add3A_79, %get3A_86 : vector<80x128xf32>
    %get3A_88 = arith.constant 880 : index
    %get3A_89 = arith.constant 0 : index
    %get3A_90 = vector.load %arg1[%get3A_88, %get3A_89] : memref<2560x128xf32, #tpu.memory_space<vmem>>, vector<80x128xf32>
    %add3A_91 = arith.addf %add3A_83, %get3A_90 : vector<80x128xf32>
    %get3A_92 = arith.constant 960 : index
    %get3A_93 = arith.constant 0 : index
    %get3A_94 = vector.load %arg0[%get3A_92, %get3A_93] : memref<2560x128xf32, #tpu.memory_space<vmem>>, vector<80x128xf32>
    %add3A_95 = arith.addf %add3A_87, %get3A_94 : vector<80x128xf32>
    %get3A_96 = arith.constant 960 : index
    %get3A_97 = arith.constant 0 : index
    %get3A_98 = vector.load %arg1[%get3A_96, %get3A_97] : memref<2560x128xf32, #tpu.memory_space<vmem>>, vector<80x128xf32>
    %add3A_99 = arith.addf %add3A_91, %get3A_98 : vector<80x128xf32>
    %get3A_100 = arith.constant 1040 : index
    %get3A_101 = arith.constant 0 : index
    %get3A_102 = vector.load %arg0[%get3A_100, %get3A_101] : memref<2560x128xf32, #tpu.memory_space<vmem>>, vector<80x128xf32>
    %add3A_103 = arith.addf %add3A_95, %get3A_102 : vector<80x128xf32>
    %get3A_104 = arith.constant 1040 : index
    %get3A_105 = arith.constant 0 : index
    %get3A_106 = vector.load %arg1[%get3A_104, %get3A_105] : memref<2560x128xf32, #tpu.memory_space<vmem>>, vector<80x128xf32>
    %add3A_107 = arith.addf %add3A_99, %get3A_106 : vector<80x128xf32>
    %get3A_108 = arith.constant 1120 : index
    %get3A_109 = arith.constant 0 : index
    %get3A_110 = vector.load %arg0[%get3A_108, %get3A_109] : memref<2560x128xf32, #tpu.memory_space<vmem>>, vector<80x128xf32>
    %add3A_111 = arith.addf %add3A_103, %get3A_110 : vector<80x128xf32>
    %get3A_112 = arith.constant 1120 : index
    %get3A_113 = arith.constant 0 : index
    %get3A_114 = vector.load %arg1[%get3A_112, %get3A_113] : memref<2560x128xf32, #tpu.memory_space<vmem>>, vector<80x128xf32>
    %add3A_115 = arith.addf %add3A_107, %get3A_114 : vector<80x128xf32>
    %get3A_116 = arith.constant 1200 : index
    %get3A_117 = arith.constant 0 : index
    %get3A_118 = vector.load %arg0[%get3A_116, %get3A_117] : memref<2560x128xf32, #tpu.memory_space<vmem>>, vector<80x128xf32>
    %add3A_119 = arith.addf %add3A_111, %get3A_118 : vector<80x128xf32>
    %get3A_120 = arith.constant 1200 : index
    %get3A_121 = arith.constant 0 : index
    %get3A_122 = vector.load %arg1[%get3A_120, %get3A_121] : memref<2560x128xf32, #tpu.memory_space<vmem>>, vector<80x128xf32>
    %add3A_123 = arith.addf %add3A_115, %get3A_122 : vector<80x128xf32>
    %get3A_124 = arith.constant 1280 : index
    %get3A_125 = arith.constant 0 : index
    %get3A_126 = vector.load %arg0[%get3A_124, %get3A_125] : memref<2560x128xf32, #tpu.memory_space<vmem>>, vector<80x128xf32>
    %add3A_127 = arith.addf %add3A_119, %get3A_126 : vector<80x128xf32>
    %get3A_128 = arith.constant 1280 : index
    %get3A_129 = arith.constant 0 : index
    %get3A_130 = vector.load %arg1[%get3A_128, %get3A_129] : memref<2560x128xf32, #tpu.memory_space<vmem>>, vector<80x128xf32>
    %add3A_131 = arith.addf %add3A_123, %get3A_130 : vector<80x128xf32>
    %get3A_132 = arith.constant 1360 : index
    %get3A_133 = arith.constant 0 : index
    %get3A_134 = vector.load %arg0[%get3A_132, %get3A_133] : memref<2560x128xf32, #tpu.memory_space<vmem>>, vector<80x128xf32>
    %add3A_135 = arith.addf %add3A_127, %get3A_134 : vector<80x128xf32>
    %get3A_136 = arith.constant 1360 : index
    %get3A_137 = arith.constant 0 : index
    %get3A_138 = vector.load %arg1[%get3A_136, %get3A_137] : memref<2560x128xf32, #tpu.memory_space<vmem>>, vector<80x128xf32>
    %add3A_139 = arith.addf %add3A_131, %get3A_138 : vector<80x128xf32>
    %get3A_140 = arith.constant 1440 : index
    %get3A_141 = arith.constant 0 : index
    %get3A_142 = vector.load %arg0[%get3A_140, %get3A_141] : memref<2560x128xf32, #tpu.memory_space<vmem>>, vector<80x128xf32>
    %add3A_143 = arith.addf %add3A_135, %get3A_142 : vector<80x128xf32>
    %get3A_144 = arith.constant 1440 : index
    %get3A_145 = arith.constant 0 : index
    %get3A_146 = vector.load %arg1[%get3A_144, %get3A_145] : memref<2560x128xf32, #tpu.memory_space<vmem>>, vector<80x128xf32>
    %add3A_147 = arith.addf %add3A_139, %get3A_146 : vector<80x128xf32>
    %get3A_148 = arith.constant 1520 : index
    %get3A_149 = arith.constant 0 : index
    %get3A_150 = vector.load %arg0[%get3A_148, %get3A_149] : memref<2560x128xf32, #tpu.memory_space<vmem>>, vector<80x128xf32>
    %add3A_151 = arith.addf %add3A_143, %get3A_150 : vector<80x128xf32>
    %get3A_152 = arith.constant 1520 : index
    %get3A_153 = arith.constant 0 : index
    %get3A_154 = vector.load %arg1[%get3A_152, %get3A_153] : memref<2560x128xf32, #tpu.memory_space<vmem>>, vector<80x128xf32>
    %add3A_155 = arith.addf %add3A_147, %get3A_154 : vector<80x128xf32>
    %get3A_156 = arith.constant 1600 : index
    %get3A_157 = arith.constant 0 : index
    %get3A_158 = vector.load %arg0[%get3A_156, %get3A_157] : memref<2560x128xf32, #tpu.memory_space<vmem>>, vector<80x128xf32>
    %add3A_159 = arith.addf %add3A_151, %get3A_158 : vector<80x128xf32>
    %get3A_160 = arith.constant 1600 : index
    %get3A_161 = arith.constant 0 : index
    %get3A_162 = vector.load %arg1[%get3A_160, %get3A_161] : memref<2560x128xf32, #tpu.memory_space<vmem>>, vector<80x128xf32>
    %add3A_163 = arith.addf %add3A_155, %get3A_162 : vector<80x128xf32>
    %get3A_164 = arith.constant 1680 : index
    %get3A_165 = arith.constant 0 : index
    %get3A_166 = vector.load %arg0[%get3A_164, %get3A_165] : memref<2560x128xf32, #tpu.memory_space<vmem>>, vector<80x128xf32>
    %add3A_167 = arith.addf %add3A_159, %get3A_166 : vector<80x128xf32>
    %get3A_168 = arith.constant 1680 : index
    %get3A_169 = arith.constant 0 : index
    %get3A_170 = vector.load %arg1[%get3A_168, %get3A_169] : memref<2560x128xf32, #tpu.memory_space<vmem>>, vector<80x128xf32>
    %add3A_171 = arith.addf %add3A_163, %get3A_170 : vector<80x128xf32>
    %get3A_172 = arith.constant 1760 : index
    %get3A_173 = arith.constant 0 : index
    %get3A_174 = vector.load %arg0[%get3A_172, %get3A_173] : memref<2560x128xf32, #tpu.memory_space<vmem>>, vector<80x128xf32>
    %add3A_175 = arith.addf %add3A_167, %get3A_174 : vector<80x128xf32>
    %get3A_176 = arith.constant 1760 : index
    %get3A_177 = arith.constant 0 : index
    %get3A_178 = vector.load %arg1[%get3A_176, %get3A_177] : memref<2560x128xf32, #tpu.memory_space<vmem>>, vector<80x128xf32>
    %add3A_179 = arith.addf %add3A_171, %get3A_178 : vector<80x128xf32>
    %get3A_180 = arith.constant 1840 : index
    %get3A_181 = arith.constant 0 : index
    %get3A_182 = vector.load %arg0[%get3A_180, %get3A_181] : memref<2560x128xf32, #tpu.memory_space<vmem>>, vector<80x128xf32>
    %add3A_183 = arith.addf %add3A_175, %get3A_182 : vector<80x128xf32>
    %get3A_184 = arith.constant 1840 : index
    %get3A_185 = arith.constant 0 : index
    %get3A_186 = vector.load %arg1[%get3A_184, %get3A_185] : memref<2560x128xf32, #tpu.memory_space<vmem>>, vector<80x128xf32>
    %add3A_187 = arith.addf %add3A_179, %get3A_186 : vector<80x128xf32>
    %get3A_188 = arith.constant 1920 : index
    %get3A_189 = arith.constant 0 : index
    %get3A_190 = vector.load %arg0[%get3A_188, %get3A_189] : memref<2560x128xf32, #tpu.memory_space<vmem>>, vector<80x128xf32>
    %add3A_191 = arith.addf %add3A_183, %get3A_190 : vector<80x128xf32>
    %get3A_192 = arith.constant 1920 : index
    %get3A_193 = arith.constant 0 : index
    %get3A_194 = vector.load %arg1[%get3A_192, %get3A_193] : memref<2560x128xf32, #tpu.memory_space<vmem>>, vector<80x128xf32>
    %add3A_195 = arith.addf %add3A_187, %get3A_194 : vector<80x128xf32>
    %get3A_196 = arith.constant 2000 : index
    %get3A_197 = arith.constant 0 : index
    %get3A_198 = vector.load %arg0[%get3A_196, %get3A_197] : memref<2560x128xf32, #tpu.memory_space<vmem>>, vector<80x128xf32>
    %add3A_199 = arith.addf %add3A_191, %get3A_198 : vector<80x128xf32>
    %get3A_200 = arith.constant 2000 : index
    %get3A_201 = arith.constant 0 : index
    %get3A_202 = vector.load %arg1[%get3A_200, %get3A_201] : memref<2560x128xf32, #tpu.memory_space<vmem>>, vector<80x128xf32>
    %add3A_203 = arith.addf %add3A_195, %get3A_202 : vector<80x128xf32>
    %get3A_204 = arith.constant 2080 : index
    %get3A_205 = arith.constant 0 : index
    %get3A_206 = vector.load %arg0[%get3A_204, %get3A_205] : memref<2560x128xf32, #tpu.memory_space<vmem>>, vector<80x128xf32>
    %add3A_207 = arith.addf %add3A_199, %get3A_206 : vector<80x128xf32>
    %get3A_208 = arith.constant 2080 : index
    %get3A_209 = arith.constant 0 : index
    %get3A_210 = vector.load %arg1[%get3A_208, %get3A_209] : memref<2560x128xf32, #tpu.memory_space<vmem>>, vector<80x128xf32>
    %add3A_211 = arith.addf %add3A_203, %get3A_210 : vector<80x128xf32>
    %get3A_212 = arith.constant 2160 : index
    %get3A_213 = arith.constant 0 : index
    %get3A_214 = vector.load %arg0[%get3A_212, %get3A_213] : memref<2560x128xf32, #tpu.memory_space<vmem>>, vector<80x128xf32>
    %add3A_215 = arith.addf %add3A_207, %get3A_214 : vector<80x128xf32>
    %get3A_216 = arith.constant 2160 : index
    %get3A_217 = arith.constant 0 : index
    %get3A_218 = vector.load %arg1[%get3A_216, %get3A_217] : memref<2560x128xf32, #tpu.memory_space<vmem>>, vector<80x128xf32>
    %add3A_219 = arith.addf %add3A_211, %get3A_218 : vector<80x128xf32>
    %get3A_220 = arith.constant 2240 : index
    %get3A_221 = arith.constant 0 : index
    %get3A_222 = vector.load %arg0[%get3A_220, %get3A_221] : memref<2560x128xf32, #tpu.memory_space<vmem>>, vector<80x128xf32>
    %add3A_223 = arith.addf %add3A_215, %get3A_222 : vector<80x128xf32>
    %get3A_224 = arith.constant 2240 : index
    %get3A_225 = arith.constant 0 : index
    %get3A_226 = vector.load %arg1[%get3A_224, %get3A_225] : memref<2560x128xf32, #tpu.memory_space<vmem>>, vector<80x128xf32>
    %add3A_227 = arith.addf %add3A_219, %get3A_226 : vector<80x128xf32>
    %get3A_228 = arith.constant 2320 : index
    %get3A_229 = arith.constant 0 : index
    %get3A_230 = vector.load %arg0[%get3A_228, %get3A_229] : memref<2560x128xf32, #tpu.memory_space<vmem>>, vector<80x128xf32>
    %add3A_231 = arith.addf %add3A_223, %get3A_230 : vector<80x128xf32>
    %get3A_232 = arith.constant 2320 : index
    %get3A_233 = arith.constant 0 : index
    %get3A_234 = vector.load %arg1[%get3A_232, %get3A_233] : memref<2560x128xf32, #tpu.memory_space<vmem>>, vector<80x128xf32>
    %add3A_235 = arith.addf %add3A_227, %get3A_234 : vector<80x128xf32>
    %get3A_236 = arith.constant 2400 : index
    %get3A_237 = arith.constant 0 : index
    %get3A_238 = vector.load %arg0[%get3A_236, %get3A_237] : memref<2560x128xf32, #tpu.memory_space<vmem>>, vector<80x128xf32>
    %add3A_239 = arith.addf %add3A_231, %get3A_238 : vector<80x128xf32>
    %get3A_240 = arith.constant 2400 : index
    %get3A_241 = arith.constant 0 : index
    %get3A_242 = vector.load %arg1[%get3A_240, %get3A_241] : memref<2560x128xf32, #tpu.memory_space<vmem>>, vector<80x128xf32>
    %add3A_243 = arith.addf %add3A_235, %get3A_242 : vector<80x128xf32>
    %get3A_244 = arith.constant 2480 : index
    %get3A_245 = arith.constant 0 : index
    %get3A_246 = vector.load %arg0[%get3A_244, %get3A_245] : memref<2560x128xf32, #tpu.memory_space<vmem>>, vector<80x128xf32>
    %add3A_247 = arith.addf %add3A_239, %get3A_246 : vector<80x128xf32>
    %get3A_248 = arith.constant 2480 : index
    %get3A_249 = arith.constant 0 : index
    %get3A_250 = vector.load %arg1[%get3A_248, %get3A_249] : memref<2560x128xf32, #tpu.memory_space<vmem>>, vector<80x128xf32>
    %add3A_251 = arith.addf %add3A_243, %get3A_250 : vector<80x128xf32>
    %get3A_252 = arith.constant 0 : index
    %get3A_253 = arith.constant 0 : index
    %get3A_254 = vector.load %arg2[%get3A_252, %get3A_253] : memref<80x128xf32, #tpu.memory_space<vmem>>, vector<80x128xf32>
    %get3A_255 = arith.constant 0 : index
    %get3A_256 = arith.constant 0 : index
    %get3A_257 = vector.load %arg3[%get3A_255, %get3A_256] : memref<2x256xf32, #tpu.memory_space<vmem>>, vector<2x256xf32>
    %convert_element_type3A = arith.truncf %get3A_257 : vector<2x256xf32> to vector<2x256xbf16>
    %convert_element_type3A_258 = arith.extf %convert_element_type3A : vector<2x256xbf16> to vector<2x256xf32>
    %broadcast_in_dim3A = arith.constant 0.000000e+00 : f32
    %broadcast_in_dim3A_259 = vector.broadcast %broadcast_in_dim3A : f32 to vector<1x256xf32>
    %slice3A = vector.extract_strided_slice %add3A_247 {offsets = [0, 0], sizes = [8, 128], strides = [1, 1]} : vector<80x128xf32> to vector<8x128xf32>
    %reshape3A = vector.shape_cast %slice3A : vector<8x128xf32> to vector<1024xf32>
    %slice3A_260 = vector.extract_strided_slice %add3A_251 {offsets = [0, 0], sizes = [8, 128], strides = [1, 1]} : vector<80x128xf32> to vector<8x128xf32>
    %reshape3A_261 = vector.shape_cast %slice3A_260 : vector<8x128xf32> to vector<1024xf32>
    %slice3A_262 = vector.extract_strided_slice %get3A_254 {offsets = [0, 0], sizes = [8, 128], strides = [1, 1]} : vector<80x128xf32> to vector<8x128xf32>
    %reshape3A_263 = vector.shape_cast %slice3A_262 : vector<8x128xf32> to vector<1024xf32>
    %mul3A = arith.mulf %reshape3A, %reshape3A_263 : vector<1024xf32>
    %broadcast_in_dim3A_264 = vector.shape_cast %mul3A : vector<1024xf32> to vector<1024x1xf32>
    %slice3A_265 = vector.extract_strided_slice %convert_element_type3A_258 {offsets = [0, 0], sizes = [1, 256], strides = [1, 1]} : vector<2x256xf32> to vector<1x256xf32>
    %squeeze3A = vector.shape_cast %slice3A_265 : vector<1x256xf32> to vector<256xf32>
    %broadcast_in_dim3A_266 = vector.shape_cast %squeeze3A : vector<256xf32> to vector<1x256xf32>
    %mul3A_267 = vector.broadcast %broadcast_in_dim3A_264 : vector<1024x1xf32> to vector<1024x256xf32>
    %mul3A_268 = vector.broadcast %broadcast_in_dim3A_266 : vector<1x256xf32> to vector<1024x256xf32>
    %mul3A_269 = arith.mulf %mul3A_267, %mul3A_268 : vector<1024x256xf32>
    %mul3A_270 = arith.mulf %reshape3A_261, %reshape3A_263 : vector<1024xf32>
    %broadcast_in_dim3A_271 = vector.shape_cast %mul3A_270 : vector<1024xf32> to vector<1024x1xf32>
    %slice3A_272 = vector.extract_strided_slice %convert_element_type3A_258 {offsets = [1, 0], sizes = [1, 256], strides = [1, 1]} : vector<2x256xf32> to vector<1x256xf32>
    %squeeze3A_273 = vector.shape_cast %slice3A_272 : vector<1x256xf32> to vector<256xf32>
    %broadcast_in_dim3A_274 = vector.shape_cast %squeeze3A_273 : vector<256xf32> to vector<1x256xf32>
    %mul3A_275 = vector.broadcast %broadcast_in_dim3A_271 : vector<1024x1xf32> to vector<1024x256xf32>
    %mul3A_276 = vector.broadcast %broadcast_in_dim3A_274 : vector<1x256xf32> to vector<1024x256xf32>
    %mul3A_277 = arith.mulf %mul3A_275, %mul3A_276 : vector<1024x256xf32>
    %add3A_278 = arith.addf %mul3A_269, %mul3A_277 : vector<1024x256xf32>
    %get3A_279 = arith.constant 0 : index
    %get3A_280 = arith.constant 0 : index
    %get3A_281 = vector.load %arg4[%get3A_279, %get3A_280] : memref<1x256xf32, #tpu.memory_space<vmem>>, vector<1x256xf32>
    %add3A_282 = vector.broadcast %get3A_281 : vector<1x256xf32> to vector<1024x256xf32>
    %add3A_283 = arith.addf %add3A_278, %add3A_282 : vector<1024x256xf32>
    %max3A = arith.constant 0.000000e+00 : f32
    %max3A_284 = vector.broadcast %max3A : f32 to vector<1024x256xf32>
    %max3A_285 = arith.maximumf %add3A_283, %max3A_284 : vector<1024x256xf32>
    %reduce_sum3A = arith.constant dense<0.000000e+00> : vector<1024xf32>
    %reduce_sum3A_286 = vector.multi_reduction <add>, %max3A_285, %reduce_sum3A [1] : vector<1024x256xf32> to vector<1024xf32>
    %broadcast_in_dim3A_287 = vector.shape_cast %reduce_sum3A_286 : vector<1024xf32> to vector<1024x1xf32>
    %div3A = arith.constant 2.560000e+02 : f32
    %div3A_288 = vector.broadcast %div3A : f32 to vector<1024x1xf32>
    %div3A_289 = arith.divf %broadcast_in_dim3A_287, %div3A_288 : vector<1024x1xf32>
    %sub3A = vector.broadcast %div3A_289 : vector<1024x1xf32> to vector<1024x256xf32>
    %sub3A_290 = arith.subf %max3A_285, %sub3A : vector<1024x256xf32>
    %mul3A_291 = arith.mulf %sub3A_290, %sub3A_290 : vector<1024x256xf32>
    %reduce_sum3A_292 = arith.constant dense<0.000000e+00> : vector<1024xf32>
    %reduce_sum3A_293 = vector.multi_reduction <add>, %mul3A_291, %reduce_sum3A_292 [1] : vector<1024x256xf32> to vector<1024xf32>
    %broadcast_in_dim3A_294 = vector.shape_cast %reduce_sum3A_293 : vector<1024xf32> to vector<1024x1xf32>
    %div3A_295 = arith.constant 2.560000e+02 : f32
    %div3A_296 = vector.broadcast %div3A_295 : f32 to vector<1024x1xf32>
    %div3A_297 = arith.divf %broadcast_in_dim3A_294, %div3A_296 : vector<1024x1xf32>
    %add3A_298 = arith.constant 9.99999974E-6 : f32
    %add3A_299 = vector.broadcast %add3A_298 : f32 to vector<1024x1xf32>
    %add3A_300 = arith.addf %div3A_297, %add3A_299 : vector<1024x1xf32>
    %sqrt3A = math.sqrt %add3A_300 : vector<1024x1xf32>
    %div3A_301 = vector.broadcast %sqrt3A : vector<1024x1xf32> to vector<1024x256xf32>
    %div3A_302 = arith.divf %sub3A_290, %div3A_301 : vector<1024x256xf32>
    %get3A_303 = arith.constant 0 : index
    %get3A_304 = arith.constant 0 : index
    %get3A_305 = vector.load %arg5[%get3A_303, %get3A_304] : memref<1x256xf32, #tpu.memory_space<vmem>>, vector<1x256xf32>
    %mul3A_306 = vector.broadcast %get3A_305 : vector<1x256xf32> to vector<1024x256xf32>
    %mul3A_307 = arith.mulf %div3A_302, %mul3A_306 : vector<1024x256xf32>
    %get3A_308 = arith.constant 0 : index
    %get3A_309 = arith.constant 0 : index
    %get3A_310 = vector.load %arg6[%get3A_308, %get3A_309] : memref<1x256xf32, #tpu.memory_space<vmem>>, vector<1x256xf32>
    %add3A_311 = vector.broadcast %get3A_310 : vector<1x256xf32> to vector<1024x256xf32>
    %add3A_312 = arith.addf %mul3A_307, %add3A_311 : vector<1024x256xf32>
    %iota3A = tpu.iota {dimensions = array<i32: 0>} : vector<1024x1xi32>
    %add3A_313 = arith.constant 0 : i32
    %add3A_314 = vector.broadcast %add3A_313 : i32 to vector<1024x1xi32>
    %add3A_315 = arith.addi %add3A_314, %iota3A : vector<1024x1xi32>
    %lt3A = arith.constant 10000 : i32
    %lt3A_316 = vector.broadcast %lt3A : i32 to vector<1024x1xi32>
    %lt3A_317 = arith.cmpi slt, %add3A_315, %lt3A_316 : vector<1024x1xi32>
    %jit3A = arith.constant 0.000000e+00 : f32
    %broadcast_in_dim3A_318 = vector.shape_cast %lt3A_317 : vector<1024x1xi1> to vector<1024x1xi1>
    %broadcast_in_dim3A_319 = vector.broadcast %broadcast_in_dim3A_318 : vector<1024x1xi1> to vector<1024x256xi1>
    %broadcast_in_dim3A_320 = vector.broadcast %jit3A : f32 to vector<1024x256xf32>
    %select_n3A = arith.select %broadcast_in_dim3A_319, %add3A_312, %broadcast_in_dim3A_320 : vector<1024x256xi1>, vector<1024x256xf32>
    %reduce_sum3A_321 = arith.constant dense<0.000000e+00> : vector<256xf32>
    %reduce_sum3A_322 = vector.multi_reduction <add>, %select_n3A, %reduce_sum3A_321 [0] : vector<1024x256xf32> to vector<256xf32>
    %broadcast_in_dim3A_323 = vector.shape_cast %reduce_sum3A_322 : vector<256xf32> to vector<1x256xf32>
    %add3A_324 = arith.addf %broadcast_in_dim3A_259, %broadcast_in_dim3A_323 : vector<1x256xf32>
    %slice3A_325 = vector.extract_strided_slice %add3A_247 {offsets = [8, 0], sizes = [8, 128], strides = [1, 1]} : vector<80x128xf32> to vector<8x128xf32>
    %reshape3A_326 = vector.shape_cast %slice3A_325 : vector<8x128xf32> to vector<1024xf32>
    %slice3A_327 = vector.extract_strided_slice %add3A_251 {offsets = [8, 0], sizes = [8, 128], strides = [1, 1]} : vector<80x128xf32> to vector<8x128xf32>
    %reshape3A_328 = vector.shape_cast %slice3A_327 : vector<8x128xf32> to vector<1024xf32>
    %slice3A_329 = vector.extract_strided_slice %get3A_254 {offsets = [8, 0], sizes = [8, 128], strides = [1, 1]} : vector<80x128xf32> to vector<8x128xf32>
    %reshape3A_330 = vector.shape_cast %slice3A_329 : vector<8x128xf32> to vector<1024xf32>
    %mul3A_331 = arith.mulf %reshape3A_326, %reshape3A_330 : vector<1024xf32>
    %broadcast_in_dim3A_332 = vector.shape_cast %mul3A_331 : vector<1024xf32> to vector<1024x1xf32>
    %slice3A_333 = vector.extract_strided_slice %convert_element_type3A_258 {offsets = [0, 0], sizes = [1, 256], strides = [1, 1]} : vector<2x256xf32> to vector<1x256xf32>
    %squeeze3A_334 = vector.shape_cast %slice3A_333 : vector<1x256xf32> to vector<256xf32>
    %broadcast_in_dim3A_335 = vector.shape_cast %squeeze3A_334 : vector<256xf32> to vector<1x256xf32>
    %mul3A_336 = vector.broadcast %broadcast_in_dim3A_332 : vector<1024x1xf32> to vector<1024x256xf32>
    %mul3A_337 = vector.broadcast %broadcast_in_dim3A_335 : vector<1x256xf32> to vector<1024x256xf32>
    %mul3A_338 = arith.mulf %mul3A_336, %mul3A_337 : vector<1024x256xf32>
    %mul3A_339 = arith.mulf %reshape3A_328, %reshape3A_330 : vector<1024xf32>
    %broadcast_in_dim3A_340 = vector.shape_cast %mul3A_339 : vector<1024xf32> to vector<1024x1xf32>
    %slice3A_341 = vector.extract_strided_slice %convert_element_type3A_258 {offsets = [1, 0], sizes = [1, 256], strides = [1, 1]} : vector<2x256xf32> to vector<1x256xf32>
    %squeeze3A_342 = vector.shape_cast %slice3A_341 : vector<1x256xf32> to vector<256xf32>
    %broadcast_in_dim3A_343 = vector.shape_cast %squeeze3A_342 : vector<256xf32> to vector<1x256xf32>
    %mul3A_344 = vector.broadcast %broadcast_in_dim3A_340 : vector<1024x1xf32> to vector<1024x256xf32>
    %mul3A_345 = vector.broadcast %broadcast_in_dim3A_343 : vector<1x256xf32> to vector<1024x256xf32>
    %mul3A_346 = arith.mulf %mul3A_344, %mul3A_345 : vector<1024x256xf32>
    %add3A_347 = arith.addf %mul3A_338, %mul3A_346 : vector<1024x256xf32>
    %get3A_348 = arith.constant 0 : index
    %get3A_349 = arith.constant 0 : index
    %get3A_350 = vector.load %arg4[%get3A_348, %get3A_349] : memref<1x256xf32, #tpu.memory_space<vmem>>, vector<1x256xf32>
    %add3A_351 = vector.broadcast %get3A_350 : vector<1x256xf32> to vector<1024x256xf32>
    %add3A_352 = arith.addf %add3A_347, %add3A_351 : vector<1024x256xf32>
    %max3A_353 = arith.constant 0.000000e+00 : f32
    %max3A_354 = vector.broadcast %max3A_353 : f32 to vector<1024x256xf32>
    %max3A_355 = arith.maximumf %add3A_352, %max3A_354 : vector<1024x256xf32>
    %reduce_sum3A_356 = arith.constant dense<0.000000e+00> : vector<1024xf32>
    %reduce_sum3A_357 = vector.multi_reduction <add>, %max3A_355, %reduce_sum3A_356 [1] : vector<1024x256xf32> to vector<1024xf32>
    %broadcast_in_dim3A_358 = vector.shape_cast %reduce_sum3A_357 : vector<1024xf32> to vector<1024x1xf32>
    %div3A_359 = arith.constant 2.560000e+02 : f32
    %div3A_360 = vector.broadcast %div3A_359 : f32 to vector<1024x1xf32>
    %div3A_361 = arith.divf %broadcast_in_dim3A_358, %div3A_360 : vector<1024x1xf32>
    %sub3A_362 = vector.broadcast %div3A_361 : vector<1024x1xf32> to vector<1024x256xf32>
    %sub3A_363 = arith.subf %max3A_355, %sub3A_362 : vector<1024x256xf32>
    %mul3A_364 = arith.mulf %sub3A_363, %sub3A_363 : vector<1024x256xf32>
    %reduce_sum3A_365 = arith.constant dense<0.000000e+00> : vector<1024xf32>
    %reduce_sum3A_366 = vector.multi_reduction <add>, %mul3A_364, %reduce_sum3A_365 [1] : vector<1024x256xf32> to vector<1024xf32>
    %broadcast_in_dim3A_367 = vector.shape_cast %reduce_sum3A_366 : vector<1024xf32> to vector<1024x1xf32>
    %div3A_368 = arith.constant 2.560000e+02 : f32
    %div3A_369 = vector.broadcast %div3A_368 : f32 to vector<1024x1xf32>
    %div3A_370 = arith.divf %broadcast_in_dim3A_367, %div3A_369 : vector<1024x1xf32>
    %add3A_371 = arith.constant 9.99999974E-6 : f32
    %add3A_372 = vector.broadcast %add3A_371 : f32 to vector<1024x1xf32>
    %add3A_373 = arith.addf %div3A_370, %add3A_372 : vector<1024x1xf32>
    %sqrt3A_374 = math.sqrt %add3A_373 : vector<1024x1xf32>
    %div3A_375 = vector.broadcast %sqrt3A_374 : vector<1024x1xf32> to vector<1024x256xf32>
    %div3A_376 = arith.divf %sub3A_363, %div3A_375 : vector<1024x256xf32>
    %get3A_377 = arith.constant 0 : index
    %get3A_378 = arith.constant 0 : index
    %get3A_379 = vector.load %arg5[%get3A_377, %get3A_378] : memref<1x256xf32, #tpu.memory_space<vmem>>, vector<1x256xf32>
    %mul3A_380 = vector.broadcast %get3A_379 : vector<1x256xf32> to vector<1024x256xf32>
    %mul3A_381 = arith.mulf %div3A_376, %mul3A_380 : vector<1024x256xf32>
    %get3A_382 = arith.constant 0 : index
    %get3A_383 = arith.constant 0 : index
    %get3A_384 = vector.load %arg6[%get3A_382, %get3A_383] : memref<1x256xf32, #tpu.memory_space<vmem>>, vector<1x256xf32>
    %add3A_385 = vector.broadcast %get3A_384 : vector<1x256xf32> to vector<1024x256xf32>
    %add3A_386 = arith.addf %mul3A_381, %add3A_385 : vector<1024x256xf32>
    %iota3A_387 = tpu.iota {dimensions = array<i32: 0>} : vector<1024x1xi32>
    %add3A_388 = arith.constant 1024 : i32
    %add3A_389 = vector.broadcast %add3A_388 : i32 to vector<1024x1xi32>
    %add3A_390 = arith.addi %add3A_389, %iota3A_387 : vector<1024x1xi32>
    %lt3A_391 = arith.constant 10000 : i32
    %lt3A_392 = vector.broadcast %lt3A_391 : i32 to vector<1024x1xi32>
    %lt3A_393 = arith.cmpi slt, %add3A_390, %lt3A_392 : vector<1024x1xi32>
    %jit3A_394 = arith.constant 0.000000e+00 : f32
    %broadcast_in_dim3A_395 = vector.shape_cast %lt3A_393 : vector<1024x1xi1> to vector<1024x1xi1>
    %broadcast_in_dim3A_396 = vector.broadcast %broadcast_in_dim3A_395 : vector<1024x1xi1> to vector<1024x256xi1>
    %broadcast_in_dim3A_397 = vector.broadcast %jit3A_394 : f32 to vector<1024x256xf32>
    %select_n3A_398 = arith.select %broadcast_in_dim3A_396, %add3A_386, %broadcast_in_dim3A_397 : vector<1024x256xi1>, vector<1024x256xf32>
    %reduce_sum3A_399 = arith.constant dense<0.000000e+00> : vector<256xf32>
    %reduce_sum3A_400 = vector.multi_reduction <add>, %select_n3A_398, %reduce_sum3A_399 [0] : vector<1024x256xf32> to vector<256xf32>
    %broadcast_in_dim3A_401 = vector.shape_cast %reduce_sum3A_400 : vector<256xf32> to vector<1x256xf32>
    %add3A_402 = arith.addf %add3A_324, %broadcast_in_dim3A_401 : vector<1x256xf32>
    %slice3A_403 = vector.extract_strided_slice %add3A_247 {offsets = [16, 0], sizes = [8, 128], strides = [1, 1]} : vector<80x128xf32> to vector<8x128xf32>
    %reshape3A_404 = vector.shape_cast %slice3A_403 : vector<8x128xf32> to vector<1024xf32>
    %slice3A_405 = vector.extract_strided_slice %add3A_251 {offsets = [16, 0], sizes = [8, 128], strides = [1, 1]} : vector<80x128xf32> to vector<8x128xf32>
    %reshape3A_406 = vector.shape_cast %slice3A_405 : vector<8x128xf32> to vector<1024xf32>
    %slice3A_407 = vector.extract_strided_slice %get3A_254 {offsets = [16, 0], sizes = [8, 128], strides = [1, 1]} : vector<80x128xf32> to vector<8x128xf32>
    %reshape3A_408 = vector.shape_cast %slice3A_407 : vector<8x128xf32> to vector<1024xf32>
    %mul3A_409 = arith.mulf %reshape3A_404, %reshape3A_408 : vector<1024xf32>
    %broadcast_in_dim3A_410 = vector.shape_cast %mul3A_409 : vector<1024xf32> to vector<1024x1xf32>
    %slice3A_411 = vector.extract_strided_slice %convert_element_type3A_258 {offsets = [0, 0], sizes = [1, 256], strides = [1, 1]} : vector<2x256xf32> to vector<1x256xf32>
    %squeeze3A_412 = vector.shape_cast %slice3A_411 : vector<1x256xf32> to vector<256xf32>
    %broadcast_in_dim3A_413 = vector.shape_cast %squeeze3A_412 : vector<256xf32> to vector<1x256xf32>
    %mul3A_414 = vector.broadcast %broadcast_in_dim3A_410 : vector<1024x1xf32> to vector<1024x256xf32>
    %mul3A_415 = vector.broadcast %broadcast_in_dim3A_413 : vector<1x256xf32> to vector<1024x256xf32>
    %mul3A_416 = arith.mulf %mul3A_414, %mul3A_415 : vector<1024x256xf32>
    %mul3A_417 = arith.mulf %reshape3A_406, %reshape3A_408 : vector<1024xf32>
    %broadcast_in_dim3A_418 = vector.shape_cast %mul3A_417 : vector<1024xf32> to vector<1024x1xf32>
    %slice3A_419 = vector.extract_strided_slice %convert_element_type3A_258 {offsets = [1, 0], sizes = [1, 256], strides = [1, 1]} : vector<2x256xf32> to vector<1x256xf32>
    %squeeze3A_420 = vector.shape_cast %slice3A_419 : vector<1x256xf32> to vector<256xf32>
    %broadcast_in_dim3A_421 = vector.shape_cast %squeeze3A_420 : vector<256xf32> to vector<1x256xf32>
    %mul3A_422 = vector.broadcast %broadcast_in_dim3A_418 : vector<1024x1xf32> to vector<1024x256xf32>
    %mul3A_423 = vector.broadcast %broadcast_in_dim3A_421 : vector<1x256xf32> to vector<1024x256xf32>
    %mul3A_424 = arith.mulf %mul3A_422, %mul3A_423 : vector<1024x256xf32>
    %add3A_425 = arith.addf %mul3A_416, %mul3A_424 : vector<1024x256xf32>
    %get3A_426 = arith.constant 0 : index
    %get3A_427 = arith.constant 0 : index
    %get3A_428 = vector.load %arg4[%get3A_426, %get3A_427] : memref<1x256xf32, #tpu.memory_space<vmem>>, vector<1x256xf32>
    %add3A_429 = vector.broadcast %get3A_428 : vector<1x256xf32> to vector<1024x256xf32>
    %add3A_430 = arith.addf %add3A_425, %add3A_429 : vector<1024x256xf32>
    %max3A_431 = arith.constant 0.000000e+00 : f32
    %max3A_432 = vector.broadcast %max3A_431 : f32 to vector<1024x256xf32>
    %max3A_433 = arith.maximumf %add3A_430, %max3A_432 : vector<1024x256xf32>
    %reduce_sum3A_434 = arith.constant dense<0.000000e+00> : vector<1024xf32>
    %reduce_sum3A_435 = vector.multi_reduction <add>, %max3A_433, %reduce_sum3A_434 [1] : vector<1024x256xf32> to vector<1024xf32>
    %broadcast_in_dim3A_436 = vector.shape_cast %reduce_sum3A_435 : vector<1024xf32> to vector<1024x1xf32>
    %div3A_437 = arith.constant 2.560000e+02 : f32
    %div3A_438 = vector.broadcast %div3A_437 : f32 to vector<1024x1xf32>
    %div3A_439 = arith.divf %broadcast_in_dim3A_436, %div3A_438 : vector<1024x1xf32>
    %sub3A_440 = vector.broadcast %div3A_439 : vector<1024x1xf32> to vector<1024x256xf32>
    %sub3A_441 = arith.subf %max3A_433, %sub3A_440 : vector<1024x256xf32>
    %mul3A_442 = arith.mulf %sub3A_441, %sub3A_441 : vector<1024x256xf32>
    %reduce_sum3A_443 = arith.constant dense<0.000000e+00> : vector<1024xf32>
    %reduce_sum3A_444 = vector.multi_reduction <add>, %mul3A_442, %reduce_sum3A_443 [1] : vector<1024x256xf32> to vector<1024xf32>
    %broadcast_in_dim3A_445 = vector.shape_cast %reduce_sum3A_444 : vector<1024xf32> to vector<1024x1xf32>
    %div3A_446 = arith.constant 2.560000e+02 : f32
    %div3A_447 = vector.broadcast %div3A_446 : f32 to vector<1024x1xf32>
    %div3A_448 = arith.divf %broadcast_in_dim3A_445, %div3A_447 : vector<1024x1xf32>
    %add3A_449 = arith.constant 9.99999974E-6 : f32
    %add3A_450 = vector.broadcast %add3A_449 : f32 to vector<1024x1xf32>
    %add3A_451 = arith.addf %div3A_448, %add3A_450 : vector<1024x1xf32>
    %sqrt3A_452 = math.sqrt %add3A_451 : vector<1024x1xf32>
    %div3A_453 = vector.broadcast %sqrt3A_452 : vector<1024x1xf32> to vector<1024x256xf32>
    %div3A_454 = arith.divf %sub3A_441, %div3A_453 : vector<1024x256xf32>
    %get3A_455 = arith.constant 0 : index
    %get3A_456 = arith.constant 0 : index
    %get3A_457 = vector.load %arg5[%get3A_455, %get3A_456] : memref<1x256xf32, #tpu.memory_space<vmem>>, vector<1x256xf32>
    %mul3A_458 = vector.broadcast %get3A_457 : vector<1x256xf32> to vector<1024x256xf32>
    %mul3A_459 = arith.mulf %div3A_454, %mul3A_458 : vector<1024x256xf32>
    %get3A_460 = arith.constant 0 : index
    %get3A_461 = arith.constant 0 : index
    %get3A_462 = vector.load %arg6[%get3A_460, %get3A_461] : memref<1x256xf32, #tpu.memory_space<vmem>>, vector<1x256xf32>
    %add3A_463 = vector.broadcast %get3A_462 : vector<1x256xf32> to vector<1024x256xf32>
    %add3A_464 = arith.addf %mul3A_459, %add3A_463 : vector<1024x256xf32>
    %iota3A_465 = tpu.iota {dimensions = array<i32: 0>} : vector<1024x1xi32>
    %add3A_466 = arith.constant 2048 : i32
    %add3A_467 = vector.broadcast %add3A_466 : i32 to vector<1024x1xi32>
    %add3A_468 = arith.addi %add3A_467, %iota3A_465 : vector<1024x1xi32>
    %lt3A_469 = arith.constant 10000 : i32
    %lt3A_470 = vector.broadcast %lt3A_469 : i32 to vector<1024x1xi32>
    %lt3A_471 = arith.cmpi slt, %add3A_468, %lt3A_470 : vector<1024x1xi32>
    %jit3A_472 = arith.constant 0.000000e+00 : f32
    %broadcast_in_dim3A_473 = vector.shape_cast %lt3A_471 : vector<1024x1xi1> to vector<1024x1xi1>
    %broadcast_in_dim3A_474 = vector.broadcast %broadcast_in_dim3A_473 : vector<1024x1xi1> to vector<1024x256xi1>
    %broadcast_in_dim3A_475 = vector.broadcast %jit3A_472 : f32 to vector<1024x256xf32>
    %select_n3A_476 = arith.select %broadcast_in_dim3A_474, %add3A_464, %broadcast_in_dim3A_475 : vector<1024x256xi1>, vector<1024x256xf32>
    %reduce_sum3A_477 = arith.constant dense<0.000000e+00> : vector<256xf32>
    %reduce_sum3A_478 = vector.multi_reduction <add>, %select_n3A_476, %reduce_sum3A_477 [0] : vector<1024x256xf32> to vector<256xf32>
    %broadcast_in_dim3A_479 = vector.shape_cast %reduce_sum3A_478 : vector<256xf32> to vector<1x256xf32>
    %add3A_480 = arith.addf %add3A_402, %broadcast_in_dim3A_479 : vector<1x256xf32>
    %slice3A_481 = vector.extract_strided_slice %add3A_247 {offsets = [24, 0], sizes = [8, 128], strides = [1, 1]} : vector<80x128xf32> to vector<8x128xf32>
    %reshape3A_482 = vector.shape_cast %slice3A_481 : vector<8x128xf32> to vector<1024xf32>
    %slice3A_483 = vector.extract_strided_slice %add3A_251 {offsets = [24, 0], sizes = [8, 128], strides = [1, 1]} : vector<80x128xf32> to vector<8x128xf32>
    %reshape3A_484 = vector.shape_cast %slice3A_483 : vector<8x128xf32> to vector<1024xf32>
    %slice3A_485 = vector.extract_strided_slice %get3A_254 {offsets = [24, 0], sizes = [8, 128], strides = [1, 1]} : vector<80x128xf32> to vector<8x128xf32>
    %reshape3A_486 = vector.shape_cast %slice3A_485 : vector<8x128xf32> to vector<1024xf32>
    %mul3A_487 = arith.mulf %reshape3A_482, %reshape3A_486 : vector<1024xf32>
    %broadcast_in_dim3A_488 = vector.shape_cast %mul3A_487 : vector<1024xf32> to vector<1024x1xf32>
    %slice3A_489 = vector.extract_strided_slice %convert_element_type3A_258 {offsets = [0, 0], sizes = [1, 256], strides = [1, 1]} : vector<2x256xf32> to vector<1x256xf32>
    %squeeze3A_490 = vector.shape_cast %slice3A_489 : vector<1x256xf32> to vector<256xf32>
    %broadcast_in_dim3A_491 = vector.shape_cast %squeeze3A_490 : vector<256xf32> to vector<1x256xf32>
    %mul3A_492 = vector.broadcast %broadcast_in_dim3A_488 : vector<1024x1xf32> to vector<1024x256xf32>
    %mul3A_493 = vector.broadcast %broadcast_in_dim3A_491 : vector<1x256xf32> to vector<1024x256xf32>
    %mul3A_494 = arith.mulf %mul3A_492, %mul3A_493 : vector<1024x256xf32>
    %mul3A_495 = arith.mulf %reshape3A_484, %reshape3A_486 : vector<1024xf32>
    %broadcast_in_dim3A_496 = vector.shape_cast %mul3A_495 : vector<1024xf32> to vector<1024x1xf32>
    %slice3A_497 = vector.extract_strided_slice %convert_element_type3A_258 {offsets = [1, 0], sizes = [1, 256], strides = [1, 1]} : vector<2x256xf32> to vector<1x256xf32>
    %squeeze3A_498 = vector.shape_cast %slice3A_497 : vector<1x256xf32> to vector<256xf32>
    %broadcast_in_dim3A_499 = vector.shape_cast %squeeze3A_498 : vector<256xf32> to vector<1x256xf32>
    %mul3A_500 = vector.broadcast %broadcast_in_dim3A_496 : vector<1024x1xf32> to vector<1024x256xf32>
    %mul3A_501 = vector.broadcast %broadcast_in_dim3A_499 : vector<1x256xf32> to vector<1024x256xf32>
    %mul3A_502 = arith.mulf %mul3A_500, %mul3A_501 : vector<1024x256xf32>
    %add3A_503 = arith.addf %mul3A_494, %mul3A_502 : vector<1024x256xf32>
    %get3A_504 = arith.constant 0 : index
    %get3A_505 = arith.constant 0 : index
    %get3A_506 = vector.load %arg4[%get3A_504, %get3A_505] : memref<1x256xf32, #tpu.memory_space<vmem>>, vector<1x256xf32>
    %add3A_507 = vector.broadcast %get3A_506 : vector<1x256xf32> to vector<1024x256xf32>
    %add3A_508 = arith.addf %add3A_503, %add3A_507 : vector<1024x256xf32>
    %max3A_509 = arith.constant 0.000000e+00 : f32
    %max3A_510 = vector.broadcast %max3A_509 : f32 to vector<1024x256xf32>
    %max3A_511 = arith.maximumf %add3A_508, %max3A_510 : vector<1024x256xf32>
    %reduce_sum3A_512 = arith.constant dense<0.000000e+00> : vector<1024xf32>
    %reduce_sum3A_513 = vector.multi_reduction <add>, %max3A_511, %reduce_sum3A_512 [1] : vector<1024x256xf32> to vector<1024xf32>
    %broadcast_in_dim3A_514 = vector.shape_cast %reduce_sum3A_513 : vector<1024xf32> to vector<1024x1xf32>
    %div3A_515 = arith.constant 2.560000e+02 : f32
    %div3A_516 = vector.broadcast %div3A_515 : f32 to vector<1024x1xf32>
    %div3A_517 = arith.divf %broadcast_in_dim3A_514, %div3A_516 : vector<1024x1xf32>
    %sub3A_518 = vector.broadcast %div3A_517 : vector<1024x1xf32> to vector<1024x256xf32>
    %sub3A_519 = arith.subf %max3A_511, %sub3A_518 : vector<1024x256xf32>
    %mul3A_520 = arith.mulf %sub3A_519, %sub3A_519 : vector<1024x256xf32>
    %reduce_sum3A_521 = arith.constant dense<0.000000e+00> : vector<1024xf32>
    %reduce_sum3A_522 = vector.multi_reduction <add>, %mul3A_520, %reduce_sum3A_521 [1] : vector<1024x256xf32> to vector<1024xf32>
    %broadcast_in_dim3A_523 = vector.shape_cast %reduce_sum3A_522 : vector<1024xf32> to vector<1024x1xf32>
    %div3A_524 = arith.constant 2.560000e+02 : f32
    %div3A_525 = vector.broadcast %div3A_524 : f32 to vector<1024x1xf32>
    %div3A_526 = arith.divf %broadcast_in_dim3A_523, %div3A_525 : vector<1024x1xf32>
    %add3A_527 = arith.constant 9.99999974E-6 : f32
    %add3A_528 = vector.broadcast %add3A_527 : f32 to vector<1024x1xf32>
    %add3A_529 = arith.addf %div3A_526, %add3A_528 : vector<1024x1xf32>
    %sqrt3A_530 = math.sqrt %add3A_529 : vector<1024x1xf32>
    %div3A_531 = vector.broadcast %sqrt3A_530 : vector<1024x1xf32> to vector<1024x256xf32>
    %div3A_532 = arith.divf %sub3A_519, %div3A_531 : vector<1024x256xf32>
    %get3A_533 = arith.constant 0 : index
    %get3A_534 = arith.constant 0 : index
    %get3A_535 = vector.load %arg5[%get3A_533, %get3A_534] : memref<1x256xf32, #tpu.memory_space<vmem>>, vector<1x256xf32>
    %mul3A_536 = vector.broadcast %get3A_535 : vector<1x256xf32> to vector<1024x256xf32>
    %mul3A_537 = arith.mulf %div3A_532, %mul3A_536 : vector<1024x256xf32>
    %get3A_538 = arith.constant 0 : index
    %get3A_539 = arith.constant 0 : index
    %get3A_540 = vector.load %arg6[%get3A_538, %get3A_539] : memref<1x256xf32, #tpu.memory_space<vmem>>, vector<1x256xf32>
    %add3A_541 = vector.broadcast %get3A_540 : vector<1x256xf32> to vector<1024x256xf32>
    %add3A_542 = arith.addf %mul3A_537, %add3A_541 : vector<1024x256xf32>
    %iota3A_543 = tpu.iota {dimensions = array<i32: 0>} : vector<1024x1xi32>
    %add3A_544 = arith.constant 3072 : i32
    %add3A_545 = vector.broadcast %add3A_544 : i32 to vector<1024x1xi32>
    %add3A_546 = arith.addi %add3A_545, %iota3A_543 : vector<1024x1xi32>
    %lt3A_547 = arith.constant 10000 : i32
    %lt3A_548 = vector.broadcast %lt3A_547 : i32 to vector<1024x1xi32>
    %lt3A_549 = arith.cmpi slt, %add3A_546, %lt3A_548 : vector<1024x1xi32>
    %jit3A_550 = arith.constant 0.000000e+00 : f32
    %broadcast_in_dim3A_551 = vector.shape_cast %lt3A_549 : vector<1024x1xi1> to vector<1024x1xi1>
    %broadcast_in_dim3A_552 = vector.broadcast %broadcast_in_dim3A_551 : vector<1024x1xi1> to vector<1024x256xi1>
    %broadcast_in_dim3A_553 = vector.broadcast %jit3A_550 : f32 to vector<1024x256xf32>
    %select_n3A_554 = arith.select %broadcast_in_dim3A_552, %add3A_542, %broadcast_in_dim3A_553 : vector<1024x256xi1>, vector<1024x256xf32>
    %reduce_sum3A_555 = arith.constant dense<0.000000e+00> : vector<256xf32>
    %reduce_sum3A_556 = vector.multi_reduction <add>, %select_n3A_554, %reduce_sum3A_555 [0] : vector<1024x256xf32> to vector<256xf32>
    %broadcast_in_dim3A_557 = vector.shape_cast %reduce_sum3A_556 : vector<256xf32> to vector<1x256xf32>
    %add3A_558 = arith.addf %add3A_480, %broadcast_in_dim3A_557 : vector<1x256xf32>
    %slice3A_559 = vector.extract_strided_slice %add3A_247 {offsets = [32, 0], sizes = [8, 128], strides = [1, 1]} : vector<80x128xf32> to vector<8x128xf32>
    %reshape3A_560 = vector.shape_cast %slice3A_559 : vector<8x128xf32> to vector<1024xf32>
    %slice3A_561 = vector.extract_strided_slice %add3A_251 {offsets = [32, 0], sizes = [8, 128], strides = [1, 1]} : vector<80x128xf32> to vector<8x128xf32>
    %reshape3A_562 = vector.shape_cast %slice3A_561 : vector<8x128xf32> to vector<1024xf32>
    %slice3A_563 = vector.extract_strided_slice %get3A_254 {offsets = [32, 0], sizes = [8, 128], strides = [1, 1]} : vector<80x128xf32> to vector<8x128xf32>
    %reshape3A_564 = vector.shape_cast %slice3A_563 : vector<8x128xf32> to vector<1024xf32>
    %mul3A_565 = arith.mulf %reshape3A_560, %reshape3A_564 : vector<1024xf32>
    %broadcast_in_dim3A_566 = vector.shape_cast %mul3A_565 : vector<1024xf32> to vector<1024x1xf32>
    %slice3A_567 = vector.extract_strided_slice %convert_element_type3A_258 {offsets = [0, 0], sizes = [1, 256], strides = [1, 1]} : vector<2x256xf32> to vector<1x256xf32>
    %squeeze3A_568 = vector.shape_cast %slice3A_567 : vector<1x256xf32> to vector<256xf32>
    %broadcast_in_dim3A_569 = vector.shape_cast %squeeze3A_568 : vector<256xf32> to vector<1x256xf32>
    %mul3A_570 = vector.broadcast %broadcast_in_dim3A_566 : vector<1024x1xf32> to vector<1024x256xf32>
    %mul3A_571 = vector.broadcast %broadcast_in_dim3A_569 : vector<1x256xf32> to vector<1024x256xf32>
    %mul3A_572 = arith.mulf %mul3A_570, %mul3A_571 : vector<1024x256xf32>
    %mul3A_573 = arith.mulf %reshape3A_562, %reshape3A_564 : vector<1024xf32>
    %broadcast_in_dim3A_574 = vector.shape_cast %mul3A_573 : vector<1024xf32> to vector<1024x1xf32>
    %slice3A_575 = vector.extract_strided_slice %convert_element_type3A_258 {offsets = [1, 0], sizes = [1, 256], strides = [1, 1]} : vector<2x256xf32> to vector<1x256xf32>
    %squeeze3A_576 = vector.shape_cast %slice3A_575 : vector<1x256xf32> to vector<256xf32>
    %broadcast_in_dim3A_577 = vector.shape_cast %squeeze3A_576 : vector<256xf32> to vector<1x256xf32>
    %mul3A_578 = vector.broadcast %broadcast_in_dim3A_574 : vector<1024x1xf32> to vector<1024x256xf32>
    %mul3A_579 = vector.broadcast %broadcast_in_dim3A_577 : vector<1x256xf32> to vector<1024x256xf32>
    %mul3A_580 = arith.mulf %mul3A_578, %mul3A_579 : vector<1024x256xf32>
    %add3A_581 = arith.addf %mul3A_572, %mul3A_580 : vector<1024x256xf32>
    %get3A_582 = arith.constant 0 : index
    %get3A_583 = arith.constant 0 : index
    %get3A_584 = vector.load %arg4[%get3A_582, %get3A_583] : memref<1x256xf32, #tpu.memory_space<vmem>>, vector<1x256xf32>
    %add3A_585 = vector.broadcast %get3A_584 : vector<1x256xf32> to vector<1024x256xf32>
    %add3A_586 = arith.addf %add3A_581, %add3A_585 : vector<1024x256xf32>
    %max3A_587 = arith.constant 0.000000e+00 : f32
    %max3A_588 = vector.broadcast %max3A_587 : f32 to vector<1024x256xf32>
    %max3A_589 = arith.maximumf %add3A_586, %max3A_588 : vector<1024x256xf32>
    %reduce_sum3A_590 = arith.constant dense<0.000000e+00> : vector<1024xf32>
    %reduce_sum3A_591 = vector.multi_reduction <add>, %max3A_589, %reduce_sum3A_590 [1] : vector<1024x256xf32> to vector<1024xf32>
    %broadcast_in_dim3A_592 = vector.shape_cast %reduce_sum3A_591 : vector<1024xf32> to vector<1024x1xf32>
    %div3A_593 = arith.constant 2.560000e+02 : f32
    %div3A_594 = vector.broadcast %div3A_593 : f32 to vector<1024x1xf32>
    %div3A_595 = arith.divf %broadcast_in_dim3A_592, %div3A_594 : vector<1024x1xf32>
    %sub3A_596 = vector.broadcast %div3A_595 : vector<1024x1xf32> to vector<1024x256xf32>
    %sub3A_597 = arith.subf %max3A_589, %sub3A_596 : vector<1024x256xf32>
    %mul3A_598 = arith.mulf %sub3A_597, %sub3A_597 : vector<1024x256xf32>
    %reduce_sum3A_599 = arith.constant dense<0.000000e+00> : vector<1024xf32>
    %reduce_sum3A_600 = vector.multi_reduction <add>, %mul3A_598, %reduce_sum3A_599 [1] : vector<1024x256xf32> to vector<1024xf32>
    %broadcast_in_dim3A_601 = vector.shape_cast %reduce_sum3A_600 : vector<1024xf32> to vector<1024x1xf32>
    %div3A_602 = arith.constant 2.560000e+02 : f32
    %div3A_603 = vector.broadcast %div3A_602 : f32 to vector<1024x1xf32>
    %div3A_604 = arith.divf %broadcast_in_dim3A_601, %div3A_603 : vector<1024x1xf32>
    %add3A_605 = arith.constant 9.99999974E-6 : f32
    %add3A_606 = vector.broadcast %add3A_605 : f32 to vector<1024x1xf32>
    %add3A_607 = arith.addf %div3A_604, %add3A_606 : vector<1024x1xf32>
    %sqrt3A_608 = math.sqrt %add3A_607 : vector<1024x1xf32>
    %div3A_609 = vector.broadcast %sqrt3A_608 : vector<1024x1xf32> to vector<1024x256xf32>
    %div3A_610 = arith.divf %sub3A_597, %div3A_609 : vector<1024x256xf32>
    %get3A_611 = arith.constant 0 : index
    %get3A_612 = arith.constant 0 : index
    %get3A_613 = vector.load %arg5[%get3A_611, %get3A_612] : memref<1x256xf32, #tpu.memory_space<vmem>>, vector<1x256xf32>
    %mul3A_614 = vector.broadcast %get3A_613 : vector<1x256xf32> to vector<1024x256xf32>
    %mul3A_615 = arith.mulf %div3A_610, %mul3A_614 : vector<1024x256xf32>
    %get3A_616 = arith.constant 0 : index
    %get3A_617 = arith.constant 0 : index
    %get3A_618 = vector.load %arg6[%get3A_616, %get3A_617] : memref<1x256xf32, #tpu.memory_space<vmem>>, vector<1x256xf32>
    %add3A_619 = vector.broadcast %get3A_618 : vector<1x256xf32> to vector<1024x256xf32>
    %add3A_620 = arith.addf %mul3A_615, %add3A_619 : vector<1024x256xf32>
    %iota3A_621 = tpu.iota {dimensions = array<i32: 0>} : vector<1024x1xi32>
    %add3A_622 = arith.constant 4096 : i32
    %add3A_623 = vector.broadcast %add3A_622 : i32 to vector<1024x1xi32>
    %add3A_624 = arith.addi %add3A_623, %iota3A_621 : vector<1024x1xi32>
    %lt3A_625 = arith.constant 10000 : i32
    %lt3A_626 = vector.broadcast %lt3A_625 : i32 to vector<1024x1xi32>
    %lt3A_627 = arith.cmpi slt, %add3A_624, %lt3A_626 : vector<1024x1xi32>
    %jit3A_628 = arith.constant 0.000000e+00 : f32
    %broadcast_in_dim3A_629 = vector.shape_cast %lt3A_627 : vector<1024x1xi1> to vector<1024x1xi1>
    %broadcast_in_dim3A_630 = vector.broadcast %broadcast_in_dim3A_629 : vector<1024x1xi1> to vector<1024x256xi1>
    %broadcast_in_dim3A_631 = vector.broadcast %jit3A_628 : f32 to vector<1024x256xf32>
    %select_n3A_632 = arith.select %broadcast_in_dim3A_630, %add3A_620, %broadcast_in_dim3A_631 : vector<1024x256xi1>, vector<1024x256xf32>
    %reduce_sum3A_633 = arith.constant dense<0.000000e+00> : vector<256xf32>
    %reduce_sum3A_634 = vector.multi_reduction <add>, %select_n3A_632, %reduce_sum3A_633 [0] : vector<1024x256xf32> to vector<256xf32>
    %broadcast_in_dim3A_635 = vector.shape_cast %reduce_sum3A_634 : vector<256xf32> to vector<1x256xf32>
    %add3A_636 = arith.addf %add3A_558, %broadcast_in_dim3A_635 : vector<1x256xf32>
    %slice3A_637 = vector.extract_strided_slice %add3A_247 {offsets = [40, 0], sizes = [8, 128], strides = [1, 1]} : vector<80x128xf32> to vector<8x128xf32>
    %reshape3A_638 = vector.shape_cast %slice3A_637 : vector<8x128xf32> to vector<1024xf32>
    %slice3A_639 = vector.extract_strided_slice %add3A_251 {offsets = [40, 0], sizes = [8, 128], strides = [1, 1]} : vector<80x128xf32> to vector<8x128xf32>
    %reshape3A_640 = vector.shape_cast %slice3A_639 : vector<8x128xf32> to vector<1024xf32>
    %slice3A_641 = vector.extract_strided_slice %get3A_254 {offsets = [40, 0], sizes = [8, 128], strides = [1, 1]} : vector<80x128xf32> to vector<8x128xf32>
    %reshape3A_642 = vector.shape_cast %slice3A_641 : vector<8x128xf32> to vector<1024xf32>
    %mul3A_643 = arith.mulf %reshape3A_638, %reshape3A_642 : vector<1024xf32>
    %broadcast_in_dim3A_644 = vector.shape_cast %mul3A_643 : vector<1024xf32> to vector<1024x1xf32>
    %slice3A_645 = vector.extract_strided_slice %convert_element_type3A_258 {offsets = [0, 0], sizes = [1, 256], strides = [1, 1]} : vector<2x256xf32> to vector<1x256xf32>
    %squeeze3A_646 = vector.shape_cast %slice3A_645 : vector<1x256xf32> to vector<256xf32>
    %broadcast_in_dim3A_647 = vector.shape_cast %squeeze3A_646 : vector<256xf32> to vector<1x256xf32>
    %mul3A_648 = vector.broadcast %broadcast_in_dim3A_644 : vector<1024x1xf32> to vector<1024x256xf32>
    %mul3A_649 = vector.broadcast %broadcast_in_dim3A_647 : vector<1x256xf32> to vector<1024x256xf32>
    %mul3A_650 = arith.mulf %mul3A_648, %mul3A_649 : vector<1024x256xf32>
    %mul3A_651 = arith.mulf %reshape3A_640, %reshape3A_642 : vector<1024xf32>
    %broadcast_in_dim3A_652 = vector.shape_cast %mul3A_651 : vector<1024xf32> to vector<1024x1xf32>
    %slice3A_653 = vector.extract_strided_slice %convert_element_type3A_258 {offsets = [1, 0], sizes = [1, 256], strides = [1, 1]} : vector<2x256xf32> to vector<1x256xf32>
    %squeeze3A_654 = vector.shape_cast %slice3A_653 : vector<1x256xf32> to vector<256xf32>
    %broadcast_in_dim3A_655 = vector.shape_cast %squeeze3A_654 : vector<256xf32> to vector<1x256xf32>
    %mul3A_656 = vector.broadcast %broadcast_in_dim3A_652 : vector<1024x1xf32> to vector<1024x256xf32>
    %mul3A_657 = vector.broadcast %broadcast_in_dim3A_655 : vector<1x256xf32> to vector<1024x256xf32>
    %mul3A_658 = arith.mulf %mul3A_656, %mul3A_657 : vector<1024x256xf32>
    %add3A_659 = arith.addf %mul3A_650, %mul3A_658 : vector<1024x256xf32>
    %get3A_660 = arith.constant 0 : index
    %get3A_661 = arith.constant 0 : index
    %get3A_662 = vector.load %arg4[%get3A_660, %get3A_661] : memref<1x256xf32, #tpu.memory_space<vmem>>, vector<1x256xf32>
    %add3A_663 = vector.broadcast %get3A_662 : vector<1x256xf32> to vector<1024x256xf32>
    %add3A_664 = arith.addf %add3A_659, %add3A_663 : vector<1024x256xf32>
    %max3A_665 = arith.constant 0.000000e+00 : f32
    %max3A_666 = vector.broadcast %max3A_665 : f32 to vector<1024x256xf32>
    %max3A_667 = arith.maximumf %add3A_664, %max3A_666 : vector<1024x256xf32>
    %reduce_sum3A_668 = arith.constant dense<0.000000e+00> : vector<1024xf32>
    %reduce_sum3A_669 = vector.multi_reduction <add>, %max3A_667, %reduce_sum3A_668 [1] : vector<1024x256xf32> to vector<1024xf32>
    %broadcast_in_dim3A_670 = vector.shape_cast %reduce_sum3A_669 : vector<1024xf32> to vector<1024x1xf32>
    %div3A_671 = arith.constant 2.560000e+02 : f32
    %div3A_672 = vector.broadcast %div3A_671 : f32 to vector<1024x1xf32>
    %div3A_673 = arith.divf %broadcast_in_dim3A_670, %div3A_672 : vector<1024x1xf32>
    %sub3A_674 = vector.broadcast %div3A_673 : vector<1024x1xf32> to vector<1024x256xf32>
    %sub3A_675 = arith.subf %max3A_667, %sub3A_674 : vector<1024x256xf32>
    %mul3A_676 = arith.mulf %sub3A_675, %sub3A_675 : vector<1024x256xf32>
    %reduce_sum3A_677 = arith.constant dense<0.000000e+00> : vector<1024xf32>
    %reduce_sum3A_678 = vector.multi_reduction <add>, %mul3A_676, %reduce_sum3A_677 [1] : vector<1024x256xf32> to vector<1024xf32>
    %broadcast_in_dim3A_679 = vector.shape_cast %reduce_sum3A_678 : vector<1024xf32> to vector<1024x1xf32>
    %div3A_680 = arith.constant 2.560000e+02 : f32
    %div3A_681 = vector.broadcast %div3A_680 : f32 to vector<1024x1xf32>
    %div3A_682 = arith.divf %broadcast_in_dim3A_679, %div3A_681 : vector<1024x1xf32>
    %add3A_683 = arith.constant 9.99999974E-6 : f32
    %add3A_684 = vector.broadcast %add3A_683 : f32 to vector<1024x1xf32>
    %add3A_685 = arith.addf %div3A_682, %add3A_684 : vector<1024x1xf32>
    %sqrt3A_686 = math.sqrt %add3A_685 : vector<1024x1xf32>
    %div3A_687 = vector.broadcast %sqrt3A_686 : vector<1024x1xf32> to vector<1024x256xf32>
    %div3A_688 = arith.divf %sub3A_675, %div3A_687 : vector<1024x256xf32>
    %get3A_689 = arith.constant 0 : index
    %get3A_690 = arith.constant 0 : index
    %get3A_691 = vector.load %arg5[%get3A_689, %get3A_690] : memref<1x256xf32, #tpu.memory_space<vmem>>, vector<1x256xf32>
    %mul3A_692 = vector.broadcast %get3A_691 : vector<1x256xf32> to vector<1024x256xf32>
    %mul3A_693 = arith.mulf %div3A_688, %mul3A_692 : vector<1024x256xf32>
    %get3A_694 = arith.constant 0 : index
    %get3A_695 = arith.constant 0 : index
    %get3A_696 = vector.load %arg6[%get3A_694, %get3A_695] : memref<1x256xf32, #tpu.memory_space<vmem>>, vector<1x256xf32>
    %add3A_697 = vector.broadcast %get3A_696 : vector<1x256xf32> to vector<1024x256xf32>
    %add3A_698 = arith.addf %mul3A_693, %add3A_697 : vector<1024x256xf32>
    %iota3A_699 = tpu.iota {dimensions = array<i32: 0>} : vector<1024x1xi32>
    %add3A_700 = arith.constant 5120 : i32
    %add3A_701 = vector.broadcast %add3A_700 : i32 to vector<1024x1xi32>
    %add3A_702 = arith.addi %add3A_701, %iota3A_699 : vector<1024x1xi32>
    %lt3A_703 = arith.constant 10000 : i32
    %lt3A_704 = vector.broadcast %lt3A_703 : i32 to vector<1024x1xi32>
    %lt3A_705 = arith.cmpi slt, %add3A_702, %lt3A_704 : vector<1024x1xi32>
    %jit3A_706 = arith.constant 0.000000e+00 : f32
    %broadcast_in_dim3A_707 = vector.shape_cast %lt3A_705 : vector<1024x1xi1> to vector<1024x1xi1>
    %broadcast_in_dim3A_708 = vector.broadcast %broadcast_in_dim3A_707 : vector<1024x1xi1> to vector<1024x256xi1>
    %broadcast_in_dim3A_709 = vector.broadcast %jit3A_706 : f32 to vector<1024x256xf32>
    %select_n3A_710 = arith.select %broadcast_in_dim3A_708, %add3A_698, %broadcast_in_dim3A_709 : vector<1024x256xi1>, vector<1024x256xf32>
    %reduce_sum3A_711 = arith.constant dense<0.000000e+00> : vector<256xf32>
    %reduce_sum3A_712 = vector.multi_reduction <add>, %select_n3A_710, %reduce_sum3A_711 [0] : vector<1024x256xf32> to vector<256xf32>
    %broadcast_in_dim3A_713 = vector.shape_cast %reduce_sum3A_712 : vector<256xf32> to vector<1x256xf32>
    %add3A_714 = arith.addf %add3A_636, %broadcast_in_dim3A_713 : vector<1x256xf32>
    %slice3A_715 = vector.extract_strided_slice %add3A_247 {offsets = [48, 0], sizes = [8, 128], strides = [1, 1]} : vector<80x128xf32> to vector<8x128xf32>
    %reshape3A_716 = vector.shape_cast %slice3A_715 : vector<8x128xf32> to vector<1024xf32>
    %slice3A_717 = vector.extract_strided_slice %add3A_251 {offsets = [48, 0], sizes = [8, 128], strides = [1, 1]} : vector<80x128xf32> to vector<8x128xf32>
    %reshape3A_718 = vector.shape_cast %slice3A_717 : vector<8x128xf32> to vector<1024xf32>
    %slice3A_719 = vector.extract_strided_slice %get3A_254 {offsets = [48, 0], sizes = [8, 128], strides = [1, 1]} : vector<80x128xf32> to vector<8x128xf32>
    %reshape3A_720 = vector.shape_cast %slice3A_719 : vector<8x128xf32> to vector<1024xf32>
    %mul3A_721 = arith.mulf %reshape3A_716, %reshape3A_720 : vector<1024xf32>
    %broadcast_in_dim3A_722 = vector.shape_cast %mul3A_721 : vector<1024xf32> to vector<1024x1xf32>
    %slice3A_723 = vector.extract_strided_slice %convert_element_type3A_258 {offsets = [0, 0], sizes = [1, 256], strides = [1, 1]} : vector<2x256xf32> to vector<1x256xf32>
    %squeeze3A_724 = vector.shape_cast %slice3A_723 : vector<1x256xf32> to vector<256xf32>
    %broadcast_in_dim3A_725 = vector.shape_cast %squeeze3A_724 : vector<256xf32> to vector<1x256xf32>
    %mul3A_726 = vector.broadcast %broadcast_in_dim3A_722 : vector<1024x1xf32> to vector<1024x256xf32>
    %mul3A_727 = vector.broadcast %broadcast_in_dim3A_725 : vector<1x256xf32> to vector<1024x256xf32>
    %mul3A_728 = arith.mulf %mul3A_726, %mul3A_727 : vector<1024x256xf32>
    %mul3A_729 = arith.mulf %reshape3A_718, %reshape3A_720 : vector<1024xf32>
    %broadcast_in_dim3A_730 = vector.shape_cast %mul3A_729 : vector<1024xf32> to vector<1024x1xf32>
    %slice3A_731 = vector.extract_strided_slice %convert_element_type3A_258 {offsets = [1, 0], sizes = [1, 256], strides = [1, 1]} : vector<2x256xf32> to vector<1x256xf32>
    %squeeze3A_732 = vector.shape_cast %slice3A_731 : vector<1x256xf32> to vector<256xf32>
    %broadcast_in_dim3A_733 = vector.shape_cast %squeeze3A_732 : vector<256xf32> to vector<1x256xf32>
    %mul3A_734 = vector.broadcast %broadcast_in_dim3A_730 : vector<1024x1xf32> to vector<1024x256xf32>
    %mul3A_735 = vector.broadcast %broadcast_in_dim3A_733 : vector<1x256xf32> to vector<1024x256xf32>
    %mul3A_736 = arith.mulf %mul3A_734, %mul3A_735 : vector<1024x256xf32>
    %add3A_737 = arith.addf %mul3A_728, %mul3A_736 : vector<1024x256xf32>
    %get3A_738 = arith.constant 0 : index
    %get3A_739 = arith.constant 0 : index
    %get3A_740 = vector.load %arg4[%get3A_738, %get3A_739] : memref<1x256xf32, #tpu.memory_space<vmem>>, vector<1x256xf32>
    %add3A_741 = vector.broadcast %get3A_740 : vector<1x256xf32> to vector<1024x256xf32>
    %add3A_742 = arith.addf %add3A_737, %add3A_741 : vector<1024x256xf32>
    %max3A_743 = arith.constant 0.000000e+00 : f32
    %max3A_744 = vector.broadcast %max3A_743 : f32 to vector<1024x256xf32>
    %max3A_745 = arith.maximumf %add3A_742, %max3A_744 : vector<1024x256xf32>
    %reduce_sum3A_746 = arith.constant dense<0.000000e+00> : vector<1024xf32>
    %reduce_sum3A_747 = vector.multi_reduction <add>, %max3A_745, %reduce_sum3A_746 [1] : vector<1024x256xf32> to vector<1024xf32>
    %broadcast_in_dim3A_748 = vector.shape_cast %reduce_sum3A_747 : vector<1024xf32> to vector<1024x1xf32>
    %div3A_749 = arith.constant 2.560000e+02 : f32
    %div3A_750 = vector.broadcast %div3A_749 : f32 to vector<1024x1xf32>
    %div3A_751 = arith.divf %broadcast_in_dim3A_748, %div3A_750 : vector<1024x1xf32>
    %sub3A_752 = vector.broadcast %div3A_751 : vector<1024x1xf32> to vector<1024x256xf32>
    %sub3A_753 = arith.subf %max3A_745, %sub3A_752 : vector<1024x256xf32>
    %mul3A_754 = arith.mulf %sub3A_753, %sub3A_753 : vector<1024x256xf32>
    %reduce_sum3A_755 = arith.constant dense<0.000000e+00> : vector<1024xf32>
    %reduce_sum3A_756 = vector.multi_reduction <add>, %mul3A_754, %reduce_sum3A_755 [1] : vector<1024x256xf32> to vector<1024xf32>
    %broadcast_in_dim3A_757 = vector.shape_cast %reduce_sum3A_756 : vector<1024xf32> to vector<1024x1xf32>
    %div3A_758 = arith.constant 2.560000e+02 : f32
    %div3A_759 = vector.broadcast %div3A_758 : f32 to vector<1024x1xf32>
    %div3A_760 = arith.divf %broadcast_in_dim3A_757, %div3A_759 : vector<1024x1xf32>
    %add3A_761 = arith.constant 9.99999974E-6 : f32
    %add3A_762 = vector.broadcast %add3A_761 : f32 to vector<1024x1xf32>
    %add3A_763 = arith.addf %div3A_760, %add3A_762 : vector<1024x1xf32>
    %sqrt3A_764 = math.sqrt %add3A_763 : vector<1024x1xf32>
    %div3A_765 = vector.broadcast %sqrt3A_764 : vector<1024x1xf32> to vector<1024x256xf32>
    %div3A_766 = arith.divf %sub3A_753, %div3A_765 : vector<1024x256xf32>
    %get3A_767 = arith.constant 0 : index
    %get3A_768 = arith.constant 0 : index
    %get3A_769 = vector.load %arg5[%get3A_767, %get3A_768] : memref<1x256xf32, #tpu.memory_space<vmem>>, vector<1x256xf32>
    %mul3A_770 = vector.broadcast %get3A_769 : vector<1x256xf32> to vector<1024x256xf32>
    %mul3A_771 = arith.mulf %div3A_766, %mul3A_770 : vector<1024x256xf32>
    %get3A_772 = arith.constant 0 : index
    %get3A_773 = arith.constant 0 : index
    %get3A_774 = vector.load %arg6[%get3A_772, %get3A_773] : memref<1x256xf32, #tpu.memory_space<vmem>>, vector<1x256xf32>
    %add3A_775 = vector.broadcast %get3A_774 : vector<1x256xf32> to vector<1024x256xf32>
    %add3A_776 = arith.addf %mul3A_771, %add3A_775 : vector<1024x256xf32>
    %iota3A_777 = tpu.iota {dimensions = array<i32: 0>} : vector<1024x1xi32>
    %add3A_778 = arith.constant 6144 : i32
    %add3A_779 = vector.broadcast %add3A_778 : i32 to vector<1024x1xi32>
    %add3A_780 = arith.addi %add3A_779, %iota3A_777 : vector<1024x1xi32>
    %lt3A_781 = arith.constant 10000 : i32
    %lt3A_782 = vector.broadcast %lt3A_781 : i32 to vector<1024x1xi32>
    %lt3A_783 = arith.cmpi slt, %add3A_780, %lt3A_782 : vector<1024x1xi32>
    %jit3A_784 = arith.constant 0.000000e+00 : f32
    %broadcast_in_dim3A_785 = vector.shape_cast %lt3A_783 : vector<1024x1xi1> to vector<1024x1xi1>
    %broadcast_in_dim3A_786 = vector.broadcast %broadcast_in_dim3A_785 : vector<1024x1xi1> to vector<1024x256xi1>
    %broadcast_in_dim3A_787 = vector.broadcast %jit3A_784 : f32 to vector<1024x256xf32>
    %select_n3A_788 = arith.select %broadcast_in_dim3A_786, %add3A_776, %broadcast_in_dim3A_787 : vector<1024x256xi1>, vector<1024x256xf32>
    %reduce_sum3A_789 = arith.constant dense<0.000000e+00> : vector<256xf32>
    %reduce_sum3A_790 = vector.multi_reduction <add>, %select_n3A_788, %reduce_sum3A_789 [0] : vector<1024x256xf32> to vector<256xf32>
    %broadcast_in_dim3A_791 = vector.shape_cast %reduce_sum3A_790 : vector<256xf32> to vector<1x256xf32>
    %add3A_792 = arith.addf %add3A_714, %broadcast_in_dim3A_791 : vector<1x256xf32>
    %slice3A_793 = vector.extract_strided_slice %add3A_247 {offsets = [56, 0], sizes = [8, 128], strides = [1, 1]} : vector<80x128xf32> to vector<8x128xf32>
    %reshape3A_794 = vector.shape_cast %slice3A_793 : vector<8x128xf32> to vector<1024xf32>
    %slice3A_795 = vector.extract_strided_slice %add3A_251 {offsets = [56, 0], sizes = [8, 128], strides = [1, 1]} : vector<80x128xf32> to vector<8x128xf32>
    %reshape3A_796 = vector.shape_cast %slice3A_795 : vector<8x128xf32> to vector<1024xf32>
    %slice3A_797 = vector.extract_strided_slice %get3A_254 {offsets = [56, 0], sizes = [8, 128], strides = [1, 1]} : vector<80x128xf32> to vector<8x128xf32>
    %reshape3A_798 = vector.shape_cast %slice3A_797 : vector<8x128xf32> to vector<1024xf32>
    %mul3A_799 = arith.mulf %reshape3A_794, %reshape3A_798 : vector<1024xf32>
    %broadcast_in_dim3A_800 = vector.shape_cast %mul3A_799 : vector<1024xf32> to vector<1024x1xf32>
    %slice3A_801 = vector.extract_strided_slice %convert_element_type3A_258 {offsets = [0, 0], sizes = [1, 256], strides = [1, 1]} : vector<2x256xf32> to vector<1x256xf32>
    %squeeze3A_802 = vector.shape_cast %slice3A_801 : vector<1x256xf32> to vector<256xf32>
    %broadcast_in_dim3A_803 = vector.shape_cast %squeeze3A_802 : vector<256xf32> to vector<1x256xf32>
    %mul3A_804 = vector.broadcast %broadcast_in_dim3A_800 : vector<1024x1xf32> to vector<1024x256xf32>
    %mul3A_805 = vector.broadcast %broadcast_in_dim3A_803 : vector<1x256xf32> to vector<1024x256xf32>
    %mul3A_806 = arith.mulf %mul3A_804, %mul3A_805 : vector<1024x256xf32>
    %mul3A_807 = arith.mulf %reshape3A_796, %reshape3A_798 : vector<1024xf32>
    %broadcast_in_dim3A_808 = vector.shape_cast %mul3A_807 : vector<1024xf32> to vector<1024x1xf32>
    %slice3A_809 = vector.extract_strided_slice %convert_element_type3A_258 {offsets = [1, 0], sizes = [1, 256], strides = [1, 1]} : vector<2x256xf32> to vector<1x256xf32>
    %squeeze3A_810 = vector.shape_cast %slice3A_809 : vector<1x256xf32> to vector<256xf32>
    %broadcast_in_dim3A_811 = vector.shape_cast %squeeze3A_810 : vector<256xf32> to vector<1x256xf32>
    %mul3A_812 = vector.broadcast %broadcast_in_dim3A_808 : vector<1024x1xf32> to vector<1024x256xf32>
    %mul3A_813 = vector.broadcast %broadcast_in_dim3A_811 : vector<1x256xf32> to vector<1024x256xf32>
    %mul3A_814 = arith.mulf %mul3A_812, %mul3A_813 : vector<1024x256xf32>
    %add3A_815 = arith.addf %mul3A_806, %mul3A_814 : vector<1024x256xf32>
    %get3A_816 = arith.constant 0 : index
    %get3A_817 = arith.constant 0 : index
    %get3A_818 = vector.load %arg4[%get3A_816, %get3A_817] : memref<1x256xf32, #tpu.memory_space<vmem>>, vector<1x256xf32>
    %add3A_819 = vector.broadcast %get3A_818 : vector<1x256xf32> to vector<1024x256xf32>
    %add3A_820 = arith.addf %add3A_815, %add3A_819 : vector<1024x256xf32>
    %max3A_821 = arith.constant 0.000000e+00 : f32
    %max3A_822 = vector.broadcast %max3A_821 : f32 to vector<1024x256xf32>
    %max3A_823 = arith.maximumf %add3A_820, %max3A_822 : vector<1024x256xf32>
    %reduce_sum3A_824 = arith.constant dense<0.000000e+00> : vector<1024xf32>
    %reduce_sum3A_825 = vector.multi_reduction <add>, %max3A_823, %reduce_sum3A_824 [1] : vector<1024x256xf32> to vector<1024xf32>
    %broadcast_in_dim3A_826 = vector.shape_cast %reduce_sum3A_825 : vector<1024xf32> to vector<1024x1xf32>
    %div3A_827 = arith.constant 2.560000e+02 : f32
    %div3A_828 = vector.broadcast %div3A_827 : f32 to vector<1024x1xf32>
    %div3A_829 = arith.divf %broadcast_in_dim3A_826, %div3A_828 : vector<1024x1xf32>
    %sub3A_830 = vector.broadcast %div3A_829 : vector<1024x1xf32> to vector<1024x256xf32>
    %sub3A_831 = arith.subf %max3A_823, %sub3A_830 : vector<1024x256xf32>
    %mul3A_832 = arith.mulf %sub3A_831, %sub3A_831 : vector<1024x256xf32>
    %reduce_sum3A_833 = arith.constant dense<0.000000e+00> : vector<1024xf32>
    %reduce_sum3A_834 = vector.multi_reduction <add>, %mul3A_832, %reduce_sum3A_833 [1] : vector<1024x256xf32> to vector<1024xf32>
    %broadcast_in_dim3A_835 = vector.shape_cast %reduce_sum3A_834 : vector<1024xf32> to vector<1024x1xf32>
    %div3A_836 = arith.constant 2.560000e+02 : f32
    %div3A_837 = vector.broadcast %div3A_836 : f32 to vector<1024x1xf32>
    %div3A_838 = arith.divf %broadcast_in_dim3A_835, %div3A_837 : vector<1024x1xf32>
    %add3A_839 = arith.constant 9.99999974E-6 : f32
    %add3A_840 = vector.broadcast %add3A_839 : f32 to vector<1024x1xf32>
    %add3A_841 = arith.addf %div3A_838, %add3A_840 : vector<1024x1xf32>
    %sqrt3A_842 = math.sqrt %add3A_841 : vector<1024x1xf32>
    %div3A_843 = vector.broadcast %sqrt3A_842 : vector<1024x1xf32> to vector<1024x256xf32>
    %div3A_844 = arith.divf %sub3A_831, %div3A_843 : vector<1024x256xf32>
    %get3A_845 = arith.constant 0 : index
    %get3A_846 = arith.constant 0 : index
    %get3A_847 = vector.load %arg5[%get3A_845, %get3A_846] : memref<1x256xf32, #tpu.memory_space<vmem>>, vector<1x256xf32>
    %mul3A_848 = vector.broadcast %get3A_847 : vector<1x256xf32> to vector<1024x256xf32>
    %mul3A_849 = arith.mulf %div3A_844, %mul3A_848 : vector<1024x256xf32>
    %get3A_850 = arith.constant 0 : index
    %get3A_851 = arith.constant 0 : index
    %get3A_852 = vector.load %arg6[%get3A_850, %get3A_851] : memref<1x256xf32, #tpu.memory_space<vmem>>, vector<1x256xf32>
    %add3A_853 = vector.broadcast %get3A_852 : vector<1x256xf32> to vector<1024x256xf32>
    %add3A_854 = arith.addf %mul3A_849, %add3A_853 : vector<1024x256xf32>
    %iota3A_855 = tpu.iota {dimensions = array<i32: 0>} : vector<1024x1xi32>
    %add3A_856 = arith.constant 7168 : i32
    %add3A_857 = vector.broadcast %add3A_856 : i32 to vector<1024x1xi32>
    %add3A_858 = arith.addi %add3A_857, %iota3A_855 : vector<1024x1xi32>
    %lt3A_859 = arith.constant 10000 : i32
    %lt3A_860 = vector.broadcast %lt3A_859 : i32 to vector<1024x1xi32>
    %lt3A_861 = arith.cmpi slt, %add3A_858, %lt3A_860 : vector<1024x1xi32>
    %jit3A_862 = arith.constant 0.000000e+00 : f32
    %broadcast_in_dim3A_863 = vector.shape_cast %lt3A_861 : vector<1024x1xi1> to vector<1024x1xi1>
    %broadcast_in_dim3A_864 = vector.broadcast %broadcast_in_dim3A_863 : vector<1024x1xi1> to vector<1024x256xi1>
    %broadcast_in_dim3A_865 = vector.broadcast %jit3A_862 : f32 to vector<1024x256xf32>
    %select_n3A_866 = arith.select %broadcast_in_dim3A_864, %add3A_854, %broadcast_in_dim3A_865 : vector<1024x256xi1>, vector<1024x256xf32>
    %reduce_sum3A_867 = arith.constant dense<0.000000e+00> : vector<256xf32>
    %reduce_sum3A_868 = vector.multi_reduction <add>, %select_n3A_866, %reduce_sum3A_867 [0] : vector<1024x256xf32> to vector<256xf32>
    %broadcast_in_dim3A_869 = vector.shape_cast %reduce_sum3A_868 : vector<256xf32> to vector<1x256xf32>
    %add3A_870 = arith.addf %add3A_792, %broadcast_in_dim3A_869 : vector<1x256xf32>
    %slice3A_871 = vector.extract_strided_slice %add3A_247 {offsets = [64, 0], sizes = [8, 128], strides = [1, 1]} : vector<80x128xf32> to vector<8x128xf32>
    %reshape3A_872 = vector.shape_cast %slice3A_871 : vector<8x128xf32> to vector<1024xf32>
    %slice3A_873 = vector.extract_strided_slice %add3A_251 {offsets = [64, 0], sizes = [8, 128], strides = [1, 1]} : vector<80x128xf32> to vector<8x128xf32>
    %reshape3A_874 = vector.shape_cast %slice3A_873 : vector<8x128xf32> to vector<1024xf32>
    %slice3A_875 = vector.extract_strided_slice %get3A_254 {offsets = [64, 0], sizes = [8, 128], strides = [1, 1]} : vector<80x128xf32> to vector<8x128xf32>
    %reshape3A_876 = vector.shape_cast %slice3A_875 : vector<8x128xf32> to vector<1024xf32>
    %mul3A_877 = arith.mulf %reshape3A_872, %reshape3A_876 : vector<1024xf32>
    %broadcast_in_dim3A_878 = vector.shape_cast %mul3A_877 : vector<1024xf32> to vector<1024x1xf32>
    %slice3A_879 = vector.extract_strided_slice %convert_element_type3A_258 {offsets = [0, 0], sizes = [1, 256], strides = [1, 1]} : vector<2x256xf32> to vector<1x256xf32>
    %squeeze3A_880 = vector.shape_cast %slice3A_879 : vector<1x256xf32> to vector<256xf32>
    %broadcast_in_dim3A_881 = vector.shape_cast %squeeze3A_880 : vector<256xf32> to vector<1x256xf32>
    %mul3A_882 = vector.broadcast %broadcast_in_dim3A_878 : vector<1024x1xf32> to vector<1024x256xf32>
    %mul3A_883 = vector.broadcast %broadcast_in_dim3A_881 : vector<1x256xf32> to vector<1024x256xf32>
    %mul3A_884 = arith.mulf %mul3A_882, %mul3A_883 : vector<1024x256xf32>
    %mul3A_885 = arith.mulf %reshape3A_874, %reshape3A_876 : vector<1024xf32>
    %broadcast_in_dim3A_886 = vector.shape_cast %mul3A_885 : vector<1024xf32> to vector<1024x1xf32>
    %slice3A_887 = vector.extract_strided_slice %convert_element_type3A_258 {offsets = [1, 0], sizes = [1, 256], strides = [1, 1]} : vector<2x256xf32> to vector<1x256xf32>
    %squeeze3A_888 = vector.shape_cast %slice3A_887 : vector<1x256xf32> to vector<256xf32>
    %broadcast_in_dim3A_889 = vector.shape_cast %squeeze3A_888 : vector<256xf32> to vector<1x256xf32>
    %mul3A_890 = vector.broadcast %broadcast_in_dim3A_886 : vector<1024x1xf32> to vector<1024x256xf32>
    %mul3A_891 = vector.broadcast %broadcast_in_dim3A_889 : vector<1x256xf32> to vector<1024x256xf32>
    %mul3A_892 = arith.mulf %mul3A_890, %mul3A_891 : vector<1024x256xf32>
    %add3A_893 = arith.addf %mul3A_884, %mul3A_892 : vector<1024x256xf32>
    %get3A_894 = arith.constant 0 : index
    %get3A_895 = arith.constant 0 : index
    %get3A_896 = vector.load %arg4[%get3A_894, %get3A_895] : memref<1x256xf32, #tpu.memory_space<vmem>>, vector<1x256xf32>
    %add3A_897 = vector.broadcast %get3A_896 : vector<1x256xf32> to vector<1024x256xf32>
    %add3A_898 = arith.addf %add3A_893, %add3A_897 : vector<1024x256xf32>
    %max3A_899 = arith.constant 0.000000e+00 : f32
    %max3A_900 = vector.broadcast %max3A_899 : f32 to vector<1024x256xf32>
    %max3A_901 = arith.maximumf %add3A_898, %max3A_900 : vector<1024x256xf32>
    %reduce_sum3A_902 = arith.constant dense<0.000000e+00> : vector<1024xf32>
    %reduce_sum3A_903 = vector.multi_reduction <add>, %max3A_901, %reduce_sum3A_902 [1] : vector<1024x256xf32> to vector<1024xf32>
    %broadcast_in_dim3A_904 = vector.shape_cast %reduce_sum3A_903 : vector<1024xf32> to vector<1024x1xf32>
    %div3A_905 = arith.constant 2.560000e+02 : f32
    %div3A_906 = vector.broadcast %div3A_905 : f32 to vector<1024x1xf32>
    %div3A_907 = arith.divf %broadcast_in_dim3A_904, %div3A_906 : vector<1024x1xf32>
    %sub3A_908 = vector.broadcast %div3A_907 : vector<1024x1xf32> to vector<1024x256xf32>
    %sub3A_909 = arith.subf %max3A_901, %sub3A_908 : vector<1024x256xf32>
    %mul3A_910 = arith.mulf %sub3A_909, %sub3A_909 : vector<1024x256xf32>
    %reduce_sum3A_911 = arith.constant dense<0.000000e+00> : vector<1024xf32>
    %reduce_sum3A_912 = vector.multi_reduction <add>, %mul3A_910, %reduce_sum3A_911 [1] : vector<1024x256xf32> to vector<1024xf32>
    %broadcast_in_dim3A_913 = vector.shape_cast %reduce_sum3A_912 : vector<1024xf32> to vector<1024x1xf32>
    %div3A_914 = arith.constant 2.560000e+02 : f32
    %div3A_915 = vector.broadcast %div3A_914 : f32 to vector<1024x1xf32>
    %div3A_916 = arith.divf %broadcast_in_dim3A_913, %div3A_915 : vector<1024x1xf32>
    %add3A_917 = arith.constant 9.99999974E-6 : f32
    %add3A_918 = vector.broadcast %add3A_917 : f32 to vector<1024x1xf32>
    %add3A_919 = arith.addf %div3A_916, %add3A_918 : vector<1024x1xf32>
    %sqrt3A_920 = math.sqrt %add3A_919 : vector<1024x1xf32>
    %div3A_921 = vector.broadcast %sqrt3A_920 : vector<1024x1xf32> to vector<1024x256xf32>
    %div3A_922 = arith.divf %sub3A_909, %div3A_921 : vector<1024x256xf32>
    %get3A_923 = arith.constant 0 : index
    %get3A_924 = arith.constant 0 : index
    %get3A_925 = vector.load %arg5[%get3A_923, %get3A_924] : memref<1x256xf32, #tpu.memory_space<vmem>>, vector<1x256xf32>
    %mul3A_926 = vector.broadcast %get3A_925 : vector<1x256xf32> to vector<1024x256xf32>
    %mul3A_927 = arith.mulf %div3A_922, %mul3A_926 : vector<1024x256xf32>
    %get3A_928 = arith.constant 0 : index
    %get3A_929 = arith.constant 0 : index
    %get3A_930 = vector.load %arg6[%get3A_928, %get3A_929] : memref<1x256xf32, #tpu.memory_space<vmem>>, vector<1x256xf32>
    %add3A_931 = vector.broadcast %get3A_930 : vector<1x256xf32> to vector<1024x256xf32>
    %add3A_932 = arith.addf %mul3A_927, %add3A_931 : vector<1024x256xf32>
    %iota3A_933 = tpu.iota {dimensions = array<i32: 0>} : vector<1024x1xi32>
    %add3A_934 = arith.constant 8192 : i32
    %add3A_935 = vector.broadcast %add3A_934 : i32 to vector<1024x1xi32>
    %add3A_936 = arith.addi %add3A_935, %iota3A_933 : vector<1024x1xi32>
    %lt3A_937 = arith.constant 10000 : i32
    %lt3A_938 = vector.broadcast %lt3A_937 : i32 to vector<1024x1xi32>
    %lt3A_939 = arith.cmpi slt, %add3A_936, %lt3A_938 : vector<1024x1xi32>
    %jit3A_940 = arith.constant 0.000000e+00 : f32
    %broadcast_in_dim3A_941 = vector.shape_cast %lt3A_939 : vector<1024x1xi1> to vector<1024x1xi1>
    %broadcast_in_dim3A_942 = vector.broadcast %broadcast_in_dim3A_941 : vector<1024x1xi1> to vector<1024x256xi1>
    %broadcast_in_dim3A_943 = vector.broadcast %jit3A_940 : f32 to vector<1024x256xf32>
    %select_n3A_944 = arith.select %broadcast_in_dim3A_942, %add3A_932, %broadcast_in_dim3A_943 : vector<1024x256xi1>, vector<1024x256xf32>
    %reduce_sum3A_945 = arith.constant dense<0.000000e+00> : vector<256xf32>
    %reduce_sum3A_946 = vector.multi_reduction <add>, %select_n3A_944, %reduce_sum3A_945 [0] : vector<1024x256xf32> to vector<256xf32>
    %broadcast_in_dim3A_947 = vector.shape_cast %reduce_sum3A_946 : vector<256xf32> to vector<1x256xf32>
    %add3A_948 = arith.addf %add3A_870, %broadcast_in_dim3A_947 : vector<1x256xf32>
    %slice3A_949 = vector.extract_strided_slice %add3A_247 {offsets = [72, 0], sizes = [8, 128], strides = [1, 1]} : vector<80x128xf32> to vector<8x128xf32>
    %reshape3A_950 = vector.shape_cast %slice3A_949 : vector<8x128xf32> to vector<1024xf32>
    %slice3A_951 = vector.extract_strided_slice %add3A_251 {offsets = [72, 0], sizes = [8, 128], strides = [1, 1]} : vector<80x128xf32> to vector<8x128xf32>
    %reshape3A_952 = vector.shape_cast %slice3A_951 : vector<8x128xf32> to vector<1024xf32>
    %slice3A_953 = vector.extract_strided_slice %get3A_254 {offsets = [72, 0], sizes = [8, 128], strides = [1, 1]} : vector<80x128xf32> to vector<8x128xf32>
    %reshape3A_954 = vector.shape_cast %slice3A_953 : vector<8x128xf32> to vector<1024xf32>
    %mul3A_955 = arith.mulf %reshape3A_950, %reshape3A_954 : vector<1024xf32>
    %broadcast_in_dim3A_956 = vector.shape_cast %mul3A_955 : vector<1024xf32> to vector<1024x1xf32>
    %slice3A_957 = vector.extract_strided_slice %convert_element_type3A_258 {offsets = [0, 0], sizes = [1, 256], strides = [1, 1]} : vector<2x256xf32> to vector<1x256xf32>
    %squeeze3A_958 = vector.shape_cast %slice3A_957 : vector<1x256xf32> to vector<256xf32>
    %broadcast_in_dim3A_959 = vector.shape_cast %squeeze3A_958 : vector<256xf32> to vector<1x256xf32>
    %mul3A_960 = vector.broadcast %broadcast_in_dim3A_956 : vector<1024x1xf32> to vector<1024x256xf32>
    %mul3A_961 = vector.broadcast %broadcast_in_dim3A_959 : vector<1x256xf32> to vector<1024x256xf32>
    %mul3A_962 = arith.mulf %mul3A_960, %mul3A_961 : vector<1024x256xf32>
    %mul3A_963 = arith.mulf %reshape3A_952, %reshape3A_954 : vector<1024xf32>
    %broadcast_in_dim3A_964 = vector.shape_cast %mul3A_963 : vector<1024xf32> to vector<1024x1xf32>
    %slice3A_965 = vector.extract_strided_slice %convert_element_type3A_258 {offsets = [1, 0], sizes = [1, 256], strides = [1, 1]} : vector<2x256xf32> to vector<1x256xf32>
    %squeeze3A_966 = vector.shape_cast %slice3A_965 : vector<1x256xf32> to vector<256xf32>
    %broadcast_in_dim3A_967 = vector.shape_cast %squeeze3A_966 : vector<256xf32> to vector<1x256xf32>
    %mul3A_968 = vector.broadcast %broadcast_in_dim3A_964 : vector<1024x1xf32> to vector<1024x256xf32>
    %mul3A_969 = vector.broadcast %broadcast_in_dim3A_967 : vector<1x256xf32> to vector<1024x256xf32>
    %mul3A_970 = arith.mulf %mul3A_968, %mul3A_969 : vector<1024x256xf32>
    %add3A_971 = arith.addf %mul3A_962, %mul3A_970 : vector<1024x256xf32>
    %get3A_972 = arith.constant 0 : index
    %get3A_973 = arith.constant 0 : index
    %get3A_974 = vector.load %arg4[%get3A_972, %get3A_973] : memref<1x256xf32, #tpu.memory_space<vmem>>, vector<1x256xf32>
    %add3A_975 = vector.broadcast %get3A_974 : vector<1x256xf32> to vector<1024x256xf32>
    %add3A_976 = arith.addf %add3A_971, %add3A_975 : vector<1024x256xf32>
    %max3A_977 = arith.constant 0.000000e+00 : f32
    %max3A_978 = vector.broadcast %max3A_977 : f32 to vector<1024x256xf32>
    %max3A_979 = arith.maximumf %add3A_976, %max3A_978 : vector<1024x256xf32>
    %reduce_sum3A_980 = arith.constant dense<0.000000e+00> : vector<1024xf32>
    %reduce_sum3A_981 = vector.multi_reduction <add>, %max3A_979, %reduce_sum3A_980 [1] : vector<1024x256xf32> to vector<1024xf32>
    %broadcast_in_dim3A_982 = vector.shape_cast %reduce_sum3A_981 : vector<1024xf32> to vector<1024x1xf32>
    %div3A_983 = arith.constant 2.560000e+02 : f32
    %div3A_984 = vector.broadcast %div3A_983 : f32 to vector<1024x1xf32>
    %div3A_985 = arith.divf %broadcast_in_dim3A_982, %div3A_984 : vector<1024x1xf32>
    %sub3A_986 = vector.broadcast %div3A_985 : vector<1024x1xf32> to vector<1024x256xf32>
    %sub3A_987 = arith.subf %max3A_979, %sub3A_986 : vector<1024x256xf32>
    %mul3A_988 = arith.mulf %sub3A_987, %sub3A_987 : vector<1024x256xf32>
    %reduce_sum3A_989 = arith.constant dense<0.000000e+00> : vector<1024xf32>
    %reduce_sum3A_990 = vector.multi_reduction <add>, %mul3A_988, %reduce_sum3A_989 [1] : vector<1024x256xf32> to vector<1024xf32>
    %broadcast_in_dim3A_991 = vector.shape_cast %reduce_sum3A_990 : vector<1024xf32> to vector<1024x1xf32>
    %div3A_992 = arith.constant 2.560000e+02 : f32
    %div3A_993 = vector.broadcast %div3A_992 : f32 to vector<1024x1xf32>
    %div3A_994 = arith.divf %broadcast_in_dim3A_991, %div3A_993 : vector<1024x1xf32>
    %add3A_995 = arith.constant 9.99999974E-6 : f32
    %add3A_996 = vector.broadcast %add3A_995 : f32 to vector<1024x1xf32>
    %add3A_997 = arith.addf %div3A_994, %add3A_996 : vector<1024x1xf32>
    %sqrt3A_998 = math.sqrt %add3A_997 : vector<1024x1xf32>
    %div3A_999 = vector.broadcast %sqrt3A_998 : vector<1024x1xf32> to vector<1024x256xf32>
    %div3A_1000 = arith.divf %sub3A_987, %div3A_999 : vector<1024x256xf32>
    %get3A_1001 = arith.constant 0 : index
    %get3A_1002 = arith.constant 0 : index
    %get3A_1003 = vector.load %arg5[%get3A_1001, %get3A_1002] : memref<1x256xf32, #tpu.memory_space<vmem>>, vector<1x256xf32>
    %mul3A_1004 = vector.broadcast %get3A_1003 : vector<1x256xf32> to vector<1024x256xf32>
    %mul3A_1005 = arith.mulf %div3A_1000, %mul3A_1004 : vector<1024x256xf32>
    %get3A_1006 = arith.constant 0 : index
    %get3A_1007 = arith.constant 0 : index
    %get3A_1008 = vector.load %arg6[%get3A_1006, %get3A_1007] : memref<1x256xf32, #tpu.memory_space<vmem>>, vector<1x256xf32>
    %add3A_1009 = vector.broadcast %get3A_1008 : vector<1x256xf32> to vector<1024x256xf32>
    %add3A_1010 = arith.addf %mul3A_1005, %add3A_1009 : vector<1024x256xf32>
    %iota3A_1011 = tpu.iota {dimensions = array<i32: 0>} : vector<1024x1xi32>
    %add3A_1012 = arith.constant 9216 : i32
    %add3A_1013 = vector.broadcast %add3A_1012 : i32 to vector<1024x1xi32>
    %add3A_1014 = arith.addi %add3A_1013, %iota3A_1011 : vector<1024x1xi32>
    %lt3A_1015 = arith.constant 10000 : i32
    %lt3A_1016 = vector.broadcast %lt3A_1015 : i32 to vector<1024x1xi32>
    %lt3A_1017 = arith.cmpi slt, %add3A_1014, %lt3A_1016 : vector<1024x1xi32>
    %jit3A_1018 = arith.constant 0.000000e+00 : f32
    %broadcast_in_dim3A_1019 = vector.shape_cast %lt3A_1017 : vector<1024x1xi1> to vector<1024x1xi1>
    %broadcast_in_dim3A_1020 = vector.broadcast %broadcast_in_dim3A_1019 : vector<1024x1xi1> to vector<1024x256xi1>
    %broadcast_in_dim3A_1021 = vector.broadcast %jit3A_1018 : f32 to vector<1024x256xf32>
    %select_n3A_1022 = arith.select %broadcast_in_dim3A_1020, %add3A_1010, %broadcast_in_dim3A_1021 : vector<1024x256xi1>, vector<1024x256xf32>
    %reduce_sum3A_1023 = arith.constant dense<0.000000e+00> : vector<256xf32>
    %reduce_sum3A_1024 = vector.multi_reduction <add>, %select_n3A_1022, %reduce_sum3A_1023 [0] : vector<1024x256xf32> to vector<256xf32>
    %broadcast_in_dim3A_1025 = vector.shape_cast %reduce_sum3A_1024 : vector<256xf32> to vector<1x256xf32>
    %add3A_1026 = arith.addf %add3A_948, %broadcast_in_dim3A_1025 : vector<1x256xf32>
    %convert_element_type3A_1027 = arith.truncf %add3A_1026 : vector<1x256xf32> to vector<1x256xbf16>
    %convert_element_type3A_1028 = arith.extf %convert_element_type3A_1027 : vector<1x256xbf16> to vector<1x256xf32>
    %get3A_1029 = arith.constant 0 : index
    %get3A_1030 = arith.constant 0 : index
    %get3A_1031 = vector.load %arg7[%get3A_1029, %get3A_1030] : memref<256x256xf32, #tpu.memory_space<vmem>>, vector<256x256xf32>
    %convert_element_type3A_1032 = arith.truncf %get3A_1031 : vector<256x256xf32> to vector<256x256xbf16>
    %convert_element_type3A_1033 = arith.extf %convert_element_type3A_1032 : vector<256x256xbf16> to vector<256x256xf32>
    %dot_general3A = arith.constant dense<0.000000e+00> : vector<1x256xf32>
    %dot_general3A_1034 = tpu.matmul %convert_element_type3A_1028, %convert_element_type3A_1033, %dot_general3A {dimension_numbers = #tpu.dot_dimension_numbers<[1], [0], [0], [1], [0, 0, 1, 1], [], []>, transpose_lhs_hint = false} : vector<1x256xf32>, vector<256x256xf32>, vector<1x256xf32> -> vector<1x256xf32>
    %get3A_1035 = arith.constant 0 : index
    %get3A_1036 = arith.constant 0 : index
    %get3A_1037 = vector.load %arg8[%get3A_1035, %get3A_1036] : memref<1x256xf32, #tpu.memory_space<vmem>>, vector<1x256xf32>
    %add3A_1038 = arith.addf %dot_general3A_1034, %get3A_1037 : vector<1x256xf32>
    %max3A_1039 = arith.constant 0.000000e+00 : f32
    %max3A_1040 = vector.broadcast %max3A_1039 : f32 to vector<1x256xf32>
    %max3A_1041 = arith.maximumf %add3A_1038, %max3A_1040 : vector<1x256xf32>
    %convert_element_type3A_1042 = arith.truncf %max3A_1041 : vector<1x256xf32> to vector<1x256xbf16>
    %convert_element_type3A_1043 = arith.extf %convert_element_type3A_1042 : vector<1x256xbf16> to vector<1x256xf32>
    %get3A_1044 = arith.constant 0 : index
    %get3A_1045 = arith.constant 0 : index
    %get3A_1046 = vector.load %arg9[%get3A_1044, %get3A_1045] : memref<256x128xf32, #tpu.memory_space<vmem>>, vector<256x128xf32>
    %convert_element_type3A_1047 = arith.truncf %get3A_1046 : vector<256x128xf32> to vector<256x128xbf16>
    %convert_element_type3A_1048 = arith.extf %convert_element_type3A_1047 : vector<256x128xbf16> to vector<256x128xf32>
    %dot_general3A_1049 = arith.constant dense<0.000000e+00> : vector<1x128xf32>
    %dot_general3A_1050 = tpu.matmul %convert_element_type3A_1043, %convert_element_type3A_1048, %dot_general3A_1049 {dimension_numbers = #tpu.dot_dimension_numbers<[1], [0], [0], [1], [0, 0, 1, 1], [], []>, transpose_lhs_hint = false} : vector<1x256xf32>, vector<256x128xf32>, vector<1x128xf32> -> vector<1x128xf32>
    %get3A_1051 = arith.constant 0 : index
    %get3A_1052 = arith.constant 0 : index
    %get3A_1053 = vector.load %arg10[%get3A_1051, %get3A_1052] : memref<1x128xf32, #tpu.memory_space<vmem>>, vector<1x128xf32>
    %add3A_1054 = arith.addf %dot_general3A_1050, %get3A_1053 : vector<1x128xf32>
    %iota3A_1055 = tpu.iota {dimensions = array<i32: 1>} : vector<1x128xi32>
    %lt3A_1056 = arith.constant 10 : i32
    %lt3A_1057 = vector.broadcast %lt3A_1056 : i32 to vector<1x128xi32>
    %lt3A_1058 = arith.cmpi slt, %iota3A_1055, %lt3A_1057 : vector<1x128xi32>
    %jit3A_1059 = arith.constant 0xFF800000 : f32
    %broadcast_in_dim3A_1060 = vector.broadcast %jit3A_1059 : f32 to vector<1x128xf32>
    %select_n3A_1061 = arith.select %lt3A_1058, %add3A_1054, %broadcast_in_dim3A_1060 : vector<1x128xi1>, vector<1x128xf32>
    %reduce_max3A = arith.constant dense<0xFF800000> : vector<1xf32>
    %reduce_max3A_1062 = vector.multi_reduction <maximumf>, %select_n3A_1061, %reduce_max3A [1] : vector<1x128xf32> to vector<1xf32>
    %broadcast_in_dim3A_1063 = vector.shape_cast %reduce_max3A_1062 : vector<1xf32> to vector<1x1xf32>
    %sub3A_1064 = vector.broadcast %broadcast_in_dim3A_1063 : vector<1x1xf32> to vector<1x128xf32>
    %sub3A_1065 = arith.subf %select_n3A_1061, %sub3A_1064 : vector<1x128xf32>
    %exp3A = math.exp %sub3A_1065 : vector<1x128xf32>
    %reduce_sum3A_1066 = arith.constant dense<0.000000e+00> : vector<1xf32>
    %reduce_sum3A_1067 = vector.multi_reduction <add>, %exp3A, %reduce_sum3A_1066 [1] : vector<1x128xf32> to vector<1xf32>
    %broadcast_in_dim3A_1068 = vector.shape_cast %reduce_sum3A_1067 : vector<1xf32> to vector<1x1xf32>
    %log3A = math.log %broadcast_in_dim3A_1068 : vector<1x1xf32>
    %add3A_1069 = arith.addf %log3A, %broadcast_in_dim3A_1063 : vector<1x1xf32>
    %sub3A_1070 = vector.broadcast %add3A_1069 : vector<1x1xf32> to vector<1x128xf32>
    %sub3A_1071 = arith.subf %select_n3A_1061, %sub3A_1070 : vector<1x128xf32>
    %swap3A = arith.constant 0 : index
    %swap3A_1072 = arith.constant 0 : index
    %swap3A_1073 = vector.load %arg11[%swap3A, %swap3A_1072] : memref<1x128xf32, #tpu.memory_space<vmem>>, vector<1x128xf32>
    tpu.vector_store %arg11[%swap3A, %swap3A_1072], %sub3A_1071 {strides = array<i32>} : memref<1x128xf32, #tpu.memory_space<vmem>>, vector<1x128xf32>,
    return
  }
}

</mosaic_0001>

<sc_bundles>
// kernel: kernel.6.cloned.1.call-start
scs
__scs_entry_jumppad:
0x0: {  	(pc) =	sbr.rel $0x88, $3  }
0x1: {  	(tag) =	ssettag $0x0;
	lr =	simm.s32 $0x1  }
0x2: {  	[smem:$0x3F97] =	sst lr;
	_ =	strace $0xD0000000  }
0x3: {  	_ = 	snop  }
0x4: {  	_ = 	snop  }
0x5: {  	_ = 	snop  }
0x6: {  	_ = 	snop  }
0x7: {  	_ = 	snop  }
__scs_overlays_trampoline_lowered:
0x8: {  	[smem:$0x3FA6] =	sst s0  }
0x9: {  	[smem:$0x3FA7] =	sst s1  }
0xa: {  	[smem:$0x3FA8] =	sst s2  }
0xb: {  	[smem:$0x3FA9] =	sst s3  }
0xc: {  	[smem:$0x3FAA] =	sst s4  }
0xd: {  	[smem:$0x3FAB] =	sst s5  }
0xe: {  	[smem:$0x3FAC] =	sst s6  }
0xf: {  	[smem:$0x3FAD] =	sst s7  }
0x10: {  	[smem:$0x3FAE] =	sst s8  }
0x11: {  	[smem:$0x3FAF] =	sst s9;
	s0 =	simm.s32 @!p0 $0x0  }
0x12: {  	s1 =	sld [smem:$0x3F95];
	s0 =	simm.s32 @p0 $0x1  }
0x13: {  	[smem:$0x3FB0] =	sst s0;
	s0 =	simm.s32 @!p1 $0x0  }
0x14: {  	s2 =	sld [smem:$0x3F94];
	s0 =	simm.s32 @p1 $0x1  }
0x15: {  	[smem:$0x3FB1] =	sst s0;
	s0 =	simm.s32 @!p2 $0x0  }
0x16: {  	s3 =	sld [smem:$0x3FDB];
	s0 =	simm.s32 @p2 $0x1  }
0x17: {  	s4 =	simm.s32 $0x1BF5;
	[smem:$0x3FB3] =	sst s0  }
0x18: {  	s0 =	sld [smem:$0x3F96];
	_ =	swait.ge [sflag:s4], $0x0  }
0x19: {  	s7 =	sld [smem:$0x3F97]  }
0x1a: {  	s8 =	sadd.s32 $0xFFFFE003, lr  }
0x1b: {  	s9 =	sadd.s32 $0xFFFFFEF7, lr;
	s5 =	simm.s32 $0xFFFFFFFF;
	p2 =	slt.u32 s8, $0xFFFFF086  }
0x1c: {  	p1 =	slt.u32 s9, $0xF7A;
	s5 =	simm.s32 @!p2 $0x0  }
0x1d: {  	s5 =	simm.s32 @p1 $0x1;
	p0 =	seq.s32 s7, s2  }
0x1e: {  	s7 =	smul.u32 @!p0 $0xF7A, s2;
	p2 =	seq.s32 @!p0 s5, $0x0  }
0x1f: {  	s9 =	smul.u32 $0xF7A, s1;
	s8 =	simm.s32 @!p0 $0x1BF5;
	p2 =	por !p2, p0  }
0x20: {  	[sflag:s8] =	ssyncset.s32 @!p0 $0xFFFFF086;
	s6 =	sadd.s32 @!p0 s3, s7;
	s7 =	simm.s32 @!p0 $0x108  }
0x21: {  	s3 =	sadd.s32 s3, s9;
	s6 =	sadd.s32 @!p0 $0x88, s6;
	s7 =	simm.s32 @p2 $0x1082  }
0x22: {  	[simem:s7], [sflag:s8] =	dma.local @!p0 [hbm:s6], $0xF7A  }
0x23: {  	s9 =	sor.u32 $0xD0000000, s2;
	s6 =	simm.s32 $0x108;
	_ =	swait.ge @!p0 [sflag:s8], $0x0  }
0x24: {  	s3 =	sadd.s32 $0x88, s3;
	s6 =	simm.s32 @!p1 $0x1082;
	[sflag:s4] =	ssyncset.s32 $0xFFFFF086  }
0x25: {  	[simem:s6], [sflag:s4] =	dma.local [hbm:s3], $0xF7A  }
0x26: {  	[smem:$0x3F97] =	sst s1;
	(tag) =	ssettag s2;
	_ =	strace s9  }
0x27: {  	s1 =	sld [smem:$0x3FA7]  }
0x28: {  	s2 =	sld [smem:$0x3FA8]  }
0x29: {  	s4 =	sld [smem:$0x3FAA]  }
0x2a: {  	p0 =	seq.s32 s5, $0x0;
	s5 =	sld [smem:$0x3FAB]  }
0x2b: {  	s6 =	sld [smem:$0x3FAC]  }
0x2c: {  	s7 =	sld [smem:$0x3FAD]  }
0x2d: {  	s3 =	simm.s32 $0x108;
	s8 =	sld [smem:$0x3FAE]  }
0x2e: {  	s3 =	simm.s32 @!p0 $0x1082;
	s9 =	sld [smem:$0x3FAF]  }
0x2f: {  	lr =	sadd.s32 s0, s3;
	s0 =	sld [smem:$0x3FA6]  }
0x30: {  	s3 =	sld [smem:$0x3FA9]  }
0x31: {  	[smem:$0x3FB2] =	sst s10  }
0x32: {  	s10 =	sld [smem:$0x3FB0];
	_ =	sdelay $0x3  }
0x33: {  	p0 =	seq.s32 s10, $0x1;
	s10 =	sld [smem:$0x3FB2];
	_ =	sdelay $0x3  }
0x34: {  	[smem:$0x3FB2] =	sst s10  }
0x35: {  	s10 =	sld [smem:$0x3FB1];
	_ =	sdelay $0x3  }
0x36: {  	p1 =	seq.s32 s10, $0x1;
	s10 =	sld [smem:$0x3FB2];
	_ =	sdelay $0x3  }
0x37: {  	[smem:$0x3FB2] =	sst s10  }
0x38: {  	s10 =	sld [smem:$0x3FB3]  }
0x39: {  	_ = 	snop;
	(pc) =	sbr.ind lr, $3  }
0x3a: {  	_ = 	snop  }
0x3b: {  	_ = 	snop  }
0x3c: {  	p2 =	seq.s32 s10, $0x1;
	s10 =	sld [smem:$0x3FB2]  }
0x3d: {  	_ =	shalt  }
0x3e: {  	_ =	shalt  }
0x3f: {  	_ =	shalt  }
0x40: {  	_ =	shalt  }
0x41: {  	_ =	shalt  }
0x42: {  	_ =	shalt  }
0x43: {  	_ =	shalt  }
0x44: {  	_ =	shalt  }
0x45: {  	_ =	shalt  }
0x46: {  	_ =	shalt  }
0x47: {  	_ =	shalt  }
0x48: {  	_ =	shalt  }
0x49: {  	_ =	shalt  }
0x4a: {  	_ =	shalt  }
0x4b: {  	_ =	shalt  }
0x4c: {  	_ =	shalt  }
0x4d: {  	_ =	shalt  }
0x4e: {  	_ =	shalt  }
0x4f: {  	_ =	shalt  }
0x50: {  	_ =	shalt  }
0x51: {  	_ =	shalt  }
0x52: {  	_ =	shalt  }
0x53: {  	_ =	shalt  }
0x54: {  	_ =	shalt  }
0x55: {  	_ =	shalt  }
0x56: {  	_ =	shalt  }
0x57: {  	_ =	shalt  }
0x58: {  	_ =	shalt  }
0x59: {  	_ =	shalt  }
0x5a: {  	_ =	shalt  }
0x5b: {  	_ =	shalt  }
0x5c: {  	_ =	shalt  }
0x5d: {  	_ =	shalt  }
0x5e: {  	_ =	shalt  }
0x5f: {  	_ =	shalt  }
0x60: {  	_ =	shalt  }
0x61: {  	_ =	shalt  }
0x62: {  	_ =	shalt  }
0x63: {  	_ =	shalt  }
0x64: {  	_ =	shalt  }
0x65: {  	_ =	shalt  }
0x66: {  	_ =	shalt  }
0x67: {  	_ =	shalt  }
0x68: {  	_ =	shalt  }
0x69: {  	_ =	shalt  }
0x6a: {  	_ =	shalt  }
0x6b: {  	_ =	shalt  }
0x6c: {  	_ =	shalt  }
0x6d: {  	_ =	shalt  }
0x6e: {  	_ =	shalt  }
0x6f: {  	_ =	shalt  }
0x70: {  	_ =	shalt  }
0x71: {  	_ =	shalt  }
0x72: {  	_ =	shalt  }
0x73: {  	_ =	shalt  }
0x74: {  	_ =	shalt  }
0x75: {  	_ =	shalt  }
0x76: {  	_ =	shalt  }
0x77: {  	_ =	shalt  }
0x78: {  	_ =	shalt  }
0x79: {  	_ =	shalt  }
0x7a: {  	_ =	shalt  }
0x7b: {  	_ =	shalt  }
0x7c: {  	_ =	shalt  }
0x7d: {  	_ =	shalt  }
0x7e: {  	_ =	shalt  }
0x7f: {  	_ =	shalt  }
0x80: {  	_ =	shalt  }
0x81: {  	_ =	shalt  }
0x82: {  	_ =	shalt  }
0x83: {  	_ =	shalt  }
0x84: {  	_ =	shalt  }
0x85: {  	_ =	shalt  }
0x86: {  	_ =	shalt  }
0x87: {  	_ =	shalt  }
.Lfunc_end0:
.L_simem_size_0:
called_computation_lowered:
.L_overlay_start_0:
0x88: {  	s2 =	sld [smem:$0x3FD9]  }
0x89: {  	s3 =	sld [smem:$0x3FFE];
	_ =	sdelay $0x1  }
0x8a: {  	s1 =	srdreg.scid  }
0x8b: {  	s0 =	sand.u32 $0x1, s1  }
0x8c: {  	s16 =	sshll.u32 s0, $0xA;
	s2 =	sadd.s32 s3, s2  }
0x8d: {  	s2 =	sadd.s32 s2, s16  }
0x8e: {  	[smem:$0x3FBE] =	sst s2  }
0x8f: {  	_ = 	snop  }
0x90: {  	(tm) =	ssettm $0x1  }
0x91: {  	s17 =	sld [smem:$0x3FFB];
	_ =	sdelay $0x3  }
0x92: {  	_ =	strace s17  }
0x93: {  	s2 =	sld [smem:$0x3FFC];
	_ =	sdelay $0x3  }
0x94: {  	_ =	strace s2  }
0x95: {  	s2 =	sld [smem:$0x3FFD];
	_ =	sdelay $0x3  }
0x96: {  	_ =	strace s2  }
0x97: {  	_ =	strace $0x8FFFFFFF  }
0x98: {  	s18 =	sld [smem:$0x3FDB];
	_ =	sdelay $0x1  }
0x99: {  	s19 =	simm.s32 $_scs_section_size  }
0x9a: {  	s4 =	simm.s32 $_size__tile_overlayer_lowered;
	s5 =	simm.s32 $_tile_overlayer_lowered  }
0x9b: {  	s22 =	simm.s32 $0x1BFF;
	s21 =	sshll.u32 s5, $0x1;
	s2 =	sadd.s32 s19, s18  }
0x9c: {  	s6 =	simm.s32 $0x0;
	s20 =	sshll.u32 s4, $0x1;
	s4 =	sadd.s32 s21, s2  }
0x9d: {  	[timem:s6], [sflag:s22] =	dma.local [hbm:s4], s20  }
0x9e: {  	_ =	swait.ge [sflag:s22], s20  }
0x9f: {  	s3 =	ssub.s32 $0x0, s20;
	[sflag:s22] =	ssyncset.done $0x0  }
0xa0: {  	[sflag:s22] =	ssyncadd.s32 s3;
	_ =	sdelay $0x1  }
0xa1: {  	s23 =	simm.s32 $0x1B8B  }
0xa2: {  	_ =	swait.ge [sflag:s23], $0x1  }
0xa3: {  	[sflag:s23] =	ssyncset.done $0x0  }
0xa4: {  	s25 =	simm.s32 $0x1B8E;
	s24 =	sld [smem:$0x3FFE];
	[sflag:s23] =	ssyncadd.s32 $0xFFFFFFFF  }
0xa5: {  	s26 =	simm.s32 $execute0_lowered;
	[smem:$0x3FD2] =	sst s25  }
0xa6: {  	s4 =	sshll.u32 s26, $0x1;
	_ =	strace $0x80000046;
	[dreg:$0x1] =	wrdreg $0xFFFFFFFF  }
0xa7: {  	s28 =	simm.s32 $_size_execute0_lowered;
	s2 =	sadd.s32 s2, s4;
	[dreg:$0x0] =	wrdreg $0x0  }
0xa8: {  	s4 =	sshll.u32 s28, $0x1;
	[dreg:$0x2] =	wrdreg s2  }
0xa9: {  	[dreg:$0x3] =	wrdreg s4  }
0xaa: {  	[dreg:$0x4] =	wrdreg $0xC0  }
0xab: {  	_ =	task [dreg:s6], $0x5FFFF  }
0xac: {  	[dreg:$0x1] =	wrdreg $0xFFFFFFFF  }
0xad: {  	[dreg:$0x0] =	wrdreg $0x60  }
0xae: {  	[dreg:$0x2] =	wrdreg s24  }
0xaf: {  	[dreg:$0x3] =	wrdreg $0x9  }
0xb0: {  	_ =	task.clear_ibuf [dreg:s6], $0x4FFFF;
	_ =	strace $0x90000046  }
0xb1: {  	s29 =	simm.s32 $0x9;
	_ =	strace $0x80000048  }
0xb2: {  	_ =	swait.ge [sflag:s29], $0x1  }
0xb3: {  	[sflag:s29] =	ssyncadd.s32 $0xFFFFFFFF  }
0xb4: {  	_ =	strace $0x90000048  }
0xb5: {  	_ =	sfence  }
0xb6: {  	s30 =	sld [smem:$0x0];
	_ =	sdelay $0x2  }
0xb7: {  	s31 =	sshll.u32 s1, $0xD;
	s1 =	sshrl.u32 s1, $0x2  }
0xb8: {  	s3 =	sand.u32 $0x4000, s31;
	s1 =	sadd.s32 s1, s30  }
0xb9: {  	s0 =	sor.u32 s3, s0;
	s1 =	sshll.u32 s1, $0x11  }
0xba: {  	s0 =	sor.u32 s1, s0  }
0xbb: {  	s0 =	sadd.s32 $0x8F2B, s0  }
0xbc: {  	[sflag:s0] =	ssyncadd.remote.s32 $0x1  }
0xbd: {  	_ =	sfence.sel $0xFFFF  }
0xbe: {  	[dreg:$0x0] =	wrdreg $0xFFFFFFFF;
	(pc) =	sbr.abs _section_cstart, $3  }
0xbf: {  	[dreg:$0x1] =	wrdreg $0xFFFFFFFF  }
0xc0: {  	_ =	task.clear_ibuf [dreg:s6], $0x2FFFF;
	_ =	strace $0x9FFFFFFF  }
0xc1: {  	(tm) =	ssettm $0x7FFFFFFF  }
tec
execute0_lowered:
.L_overlay_start_1:
0x0: {  	(tag) =	ssettag $0x1  }
0x1: {  	s0 =	srdreg.scid;
	s5 =	rddreg [dreg:$0x0];
	s2 =	simm.s32 $0x0  }
0x2: {  	s11 =	simm.s32 $0x1000;
	s12 =	simm.s32 $0x3;
	s13 =	simm.s32 $0x3800  }
0x3: {  	s14 =	simm.s32 $0x800;
	s15 =	simm.s32 $0x1;
	s3 =	sand.u32 $0x1, s0  }
0x4: {  	s16 =	simm.s32 $0x2;
	s0 =	stileid.u32;
	s1 =	sshll.u32 s3, $0x4  }
0x5: {  	s17 =	simm.s32 $0x0;
	[smem:$0x7FF] =	sst s2;
	s4 =	sor.u32 s0, s1  }
0x6: {  	s30 =	ssub.s32 $0x2, s3;
	s3 =	sadd.s32 $0x16600, s5;
	s6 =	smul.u32 $0x2710, s4  }
0x7: {  	s1 =	rddreg [dreg:$0x1];
	s31 =	sshrl.u32 s30, $0x1;
	s4 =	smul.u32 $0x500, s4  }
0x8: {  	_ =	strace $0x80000047;
	s10 =	ssub.s32 s30, s31;
	s6 =	sshrl.u32 s6, $0x3  }
0x9: {  	s10 =	smax.u32 s10, $0x1;
	s9 =	sadd.s32 s4, s5;
	s8 =	sadd.s32 s6, s5  }
0xa: {  	s9 =	sadd.s32 $0x16C00, s9;
	s4 =	sadd.s32 $0xC840, s8;
	s5 =	sadd.s32 $0xC93A, s8  }
0xb: {  	v0 =	vimm.f32 $1.000000000e+00;
	s6 =	sadd.s32 $0xCA34, s8;
	s7 =	sadd.s32 $0xCB2E, s8;
	s8 =	sadd.s32 $0xCC28, s8  }
.LBB2_1:
0xc: {  	[tilespmem:s2], [sflag:$0x1] =	stream.linear.gather [hbm4b:s4+s2], $0x7D0, $0x38;
	[tilespmem:$0x6000] =	vst v63  }
0xd: {  	_ = 	snop  }
0xe: {  	[tilespmem:s11], [sflag:$0x3] =	stream.linear.gather [hbm4b:s3+s2], $0x2800, $0x38;
	[tilespmem:$0x6000] =	vst v63  }
0xf: {  	_ =	swait.ge [sflag:s12], $0x2800  }
0x10: {  	[sflag:s12] =	ssyncset.done $0x0  }
0x11: {  	[sflag:s12] =	ssyncadd.s32 $0xFFFFD800  }
0x12: {  	[tilespmem:s13], [sflag:$0x3] =	stream.linear.gather [hbm4b:s3+s2], $0x2800, $0x38;
	[tilespmem:$0x6000] =	vst v63  }
0x13: {  	_ =	swait.ge [sflag:s12], $0x2800  }
0x14: {  	[sflag:s12] =	ssyncset.done $0x0  }
0x15: {  	[sflag:s12] =	ssyncadd.s32 $0xFFFFD800  }
0x16: {  	[tilespmem:s14], [sflag:$0x2] =	stream.linear.gather [hbm4b:s5+s2], $0x7D0, $0x38;
	[tilespmem:$0x6000] =	vst v63  }
0x17: {  	_ =	swait.ge [sflag:s15], $0x7D0  }
0x18: {  	[sflag:s15] =	ssyncset.done $0x0  }
0x19: {  	s18 =	simm.s32 $0x0;
	[sflag:s15] =	ssyncadd.s32 $0xFFFFF830  }
.LBB2_2:
0x1a: {  	s19 =	sshra.s32 s18, $0x2  }
0x1b: {  	v1 =	vld [tilespmem:s19+$0x0];
	_ =	sdelay $0x7  }
0x1c: {  	[tilespmem:v1+s11+$0x0] =	vst.idx.add.f32.msk $0xffff, v0  }
0x1d: {  	v1 =	vld [tilespmem:s19+$0x10];
	_ =	sdelay $0x7  }
0x1e: {  	[tilespmem:v1+s13+$0x0] =	vst.idx.add.f32.msk $0xffff, v0  }
0x1f: {  	v1 =	vld [tilespmem:s19+$0x20];
	_ =	sdelay $0x7  }
0x20: {  	[tilespmem:v1+s11+$0x0] =	vst.idx.add.f32.msk $0xffff, v0  }
0x21: {  	v1 =	vld [tilespmem:s19+$0x30];
	_ =	sdelay $0x7  }
0x22: {  	[tilespmem:v1+s13+$0x0] =	vst.idx.add.f32.msk $0xffff, v0  }
0x23: {  	v1 =	vld [tilespmem:s19+$0x40];
	_ =	sdelay $0x2  }
0x24: {  	p0 =	sne.s32 s18, $0x1E00  }
.Ltmp0:
0x25: {  	_ = 	snop;
	(pc) =	sbr.rel @p0 .LBB2_2-.Ltmp0, $2  }
0x26: {  	_ =	sdelay $0x2  }
0x27: {  	s18 =	sadd.s32 $0x140, s18;
	[tilespmem:v1+s11+$0x0] =	vst.idx.add.f32.msk $0xffff, v0  }
0x28: {  	s18 =	simm.s32 $0x0  }
0x29: {  	[tilespmem:s18], [sflag:$0x1] =	stream.linear.gather [hbm4b:s6+s18], $0x7D0, $0x38;
	[tilespmem:$0x6000] =	vst v63  }
0x2a: {  	_ =	swait.ge [sflag:s16], $0x7D0  }
0x2b: {  	[sflag:s16] =	ssyncset.done $0x0  }
0x2c: {  	[sflag:s16] =	ssyncadd.s32 $0xFFFFF830  }
.LBB2_4:
0x2d: {  	s19 =	sshra.s32 s18, $0x2  }
0x2e: {  	v1 =	vld [tilespmem:s19+$0x800];
	_ =	sdelay $0x7  }
0x2f: {  	[tilespmem:v1+s11+$0x0] =	vst.idx.add.f32.msk $0xffff, v0  }
0x30: {  	v1 =	vld [tilespmem:s19+$0x810];
	_ =	sdelay $0x7  }
0x31: {  	[tilespmem:v1+s13+$0x0] =	vst.idx.add.f32.msk $0xffff, v0  }
0x32: {  	v1 =	vld [tilespmem:s19+$0x820];
	_ =	sdelay $0x7  }
0x33: {  	[tilespmem:v1+s11+$0x0] =	vst.idx.add.f32.msk $0xffff, v0  }
0x34: {  	v1 =	vld [tilespmem:s19+$0x830];
	_ =	sdelay $0x7  }
0x35: {  	[tilespmem:v1+s13+$0x0] =	vst.idx.add.f32.msk $0xffff, v0  }
0x36: {  	v1 =	vld [tilespmem:s19+$0x840];
	_ =	sdelay $0x2  }
0x37: {  	p0 =	sne.s32 s18, $0x1E00  }
.Ltmp1:
0x38: {  	_ = 	snop;
	(pc) =	sbr.rel @p0 .LBB2_4-.Ltmp1, $2  }
0x39: {  	_ =	sdelay $0x2  }
0x3a: {  	s18 =	sadd.s32 $0x140, s18;
	[tilespmem:v1+s11+$0x0] =	vst.idx.add.f32.msk $0xffff, v0  }
0x3b: {  	s18 =	simm.s32 $0x0  }
0x3c: {  	[tilespmem:s14], [sflag:$0x2] =	stream.linear.gather [hbm4b:s7+s18], $0x7D0, $0x38;
	[tilespmem:$0x6000] =	vst v63  }
0x3d: {  	_ =	swait.ge [sflag:s15], $0x7D0  }
0x3e: {  	[sflag:s15] =	ssyncset.done $0x0  }
0x3f: {  	[sflag:s15] =	ssyncadd.s32 $0xFFFFF830  }
.LBB2_6:
0x40: {  	s19 =	sshra.s32 s18, $0x2  }
0x41: {  	v1 =	vld [tilespmem:s19+$0x0];
	_ =	sdelay $0x7  }
0x42: {  	[tilespmem:v1+s11+$0x0] =	vst.idx.add.f32.msk $0xffff, v0  }
0x43: {  	v1 =	vld [tilespmem:s19+$0x10];
	_ =	sdelay $0x7  }
0x44: {  	[tilespmem:v1+s13+$0x0] =	vst.idx.add.f32.msk $0xffff, v0  }
0x45: {  	v1 =	vld [tilespmem:s19+$0x20];
	_ =	sdelay $0x7  }
0x46: {  	[tilespmem:v1+s11+$0x0] =	vst.idx.add.f32.msk $0xffff, v0  }
0x47: {  	v1 =	vld [tilespmem:s19+$0x30];
	_ =	sdelay $0x7  }
0x48: {  	[tilespmem:v1+s13+$0x0] =	vst.idx.add.f32.msk $0xffff, v0  }
0x49: {  	v1 =	vld [tilespmem:s19+$0x40];
	_ =	sdelay $0x2  }
0x4a: {  	p0 =	sne.s32 s18, $0x1E00  }
.Ltmp2:
0x4b: {  	_ = 	snop;
	(pc) =	sbr.rel @p0 .LBB2_6-.Ltmp2, $2  }
0x4c: {  	_ =	sdelay $0x2  }
0x4d: {  	s18 =	sadd.s32 $0x140, s18;
	[tilespmem:v1+s11+$0x0] =	vst.idx.add.f32.msk $0xffff, v0  }
0x4e: {  	s18 =	simm.s32 $0x0  }
0x4f: {  	[tilespmem:s18], [sflag:$0x1] =	stream.linear.gather [hbm4b:s8+s18], $0x7D0, $0x38;
	[tilespmem:$0x6000] =	vst v63  }
0x50: {  	_ =	swait.ge [sflag:s16], $0x7D0  }
0x51: {  	[sflag:s16] =	ssyncset.done $0x0  }
0x52: {  	[sflag:s16] =	ssyncadd.s32 $0xFFFFF830  }
.LBB2_8:
0x53: {  	s19 =	sshra.s32 s18, $0x2  }
0x54: {  	v1 =	vld [tilespmem:s19+$0x800];
	_ =	sdelay $0x7  }
0x55: {  	[tilespmem:v1+s11+$0x0] =	vst.idx.add.f32.msk $0xffff, v0  }
0x56: {  	v1 =	vld [tilespmem:s19+$0x810];
	_ =	sdelay $0x7  }
0x57: {  	[tilespmem:v1+s13+$0x0] =	vst.idx.add.f32.msk $0xffff, v0  }
0x58: {  	v1 =	vld [tilespmem:s19+$0x820];
	_ =	sdelay $0x7  }
0x59: {  	[tilespmem:v1+s11+$0x0] =	vst.idx.add.f32.msk $0xffff, v0  }
0x5a: {  	v1 =	vld [tilespmem:s19+$0x830];
	_ =	sdelay $0x7  }
0x5b: {  	[tilespmem:v1+s13+$0x0] =	vst.idx.add.f32.msk $0xffff, v0  }
0x5c: {  	v1 =	vld [tilespmem:s19+$0x840];
	_ =	sdelay $0x2  }
0x5d: {  	p0 =	sne.s32 s18, $0x1E00  }
.Ltmp3:
0x5e: {  	_ = 	snop;
	(pc) =	sbr.rel @p0 .LBB2_8-.Ltmp3, $2  }
0x5f: {  	_ =	sdelay $0x2  }
0x60: {  	s18 =	sadd.s32 $0x140, s18;
	[tilespmem:v1+s11+$0x0] =	vst.idx.add.f32.msk $0xffff, v0  }
0x61: {  	_ =	swait.ge [sflag:s15], $0x7D0  }
0x62: {  	[sflag:s15] =	ssyncset.done $0x0  }
0x63: {  	s18 =	simm.s32 $0x0;
	[sflag:s15] =	ssyncadd.s32 $0xFFFFF830  }
.LBB2_10:
0x64: {  	s19 =	sshra.s32 s18, $0x2  }
0x65: {  	v1 =	vld [tilespmem:s19+$0x0];
	_ =	sdelay $0x7  }
0x66: {  	[tilespmem:v1+s11+$0x0] =	vst.idx.add.f32.msk $0xffff, v0  }
0x67: {  	v1 =	vld [tilespmem:s19+$0x10];
	_ =	sdelay $0x7  }
0x68: {  	[tilespmem:v1+s13+$0x0] =	vst.idx.add.f32.msk $0xffff, v0  }
0x69: {  	v1 =	vld [tilespmem:s19+$0x20];
	_ =	sdelay $0x7  }
0x6a: {  	[tilespmem:v1+s11+$0x0] =	vst.idx.add.f32.msk $0xffff, v0  }
0x6b: {  	v1 =	vld [tilespmem:s19+$0x30];
	_ =	sdelay $0x7  }
0x6c: {  	[tilespmem:v1+s13+$0x0] =	vst.idx.add.f32.msk $0xffff, v0  }
0x6d: {  	v1 =	vld [tilespmem:s19+$0x40];
	_ =	sdelay $0x2  }
0x6e: {  	p0 =	sne.s32 s18, $0x1E00  }
.Ltmp4:
0x6f: {  	_ = 	snop;
	(pc) =	sbr.rel @p0 .LBB2_10-.Ltmp4, $2  }
0x70: {  	_ =	sdelay $0x2  }
0x71: {  	s18 =	sadd.s32 $0x140, s18;
	[tilespmem:v1+s11+$0x0] =	vst.idx.add.f32.msk $0xffff, v0  }
0x72: {  	s18 =	simm.s32 $0x0  }
0x73: {  	v4 =	vld [tilespmem:s18+$0x3800]  }
0x74: {  	v5 =	vld [tilespmem:s18+$0x3810]  }
0x75: {  	v3 =	vld [tilespmem:s18+$0x3820]  }
0x76: {  	v2 =	vld [tilespmem:s18+$0x3830]  }
0x77: {  	v1 =	vld [tilespmem:s18+$0x3840]  }
0x78: {  	v8 =	vld [tilespmem:s18+$0x1000]  }
0x79: {  	v9 =	vld [tilespmem:s18+$0x1010]  }
0x7a: {  	v7 =	vld [tilespmem:s18+$0x1020]  }
0x7b: {  	s19 =	simm.s32 $0x140;
	v6 =	vld [tilespmem:s18+$0x1030]  }
.LBB2_12:
0x7c: {  	s20 =	sshra.s32 s19, $0x2;
	p0 =	sne.s32 s19, $0x9EC0;
	v10 =	vld [tilespmem:s18+$0x1040]  }
0x7d: {  	v8 =	vadd.f32 v4, v8;
	v4 =	vld [tilespmem:s20+$0x3800]  }
0x7e: {  	v9 =	vadd.f32 v5, v9;
	v5 =	vld [tilespmem:s20+$0x3810]  }
0x7f: {  	[tilespmem:s18+$0x1000] =	vst v8;
	v7 =	vadd.f32 v3, v7;
	v3 =	vld [tilespmem:s20+$0x3820]  }
0x80: {  	[tilespmem:s18+$0x1010] =	vst v9;
	v6 =	vadd.f32 v2, v6;
	v2 =	vld [tilespmem:s20+$0x3830]  }
.Ltmp5:
0x81: {  	[tilespmem:s18+$0x1020] =	vst v7;
	v7 =	vadd.f32 v1, v10;
	v1 =	vld [tilespmem:s20+$0x3840];
	(pc) =	sbr.rel @p0 .LBB2_12-.Ltmp5, $4  }
0x82: {  	v8 =	vld [tilespmem:s20+$0x1000];
	[tilespmem:s18+$0x1030] =	vst v6  }
0x83: {  	v9 =	vld [tilespmem:s20+$0x1010];
	[tilespmem:s18+$0x1040] =	vst v7;
	s18 =	smov.u32 s20  }
0x84: {  	v7 =	vld [tilespmem:s18+$0x1020]  }
0x85: {  	s19 =	sadd.s32 $0x140, s19;
	v6 =	vld [tilespmem:s18+$0x1030]  }
0x86: {  	v10 =	vld [tilespmem:s18+$0x1040]  }
0x87: {  	v4 =	vadd.f32 v4, v8  }
0x88: {  	v5 =	vadd.f32 v5, v9  }
0x89: {  	[tilespmem:s18+$0x1000] =	vst v4;
	v3 =	vadd.f32 v3, v7  }
0x8a: {  	[tilespmem:s18+$0x1010] =	vst v5;
	v2 =	vadd.f32 v2, v6  }
0x8b: {  	s17 =	sadd.s32 $0x1, s17;
	[tilespmem:s18+$0x1020] =	vst v3;
	v1 =	vadd.f32 v1, v10  }
0x8c: {  	p0 =	sne.s32 s17, s10;
	[tilespmem:s18+$0x1030] =	vst v2  }
.Ltmp6:
0x8d: {  	[tilespmem:s18+$0x1040] =	vst v1;
	(pc) =	sbr.rel @p0 .LBB2_1-.Ltmp6, $4  }
0x8e: {  	[hbm4b:s9+s2] =	stream.linear.scatter [tilespmem:s11], [sflag:$0x3], $0x2800, $0x38;
	[tilespmem:$0x6000] =	vst v63  }
0x8f: {  	_ =	swait.ge [sflag:s12], $0x2800  }
0x90: {  	[sflag:s12] =	ssyncset.done $0x0  }
0x91: {  	[sflag:s12] =	ssyncadd.s32 $0xFFFFD800  }
0x92: {  	_ =	sfence.sel $0x180000  }
0x93: {  	[bflag:$0x0] =	sbarrier.arrive $0xFFFF  }
0x94: {  	p0 =	sne.s32 s0, $0x0;
	_ =	strace $0x90000047  }
0x95: {  	s0 =	sadd.s32 @!p0 $0x100000, s1;
	[bflag:$0x2] =	sbarrier.arrive $0xFFFF  }
0x96: {  	[sflag:s0] =	ssyncadd.tile.s32 @!p0 $0x1;
	_ =	shalt  }
.Lfunc_end2:
_tile_overlayer_lowered:
.L_overlay_start_2:
0x97: {  	(tag) =	ssettag $0x2  }
0x98: {  	s0 =	rddreg [dreg:$0x0];
	s2 =	stileid.u32  }
0x99: {  	s1 =	rddreg [dreg:$0x1];
	p0 =	sne.s32 s2, $0x0  }
0x9a: {  	s3 =	rddreg [dreg:$0x2];
	[bflag:$0x3] =	sbarrier.arrive $0xFFFF;
	s2 =	simm.s32 @!p0 $0x1C03  }
0x9b: {  	[timem:s3], [sflag:s2] =	dma.local @!p0 [hbm:s0], s1  }
0x9c: {  	s0 =	simm.s32 @!p0 $0x3  }
0x9d: {  	_ =	swait.ge @!p0 [sflag:s0], s1  }
0x9e: {  	s1 =	ssub.s32 @!p0 $0x0, s1;
	[sflag:s0] =	ssyncset.done @!p0 $0x0  }
0x9f: {  	[sflag:s0] =	ssyncadd.s32 @!p0 s1  }
0xa0: {  	[bflag:$0x3] =	sbarrier.arrive $0xFFFF  }
0xa1: {  	_ =	shalt  }

// kernel: kernel.9.cloned.1.call-start
scs
__scs_entry_jumppad:
0x0: {  	(pc) =	sbr.rel $0x88, $3  }
0x1: {  	(tag) =	ssettag $0x0;
	lr =	simm.s32 $0x1  }
0x2: {  	[smem:$0x3F97] =	sst lr;
	_ =	strace $0xD0000000  }
0x3: {  	_ = 	snop  }
0x4: {  	_ = 	snop  }
0x5: {  	_ = 	snop  }
0x6: {  	_ = 	snop  }
0x7: {  	_ = 	snop  }
__scs_overlays_trampoline_lowered:
0x8: {  	[smem:$0x3FA6] =	sst s0  }
0x9: {  	[smem:$0x3FA7] =	sst s1  }
0xa: {  	[smem:$0x3FA8] =	sst s2  }
0xb: {  	[smem:$0x3FA9] =	sst s3  }
0xc: {  	[smem:$0x3FAA] =	sst s4  }
0xd: {  	[smem:$0x3FAB] =	sst s5  }
0xe: {  	[smem:$0x3FAC] =	sst s6  }
0xf: {  	[smem:$0x3FAD] =	sst s7  }
0x10: {  	[smem:$0x3FAE] =	sst s8  }
0x11: {  	[smem:$0x3FAF] =	sst s9;
	s0 =	simm.s32 @!p0 $0x0  }
0x12: {  	s1 =	sld [smem:$0x3F95];
	s0 =	simm.s32 @p0 $0x1  }
0x13: {  	[smem:$0x3FB0] =	sst s0;
	s0 =	simm.s32 @!p1 $0x0  }
0x14: {  	s2 =	sld [smem:$0x3F94];
	s0 =	simm.s32 @p1 $0x1  }
0x15: {  	[smem:$0x3FB1] =	sst s0;
	s0 =	simm.s32 @!p2 $0x0  }
0x16: {  	s3 =	sld [smem:$0x3FDB];
	s0 =	simm.s32 @p2 $0x1  }
0x17: {  	s4 =	simm.s32 $0x1BF5;
	[smem:$0x3FB3] =	sst s0  }
0x18: {  	s0 =	sld [smem:$0x3F96];
	_ =	swait.ge [sflag:s4], $0x0  }
0x19: {  	s7 =	sld [smem:$0x3F97]  }
0x1a: {  	s8 =	sadd.s32 $0xFFFFE003, lr  }
0x1b: {  	s9 =	sadd.s32 $0xFFFFFEF7, lr;
	s5 =	simm.s32 $0xFFFFFFFF;
	p2 =	slt.u32 s8, $0xFFFFF086  }
0x1c: {  	p1 =	slt.u32 s9, $0xF7A;
	s5 =	simm.s32 @!p2 $0x0  }
0x1d: {  	s5 =	simm.s32 @p1 $0x1;
	p0 =	seq.s32 s7, s2  }
0x1e: {  	s7 =	smul.u32 @!p0 $0xF7A, s2;
	p2 =	seq.s32 @!p0 s5, $0x0  }
0x1f: {  	s9 =	smul.u32 $0xF7A, s1;
	s8 =	simm.s32 @!p0 $0x1BF5;
	p2 =	por !p2, p0  }
0x20: {  	[sflag:s8] =	ssyncset.s32 @!p0 $0xFFFFF086;
	s6 =	sadd.s32 @!p0 s3, s7;
	s7 =	simm.s32 @!p0 $0x108  }
0x21: {  	s3 =	sadd.s32 s3, s9;
	s6 =	sadd.s32 @!p0 $0x88, s6;
	s7 =	simm.s32 @p2 $0x1082  }
0x22: {  	[simem:s7], [sflag:s8] =	dma.local @!p0 [hbm:s6], $0xF7A  }
0x23: {  	s9 =	sor.u32 $0xD0000000, s2;
	s6 =	simm.s32 $0x108;
	_ =	swait.ge @!p0 [sflag:s8], $0x0  }
0x24: {  	s3 =	sadd.s32 $0x88, s3;
	s6 =	simm.s32 @!p1 $0x1082;
	[sflag:s4] =	ssyncset.s32 $0xFFFFF086  }
0x25: {  	[simem:s6], [sflag:s4] =	dma.local [hbm:s3], $0xF7A  }
0x26: {  	[smem:$0x3F97] =	sst s1;
	(tag) =	ssettag s2;
	_ =	strace s9  }
0x27: {  	s1 =	sld [smem:$0x3FA7]  }
0x28: {  	s2 =	sld [smem:$0x3FA8]  }
0x29: {  	s4 =	sld [smem:$0x3FAA]  }
0x2a: {  	p0 =	seq.s32 s5, $0x0;
	s5 =	sld [smem:$0x3FAB]  }
0x2b: {  	s6 =	sld [smem:$0x3FAC]  }
0x2c: {  	s7 =	sld [smem:$0x3FAD]  }
0x2d: {  	s3 =	simm.s32 $0x108;
	s8 =	sld [smem:$0x3FAE]  }
0x2e: {  	s3 =	simm.s32 @!p0 $0x1082;
	s9 =	sld [smem:$0x3FAF]  }
0x2f: {  	lr =	sadd.s32 s0, s3;
	s0 =	sld [smem:$0x3FA6]  }
0x30: {  	s3 =	sld [smem:$0x3FA9]  }
0x31: {  	[smem:$0x3FB2] =	sst s10  }
0x32: {  	s10 =	sld [smem:$0x3FB0];
	_ =	sdelay $0x3  }
0x33: {  	p0 =	seq.s32 s10, $0x1;
	s10 =	sld [smem:$0x3FB2];
	_ =	sdelay $0x3  }
0x34: {  	[smem:$0x3FB2] =	sst s10  }
0x35: {  	s10 =	sld [smem:$0x3FB1];
	_ =	sdelay $0x3  }
0x36: {  	p1 =	seq.s32 s10, $0x1;
	s10 =	sld [smem:$0x3FB2];
	_ =	sdelay $0x3  }
0x37: {  	[smem:$0x3FB2] =	sst s10  }
0x38: {  	s10 =	sld [smem:$0x3FB3]  }
0x39: {  	_ = 	snop;
	(pc) =	sbr.ind lr, $3  }
0x3a: {  	_ = 	snop  }
0x3b: {  	_ = 	snop  }
0x3c: {  	p2 =	seq.s32 s10, $0x1;
	s10 =	sld [smem:$0x3FB2]  }
0x3d: {  	_ =	shalt  }
0x3e: {  	_ =	shalt  }
0x3f: {  	_ =	shalt  }
0x40: {  	_ =	shalt  }
0x41: {  	_ =	shalt  }
0x42: {  	_ =	shalt  }
0x43: {  	_ =	shalt  }
0x44: {  	_ =	shalt  }
0x45: {  	_ =	shalt  }
0x46: {  	_ =	shalt  }
0x47: {  	_ =	shalt  }
0x48: {  	_ =	shalt  }
0x49: {  	_ =	shalt  }
0x4a: {  	_ =	shalt  }
0x4b: {  	_ =	shalt  }
0x4c: {  	_ =	shalt  }
0x4d: {  	_ =	shalt  }
0x4e: {  	_ =	shalt  }
0x4f: {  	_ =	shalt  }
0x50: {  	_ =	shalt  }
0x51: {  	_ =	shalt  }
0x52: {  	_ =	shalt  }
0x53: {  	_ =	shalt  }
0x54: {  	_ =	shalt  }
0x55: {  	_ =	shalt  }
0x56: {  	_ =	shalt  }
0x57: {  	_ =	shalt  }
0x58: {  	_ =	shalt  }
0x59: {  	_ =	shalt  }
0x5a: {  	_ =	shalt  }
0x5b: {  	_ =	shalt  }
0x5c: {  	_ =	shalt  }
0x5d: {  	_ =	shalt  }
0x5e: {  	_ =	shalt  }
0x5f: {  	_ =	shalt  }
0x60: {  	_ =	shalt  }
0x61: {  	_ =	shalt  }
0x62: {  	_ =	shalt  }
0x63: {  	_ =	shalt  }
0x64: {  	_ =	shalt  }
0x65: {  	_ =	shalt  }
0x66: {  	_ =	shalt  }
0x67: {  	_ =	shalt  }
0x68: {  	_ =	shalt  }
0x69: {  	_ =	shalt  }
0x6a: {  	_ =	shalt  }
0x6b: {  	_ =	shalt  }
0x6c: {  	_ =	shalt  }
0x6d: {  	_ =	shalt  }
0x6e: {  	_ =	shalt  }
0x6f: {  	_ =	shalt  }
0x70: {  	_ =	shalt  }
0x71: {  	_ =	shalt  }
0x72: {  	_ =	shalt  }
0x73: {  	_ =	shalt  }
0x74: {  	_ =	shalt  }
0x75: {  	_ =	shalt  }
0x76: {  	_ =	shalt  }
0x77: {  	_ =	shalt  }
0x78: {  	_ =	shalt  }
0x79: {  	_ =	shalt  }
0x7a: {  	_ =	shalt  }
0x7b: {  	_ =	shalt  }
0x7c: {  	_ =	shalt  }
0x7d: {  	_ =	shalt  }
0x7e: {  	_ =	shalt  }
0x7f: {  	_ =	shalt  }
0x80: {  	_ =	shalt  }
0x81: {  	_ =	shalt  }
0x82: {  	_ =	shalt  }
0x83: {  	_ =	shalt  }
0x84: {  	_ =	shalt  }
0x85: {  	_ =	shalt  }
0x86: {  	_ =	shalt  }
0x87: {  	_ =	shalt  }
.Lfunc_end0:
.L_simem_size_0:
called_computation.1_lowered:
.L_overlay_start_0:
0x88: {  	s2 =	sld [smem:$0x3FD9]  }
0x89: {  	s3 =	sld [smem:$0x3FFE];
	_ =	sdelay $0x1  }
0x8a: {  	s1 =	srdreg.scid  }
0x8b: {  	s0 =	sand.u32 $0x1, s1  }
0x8c: {  	s16 =	sshll.u32 s0, $0xA;
	s2 =	sadd.s32 s3, s2  }
0x8d: {  	s2 =	sadd.s32 s2, s16  }
0x8e: {  	[smem:$0x3FBE] =	sst s2  }
0x8f: {  	_ = 	snop  }
0x90: {  	(tm) =	ssettm $0x1  }
0x91: {  	s17 =	sld [smem:$0x3FFB];
	_ =	sdelay $0x3  }
0x92: {  	_ =	strace s17  }
0x93: {  	s2 =	sld [smem:$0x3FFC];
	_ =	sdelay $0x3  }
0x94: {  	_ =	strace s2  }
0x95: {  	s2 =	sld [smem:$0x3FFD];
	_ =	sdelay $0x3  }
0x96: {  	_ =	strace s2  }
0x97: {  	_ =	strace $0x8FFFFFFF  }
0x98: {  	s18 =	sld [smem:$0x3FDB];
	_ =	sdelay $0x1  }
0x99: {  	s19 =	simm.s32 $_scs_section_size  }
0x9a: {  	s4 =	simm.s32 $_size__tile_overlayer_lowered;
	s5 =	simm.s32 $_tile_overlayer_lowered  }
0x9b: {  	s22 =	simm.s32 $0x1BFF;
	s21 =	sshll.u32 s5, $0x1;
	s2 =	sadd.s32 s19, s18  }
0x9c: {  	s6 =	simm.s32 $0x0;
	s20 =	sshll.u32 s4, $0x1;
	s4 =	sadd.s32 s21, s2  }
0x9d: {  	[timem:s6], [sflag:s22] =	dma.local [hbm:s4], s20  }
0x9e: {  	_ =	swait.ge [sflag:s22], s20  }
0x9f: {  	s3 =	ssub.s32 $0x0, s20;
	[sflag:s22] =	ssyncset.done $0x0  }
0xa0: {  	[sflag:s22] =	ssyncadd.s32 s3;
	_ =	sdelay $0x1  }
0xa1: {  	s23 =	simm.s32 $0x1B8B  }
0xa2: {  	_ =	swait.ge [sflag:s23], $0x1  }
0xa3: {  	[sflag:s23] =	ssyncset.done $0x0  }
0xa4: {  	s25 =	simm.s32 $0x1B8E;
	s24 =	sld [smem:$0x3FFE];
	[sflag:s23] =	ssyncadd.s32 $0xFFFFFFFF  }
0xa5: {  	s26 =	simm.s32 $execute0_lowered;
	[smem:$0x3FD2] =	sst s25  }
0xa6: {  	s4 =	sshll.u32 s26, $0x1;
	_ =	strace $0x80000049;
	[dreg:$0x1] =	wrdreg $0xFFFFFFFF  }
0xa7: {  	s28 =	simm.s32 $_size_execute0_lowered;
	s2 =	sadd.s32 s2, s4;
	[dreg:$0x0] =	wrdreg $0x0  }
0xa8: {  	s4 =	sshll.u32 s28, $0x1;
	[dreg:$0x2] =	wrdreg s2  }
0xa9: {  	[dreg:$0x3] =	wrdreg s4  }
0xaa: {  	[dreg:$0x4] =	wrdreg $0xC0  }
0xab: {  	_ =	task [dreg:s6], $0x5FFFF  }
0xac: {  	[dreg:$0x1] =	wrdreg $0xFFFFFFFF  }
0xad: {  	[dreg:$0x0] =	wrdreg $0x60  }
0xae: {  	[dreg:$0x2] =	wrdreg s24  }
0xaf: {  	[dreg:$0x3] =	wrdreg $0x9  }
0xb0: {  	_ =	task.clear_ibuf [dreg:s6], $0x4FFFF;
	_ =	strace $0x90000049  }
0xb1: {  	s29 =	simm.s32 $0x9;
	_ =	strace $0x8000004B  }
0xb2: {  	_ =	swait.ge [sflag:s29], $0x1  }
0xb3: {  	[sflag:s29] =	ssyncadd.s32 $0xFFFFFFFF  }
0xb4: {  	_ =	strace $0x9000004B  }
0xb5: {  	_ =	sfence  }
0xb6: {  	s30 =	sld [smem:$0x0];
	_ =	sdelay $0x2  }
0xb7: {  	s31 =	sshll.u32 s1, $0xD;
	s1 =	sshrl.u32 s1, $0x2  }
0xb8: {  	s3 =	sand.u32 $0x4000, s31;
	s1 =	sadd.s32 s1, s30  }
0xb9: {  	s0 =	sor.u32 s3, s0;
	s1 =	sshll.u32 s1, $0x11  }
0xba: {  	s0 =	sor.u32 s1, s0  }
0xbb: {  	s0 =	sadd.s32 $0x8F2B, s0  }
0xbc: {  	[sflag:s0] =	ssyncadd.remote.s32 $0x1  }
0xbd: {  	_ =	sfence.sel $0xFFFF  }
0xbe: {  	[dreg:$0x0] =	wrdreg $0xFFFFFFFF;
	(pc) =	sbr.abs _section_cstart, $3  }
0xbf: {  	[dreg:$0x1] =	wrdreg $0xFFFFFFFF  }
0xc0: {  	_ =	task.clear_ibuf [dreg:s6], $0x2FFFF;
	_ =	strace $0x9FFFFFFF  }
0xc1: {  	(tm) =	ssettm $0x7FFFFFFF  }
tec
execute0_lowered:
.L_overlay_start_1:
0x0: {  	(tag) =	ssettag $0x1  }
0x1: {  	s0 =	srdreg.scid  }
0x2: {  	s8 =	stileid.u32;
	s3 =	rddreg [dreg:$0x0];
	s2 =	simm.s32 $0x0  }
0x3: {  	s29 =	simm.s32 $0x11800;
	s30 =	simm.s32 $0x12000;
	s22 =	simm.s32 $0x3  }
0x4: {  	s23 =	simm.s32 $0x5000;
	s24 =	simm.s32 $0x7800;
	s25 =	simm.s32 $0xA000  }
0x5: {  	s28 =	simm.s32 $0xF000;
	s31 =	simm.s32 $0x1;
	s0 =	sand.u32 $0x1, s0  }
0x6: {  	[smem:$0x7FF] =	sst s2;
	s9 =	sadd.s32 $0x16C00, s3;
	s1 =	sshll.u32 s0, $0x4  }
0x7: {  	s10 =	sadd.s32 $0x17600, s3;
	s5 =	sadd.s32 $0x16600, s3;
	s1 =	sor.u32 s8, s1  }
0x8: {  	_ =	strace $0x8000004A;
	s6 =	ssub.s32 $0x2, s0;
	s4 =	smul.u32 $0x2710, s1  }
0x9: {  	p0 =	sne.s32 s0, $0x0;
	s0 =	simm.s32 $0x0;
	s1 =	smul.u32 $0x500, s1  }
0xa: {  	s7 =	sshrl.u32 s6, $0x1;
	s8 =	smul.u32 $0x280, s8;
	s4 =	sshrl.u32 s4, $0x3  }
0xb: {  	s26 =	ssub.s32 s6, s7;
	s1 =	sadd.s32 s1, s3;
	s4 =	sadd.s32 s4, s3  }
0xc: {  	s20 =	sadd.s32 $0x17C00, s1;
	s21 =	sadd.s32 $0x21C00, s1;
	s1 =	smax.u32 s26, $0x1  }
0xd: {  	s26 =	simm.s32 $0xC800;
	s7 =	sadd.s32 $0x2C00, s4;
	s11 =	sadd.s32 $0xC840, s4  }
0xe: {  	s12 =	sadd.s32 $0x2CFA, s4;
	s13 =	sadd.s32 $0xC93A, s4;
	s14 =	sadd.s32 $0x2DF4, s4  }
0xf: {  	v0 =	vlaneseq.u32;
	s15 =	sadd.s32 $0xCA34, s4;
	s16 =	sadd.s32 $0x2EEE, s4;
	s17 =	sadd.s32 $0xCB2E, s4  }
0x10: {  	v0 =	vmul.u32 $0x2, v0;
	s18 =	sadd.s32 $0x2FE8, s4;
	s19 =	sadd.s32 $0xCC28, s4;
	[dreg:$0x2] =	wrdreg s1  }
.LBB2_1:
0x11: {  	[tilespmem:s29], [sflag:$0x1] =	stream.linear.gather [hbm4b:s7+s2], $0x7D0, $0x38;
	[tilespmem:$0x13800] =	vst v63  }
0x12: {  	_ = 	snop  }
0x13: {  	[tilespmem:s30], [sflag:$0x1] =	stream.linear.gather [hbm4b:s11+s2], $0x7D0, $0x38;
	[tilespmem:$0x13800] =	vst v63  }
0x14: {  	_ = 	snop  }
0x15: {  	[tilespmem:s2], [sflag:$0x3] =	stream.linear.gather [hbm4b:s9+s2], $0x5000, $0x38;
	[tilespmem:$0x13800] =	vst v63  }
0x16: {  	_ =	swait.ge [sflag:s22], $0x5000  }
0x17: {  	[sflag:s22] =	ssyncset.done $0x0  }
0x18: {  	[sflag:s22] =	ssyncadd.s32 $0xFFFFB000  }
0x19: {  	[tilespmem:s23], [sflag:$0x3] =	stream.linear.gather [hbm4b:s10+s2], $0x2800, $0x38;
	[tilespmem:$0x13800] =	vst v63  }
0x1a: {  	_ =	swait.ge [sflag:s22], $0x2800  }
0x1b: {  	[sflag:s22] =	ssyncset.done $0x0  }
0x1c: {  	[sflag:s22] =	ssyncadd.s32 $0xFFFFD800  }
0x1d: {  	[tilespmem:s24], [sflag:$0x3] =	stream.linear.gather [hbm4b:s5+s2], $0x2800, $0x38;
	[tilespmem:$0x13800] =	vst v63  }
0x1e: {  	_ =	swait.ge [sflag:s22], $0x2800  }
0x1f: {  	[sflag:s22] =	ssyncset.done $0x0  }
0x20: {  	[sflag:s22] =	ssyncadd.s32 $0xFFFFD800  }
0x21: {  	[tilespmem:s25], [sflag:$0x3] =	stream.linear.gather [hbm4b:s5+s2], $0x2800, $0x38;
	[tilespmem:$0x13800] =	vst v63  }
0x22: {  	_ =	swait.ge [sflag:s22], $0x2800  }
0x23: {  	[sflag:s22] =	ssyncset.done $0x0  }
0x24: {  	[sflag:s22] =	ssyncadd.s32 $0xFFFFD800  }
0x25: {  	[tilespmem:s26], [sflag:$0x3] =	stream.linear.gather [hbm4b:s5+s2], $0x2800, $0x38;
	[tilespmem:$0x13800] =	vst v63  }
0x26: {  	_ =	swait.ge [sflag:s22], $0x2800  }
0x27: {  	[sflag:s22] =	ssyncset.done $0x0  }
.Ltmp0:
0x28: {  	[sflag:s22] =	ssyncadd.s32 $0xFFFFD800;
	(pc) =	sbr.rel @p0 .LBB2_5-.Ltmp0, $4  }
0x29: {  	[tilespmem:s28], [sflag:$0x3] =	stream.linear.gather [hbm4b:s5+s2], $0x2800, $0x38;
	[tilespmem:$0x13800] =	vst v63  }
0x2a: {  	_ =	swait.ge [sflag:s22], $0x2800  }
0x2b: {  	[sflag:s22] =	ssyncset.done $0x0  }
0x2c: {  	[sflag:s22] =	ssyncadd.s32 $0xFFFFD800  }
0x2d: {  	s3 =	sadd.s32 $0x0, s8  }
0x2e: {  	v1 =	vmov s3  }
0x2f: {  	v1 =	vshll.u32 v1, $0x1  }
0x30: {  	v2 =	vor.u32 v0, v1;
	_ =	sdelay $0x1  }
0x31: {  	s4 =	sand.u32 $0x70, s2;
	s3 =	sand.u32 $0x7F80, s3;
	v3 =	vor.u32 $0x1, v2  }
0x32: {  	s3 =	sor.u32 s4, s3  }
0x33: {  	s1 =	smov.u32 s5;
	s5 =	smov.u32 s21;
	v1 =	vld [tilespmem:s3+$0x5000]  }
0x34: {  	s21 =	smov.u32 s20;
	s29 =	smov.u32 s17;
	s17 =	smov.u32 s14;
	v5 =	vld.idx.msk [tilespmem:v2+s2+$0x0], $0xffff  }
0x35: {  	s14 =	smov.u32 s11;
	s11 =	smov.u32 s9;
	s9 =	sadd.s32 $0x10, s8  }
0x36: {  	s20 =	smov.u32 s19;
	s30 =	smov.u32 s18;
	s19 =	smov.u32 s16;
	v2 =	vmov s9;
	v4 =	vld.idx.msk [tilespmem:v3+s2+$0x0], $0xffff  }
0x37: {  	s18 =	smov.u32 s15;
	s16 =	smov.u32 s13;
	s15 =	smov.u32 s12;
	v2 =	vshll.u32 v2, $0x1  }
0x38: {  	s13 =	smov.u32 s7;
	s12 =	smov.u32 s10;
	s10 =	simm.s32 $0x10;
	v2 =	vor.u32 v0, v2  }
0x39: {  	s6 =	simm.s32 $0x20;
	s7 =	sand.u32 $0x7F80, s9;
	s4 =	sand.u32 $0x70, s10;
	v3 =	vor.u32 $0x1, v2;
	v5 =	vmul.f32 v1, v5  }
.LBB2_3:
0x3a: {  	s9 =	sand.u32 $0x70, s6  }
0x3b: {  	p1 =	sne.s32 s6, $0x270;
	v4 =	vmul.f32 v1, v4;
	s10 =	smov.u32 s6;
	s6 =	sadd.s32 $0x10, s6  }
0x3c: {  	s7 =	sor.u32 s4, s7;
	[tilespmem:s3+$0x7800] =	vst v5;
	s4 =	smov.u32 s9  }
0x3d: {  	v1 =	vld [tilespmem:s7+$0x5000];
	[tilespmem:s3+$0xA000] =	vst v4;
	s3 =	smov.u32 s7  }
0x3e: {  	s7 =	sadd.s32 s10, s8;
	v5 =	vld.idx.msk [tilespmem:v2+s2+$0x0], $0xffff  }
0x3f: {  	v2 =	vmov s7;
	s7 =	sand.u32 $0x7F80, s7;
	v4 =	vld.idx.msk [tilespmem:v3+s2+$0x0], $0xffff  }
.Ltmp1:
0x40: {  	v2 =	vshll.u32 v2, $0x1;
	(pc) =	sbr.rel @p1 .LBB2_3-.Ltmp1, $3  }
0x41: {  	v2 =	vor.u32 v0, v2  }
0x42: {  	v3 =	vor.u32 $0x1, v2;
	_ =	sdelay $0x1  }
0x43: {  	v5 =	vmul.f32 v1, v5  }
0x44: {  	_ = 	snop  }
0x45: {  	v1 =	vmul.f32 v1, v4  }
0x46: {  	s4 =	sor.u32 s4, s7;
	[tilespmem:s3+$0x7800] =	vst v5  }
0x47: {  	v63 =	vld [tilespmem:s4+$0x5000];
	[tilespmem:s3+$0xA000] =	vst v1  }
0x48: {  	v1 =	vld.idx.msk [tilespmem:v2+s2+$0x0], $0xffff  }
0x49: {  	v2 =	vld.idx.msk [tilespmem:v3+s2+$0x0], $0xffff;
	_ =	sdelay $0x1  }
0x4a: {  	s9 =	smov.u32 s11;
	s10 =	smov.u32 s12;
	s7 =	smov.u32 s13  }
0x4b: {  	s11 =	smov.u32 s14;
	s12 =	smov.u32 s15;
	s13 =	smov.u32 s16  }
0x4c: {  	s14 =	smov.u32 s17;
	s15 =	smov.u32 s18;
	s16 =	smov.u32 s19;
	v1 =	vmul.f32 v63, v1  }
0x4d: {  	s17 =	smov.u32 s29;
	s18 =	smov.u32 s30;
	s19 =	smov.u32 s20;
	v2 =	vmul.f32 v63, v2  }
0x4e: {  	s20 =	smov.u32 s21;
	s21 =	smov.u32 s5;
	s5 =	smov.u32 s1;
	[tilespmem:s4+$0x7800] =	vst v1  }
0x4f: {  	s1 =	rddreg [dreg:$0x2];
	s29 =	simm.s32 $0x11800;
	s30 =	simm.s32 $0x12000;
	[tilespmem:s4+$0xA000] =	vst v2  }
.LBB2_5:
0x50: {  	s3 =	simm.s32 $0x0;
	s4 =	simm.s32 $0x12800  }
0x51: {  	[tilespmem:s4], [sflag:$0x2] =	stream.linear.gather [hbm4b:s12+s3], $0x7D0, $0x38;
	[tilespmem:$0x13800] =	vst v63  }
0x52: {  	s6 =	simm.s32 $0x13000  }
0x53: {  	[tilespmem:s6], [sflag:$0x2] =	stream.linear.gather [hbm4b:s13+s3], $0x7D0, $0x38;
	[tilespmem:$0x13800] =	vst v63  }
0x54: {  	_ =	swait.ge [sflag:s31], $0x7D0  }
0x55: {  	[sflag:s31] =	ssyncset.done $0x0  }
0x56: {  	[sflag:s31] =	ssyncadd.s32 $0xFFFFF830  }
0x57: {  	_ =	swait.ge [sflag:s31], $0x7D0  }
0x58: {  	[sflag:s31] =	ssyncset.done $0x0  }
0x59: {  	[sflag:s31] =	ssyncadd.s32 $0xFFFFF830  }
.LBB2_6:
0x5a: {  	s4 =	sshra.s32 s3, $0x2  }
0x5b: {  	v1 =	vld [tilespmem:s4+$0x11800];
	_ =	sdelay $0x4  }
0x5c: {  	v2 =	vshll.u32 v1, $0x1  }
0x5d: {  	v3 =	vor.u32 $0x1, v2;
	_ =	sdelay $0x1  }
0x5e: {  	v4 =	vld [tilespmem:s4+$0x12000]  }
0x5f: {  	v1 =	vld.idx.msk [tilespmem:v1+s23+$0x0], $0xffff  }
0x60: {  	v2 =	vld.idx.msk [tilespmem:v2+s2+$0x0], $0xffff  }
0x61: {  	v3 =	vld.idx.msk [tilespmem:v3+s2+$0x0], $0xffff;
	_ =	sdelay $0x3  }
0x62: {  	v2 =	vmul.f32 v1, v2  }
0x63: {  	v1 =	vmul.f32 v1, v3  }
0x64: {  	[tilespmem:v4+s24+$0x0] =	vst.idx.add.f32.msk $0xffff, v2  }
0x65: {  	[tilespmem:v4+s25+$0x0] =	vst.idx.add.f32.msk $0xffff, v1  }
0x66: {  	v1 =	vld [tilespmem:s4+$0x11810];
	_ =	sdelay $0x4  }
0x67: {  	v2 =	vshll.u32 v1, $0x1  }
0x68: {  	v3 =	vor.u32 $0x1, v2;
	_ =	sdelay $0x1  }
0x69: {  	v4 =	vld [tilespmem:s4+$0x12010]  }
0x6a: {  	v1 =	vld.idx.msk [tilespmem:v1+s23+$0x0], $0xffff  }
0x6b: {  	v2 =	vld.idx.msk [tilespmem:v2+s2+$0x0], $0xffff  }
0x6c: {  	v3 =	vld.idx.msk [tilespmem:v3+s2+$0x0], $0xffff;
	_ =	sdelay $0x3  }
0x6d: {  	v2 =	vmul.f32 v1, v2  }
0x6e: {  	v1 =	vmul.f32 v1, v3  }
0x6f: {  	[tilespmem:v4+s26+$0x0] =	vst.idx.add.f32.msk $0xffff, v2  }
0x70: {  	[tilespmem:v4+s28+$0x0] =	vst.idx.add.f32.msk $0xffff, v1  }
0x71: {  	v1 =	vld [tilespmem:s4+$0x11820];
	_ =	sdelay $0x4  }
0x72: {  	v2 =	vshll.u32 v1, $0x1  }
0x73: {  	v3 =	vor.u32 $0x1, v2;
	_ =	sdelay $0x1  }
0x74: {  	v4 =	vld [tilespmem:s4+$0x12020]  }
0x75: {  	v1 =	vld.idx.msk [tilespmem:v1+s23+$0x0], $0xffff  }
0x76: {  	v2 =	vld.idx.msk [tilespmem:v2+s2+$0x0], $0xffff  }
0x77: {  	v3 =	vld.idx.msk [tilespmem:v3+s2+$0x0], $0xffff;
	_ =	sdelay $0x3  }
0x78: {  	v2 =	vmul.f32 v1, v2  }
0x79: {  	v1 =	vmul.f32 v1, v3  }
0x7a: {  	[tilespmem:v4+s24+$0x0] =	vst.idx.add.f32.msk $0xffff, v2  }
0x7b: {  	[tilespmem:v4+s25+$0x0] =	vst.idx.add.f32.msk $0xffff, v1  }
0x7c: {  	v1 =	vld [tilespmem:s4+$0x11830];
	_ =	sdelay $0x4  }
0x7d: {  	v2 =	vshll.u32 v1, $0x1  }
0x7e: {  	v3 =	vor.u32 $0x1, v2;
	_ =	sdelay $0x1  }
0x7f: {  	v4 =	vld [tilespmem:s4+$0x12030]  }
0x80: {  	v1 =	vld.idx.msk [tilespmem:v1+s23+$0x0], $0xffff  }
0x81: {  	v2 =	vld.idx.msk [tilespmem:v2+s2+$0x0], $0xffff  }
0x82: {  	v3 =	vld.idx.msk [tilespmem:v3+s2+$0x0], $0xffff;
	_ =	sdelay $0x3  }
0x83: {  	v2 =	vmul.f32 v1, v2  }
0x84: {  	v1 =	vmul.f32 v1, v3  }
0x85: {  	[tilespmem:v4+s26+$0x0] =	vst.idx.add.f32.msk $0xffff, v2  }
0x86: {  	[tilespmem:v4+s28+$0x0] =	vst.idx.add.f32.msk $0xffff, v1  }
0x87: {  	v1 =	vld [tilespmem:s4+$0x11840];
	_ =	sdelay $0x4  }
0x88: {  	v2 =	vshll.u32 v1, $0x1  }
0x89: {  	v3 =	vor.u32 $0x1, v2;
	_ =	sdelay $0x1  }
0x8a: {  	v4 =	vld [tilespmem:s4+$0x12040]  }
0x8b: {  	v1 =	vld.idx.msk [tilespmem:v1+s23+$0x0], $0xffff  }
0x8c: {  	v2 =	vld.idx.msk [tilespmem:v2+s2+$0x0], $0xffff  }
0x8d: {  	v3 =	vld.idx.msk [tilespmem:v3+s2+$0x0], $0xffff;
	_ =	sdelay $0x1  }
0x8e: {  	p1 =	sne.s32 s3, $0x1E00  }
.Ltmp2:
0x8f: {  	_ = 	snop;
	(pc) =	sbr.rel @p1 .LBB2_6-.Ltmp2, $4  }
0x90: {  	v2 =	vmul.f32 v1, v2  }
0x91: {  	v1 =	vmul.f32 v1, v3  }
0x92: {  	[tilespmem:v4+s24+$0x0] =	vst.idx.add.f32.msk $0xffff, v2  }
0x93: {  	s3 =	sadd.s32 $0x140, s3;
	[tilespmem:v4+s25+$0x0] =	vst.idx.add.f32.msk $0xffff, v1  }
0x94: {  	s3 =	simm.s32 $0x0  }
0x95: {  	[tilespmem:s29], [sflag:$0x1] =	stream.linear.gather [hbm4b:s14+s3], $0x7D0, $0x38;
	[tilespmem:$0x13800] =	vst v63  }
0x96: {  	s4 =	simm.s32 $0x2  }
0x97: {  	[tilespmem:s30], [sflag:$0x1] =	stream.linear.gather [hbm4b:s15+s3], $0x7D0, $0x38;
	[tilespmem:$0x13800] =	vst v63  }
0x98: {  	_ =	swait.ge [sflag:s4], $0x7D0  }
0x99: {  	[sflag:s4] =	ssyncset.done $0x0  }
0x9a: {  	[sflag:s4] =	ssyncadd.s32 $0xFFFFF830  }
0x9b: {  	_ =	swait.ge [sflag:s4], $0x7D0  }
0x9c: {  	[sflag:s4] =	ssyncset.done $0x0  }
0x9d: {  	[sflag:s4] =	ssyncadd.s32 $0xFFFFF830  }
.LBB2_8:
0x9e: {  	s4 =	sshra.s32 s3, $0x2  }
0x9f: {  	v1 =	vld [tilespmem:s4+$0x12800];
	_ =	sdelay $0x4  }
0xa0: {  	v2 =	vshll.u32 v1, $0x1  }
0xa1: {  	v3 =	vor.u32 $0x1, v2;
	_ =	sdelay $0x1  }
0xa2: {  	v4 =	vld [tilespmem:s4+$0x13000]  }
0xa3: {  	v1 =	vld.idx.msk [tilespmem:v1+s23+$0x0], $0xffff  }
0xa4: {  	v2 =	vld.idx.msk [tilespmem:v2+s2+$0x0], $0xffff  }
0xa5: {  	v3 =	vld.idx.msk [tilespmem:v3+s2+$0x0], $0xffff;
	_ =	sdelay $0x3  }
0xa6: {  	v2 =	vmul.f32 v1, v2  }
0xa7: {  	v1 =	vmul.f32 v1, v3  }
0xa8: {  	[tilespmem:v4+s24+$0x0] =	vst.idx.add.f32.msk $0xffff, v2  }
0xa9: {  	[tilespmem:v4+s25+$0x0] =	vst.idx.add.f32.msk $0xffff, v1  }
0xaa: {  	v1 =	vld [tilespmem:s4+$0x12810];
	_ =	sdelay $0x4  }
0xab: {  	v2 =	vshll.u32 v1, $0x1  }
0xac: {  	v3 =	vor.u32 $0x1, v2;
	_ =	sdelay $0x1  }
0xad: {  	v4 =	vld [tilespmem:s4+$0x13010]  }
0xae: {  	v1 =	vld.idx.msk [tilespmem:v1+s23+$0x0], $0xffff  }
0xaf: {  	v2 =	vld.idx.msk [tilespmem:v2+s2+$0x0], $0xffff  }
0xb0: {  	v3 =	vld.idx.msk [tilespmem:v3+s2+$0x0], $0xffff;
	_ =	sdelay $0x3  }
0xb1: {  	v2 =	vmul.f32 v1, v2  }
0xb2: {  	v1 =	vmul.f32 v1, v3  }
0xb3: {  	[tilespmem:v4+s26+$0x0] =	vst.idx.add.f32.msk $0xffff, v2  }
0xb4: {  	[tilespmem:v4+s28+$0x0] =	vst.idx.add.f32.msk $0xffff, v1  }
0xb5: {  	v1 =	vld [tilespmem:s4+$0x12820];
	_ =	sdelay $0x4  }
0xb6: {  	v2 =	vshll.u32 v1, $0x1  }
0xb7: {  	v3 =	vor.u32 $0x1, v2;
	_ =	sdelay $0x1  }
0xb8: {  	v4 =	vld [tilespmem:s4+$0x13020]  }
0xb9: {  	v1 =	vld.idx.msk [tilespmem:v1+s23+$0x0], $0xffff  }
0xba: {  	v2 =	vld.idx.msk [tilespmem:v2+s2+$0x0], $0xffff  }
0xbb: {  	v3 =	vld.idx.msk [tilespmem:v3+s2+$0x0], $0xffff;
	_ =	sdelay $0x3  }
0xbc: {  	v2 =	vmul.f32 v1, v2  }
0xbd: {  	v1 =	vmul.f32 v1, v3  }
0xbe: {  	[tilespmem:v4+s24+$0x0] =	vst.idx.add.f32.msk $0xffff, v2  }
0xbf: {  	[tilespmem:v4+s25+$0x0] =	vst.idx.add.f32.msk $0xffff, v1  }
0xc0: {  	v1 =	vld [tilespmem:s4+$0x12830];
	_ =	sdelay $0x4  }
0xc1: {  	v2 =	vshll.u32 v1, $0x1  }
0xc2: {  	v3 =	vor.u32 $0x1, v2;
	_ =	sdelay $0x1  }
0xc3: {  	v4 =	vld [tilespmem:s4+$0x13030]  }
0xc4: {  	v1 =	vld.idx.msk [tilespmem:v1+s23+$0x0], $0xffff  }
0xc5: {  	v2 =	vld.idx.msk [tilespmem:v2+s2+$0x0], $0xffff  }
0xc6: {  	v3 =	vld.idx.msk [tilespmem:v3+s2+$0x0], $0xffff;
	_ =	sdelay $0x3  }
0xc7: {  	v2 =	vmul.f32 v1, v2  }
0xc8: {  	v1 =	vmul.f32 v1, v3  }
0xc9: {  	[tilespmem:v4+s26+$0x0] =	vst.idx.add.f32.msk $0xffff, v2  }
0xca: {  	[tilespmem:v4+s28+$0x0] =	vst.idx.add.f32.msk $0xffff, v1  }
0xcb: {  	v1 =	vld [tilespmem:s4+$0x12840];
	_ =	sdelay $0x4  }
0xcc: {  	v2 =	vshll.u32 v1, $0x1  }
0xcd: {  	v3 =	vor.u32 $0x1, v2;
	_ =	sdelay $0x1  }
0xce: {  	v4 =	vld [tilespmem:s4+$0x13040]  }
0xcf: {  	v1 =	vld.idx.msk [tilespmem:v1+s23+$0x0], $0xffff  }
0xd0: {  	v2 =	vld.idx.msk [tilespmem:v2+s2+$0x0], $0xffff  }
0xd1: {  	v3 =	vld.idx.msk [tilespmem:v3+s2+$0x0], $0xffff;
	_ =	sdelay $0x1  }
0xd2: {  	p1 =	sne.s32 s3, $0x1E00  }
.Ltmp3:
0xd3: {  	_ = 	snop;
	(pc) =	sbr.rel @p1 .LBB2_8-.Ltmp3, $4  }
0xd4: {  	v2 =	vmul.f32 v1, v2  }
0xd5: {  	v1 =	vmul.f32 v1, v3  }
0xd6: {  	[tilespmem:v4+s24+$0x0] =	vst.idx.add.f32.msk $0xffff, v2  }
0xd7: {  	s3 =	sadd.s32 $0x140, s3;
	[tilespmem:v4+s25+$0x0] =	vst.idx.add.f32.msk $0xffff, v1  }
0xd8: {  	s3 =	simm.s32 $0x0;
	s4 =	simm.s32 $0x12800  }
0xd9: {  	[tilespmem:s4], [sflag:$0x2] =	stream.linear.gather [hbm4b:s16+s3], $0x7D0, $0x38;
	[tilespmem:$0x13800] =	vst v63  }
0xda: {  	s6 =	simm.s32 $0x13000  }
0xdb: {  	[tilespmem:s6], [sflag:$0x2] =	stream.linear.gather [hbm4b:s17+s3], $0x7D0, $0x38;
	[tilespmem:$0x13800] =	vst v63  }
0xdc: {  	_ =	swait.ge [sflag:s31], $0x7D0  }
0xdd: {  	[sflag:s31] =	ssyncset.done $0x0  }
0xde: {  	[sflag:s31] =	ssyncadd.s32 $0xFFFFF830  }
0xdf: {  	_ =	swait.ge [sflag:s31], $0x7D0  }
0xe0: {  	[sflag:s31] =	ssyncset.done $0x0  }
0xe1: {  	[sflag:s31] =	ssyncadd.s32 $0xFFFFF830  }
.LBB2_10:
0xe2: {  	s4 =	sshra.s32 s3, $0x2  }
0xe3: {  	v1 =	vld [tilespmem:s4+$0x11800];
	_ =	sdelay $0x4  }
0xe4: {  	v2 =	vshll.u32 v1, $0x1  }
0xe5: {  	v3 =	vor.u32 $0x1, v2;
	_ =	sdelay $0x1  }
0xe6: {  	v4 =	vld [tilespmem:s4+$0x12000]  }
0xe7: {  	v1 =	vld.idx.msk [tilespmem:v1+s23+$0x0], $0xffff  }
0xe8: {  	v2 =	vld.idx.msk [tilespmem:v2+s2+$0x0], $0xffff  }
0xe9: {  	v3 =	vld.idx.msk [tilespmem:v3+s2+$0x0], $0xffff;
	_ =	sdelay $0x3  }
0xea: {  	v2 =	vmul.f32 v1, v2  }
0xeb: {  	v1 =	vmul.f32 v1, v3  }
0xec: {  	[tilespmem:v4+s24+$0x0] =	vst.idx.add.f32.msk $0xffff, v2  }
0xed: {  	[tilespmem:v4+s25+$0x0] =	vst.idx.add.f32.msk $0xffff, v1  }
0xee: {  	v1 =	vld [tilespmem:s4+$0x11810];
	_ =	sdelay $0x4  }
0xef: {  	v2 =	vshll.u32 v1, $0x1  }
0xf0: {  	v3 =	vor.u32 $0x1, v2;
	_ =	sdelay $0x1  }
0xf1: {  	v4 =	vld [tilespmem:s4+$0x12010]  }
0xf2: {  	v1 =	vld.idx.msk [tilespmem:v1+s23+$0x0], $0xffff  }
0xf3: {  	v2 =	vld.idx.msk [tilespmem:v2+s2+$0x0], $0xffff  }
0xf4: {  	v3 =	vld.idx.msk [tilespmem:v3+s2+$0x0], $0xffff;
	_ =	sdelay $0x3  }
0xf5: {  	v2 =	vmul.f32 v1, v2  }
0xf6: {  	v1 =	vmul.f32 v1, v3  }
0xf7: {  	[tilespmem:v4+s26+$0x0] =	vst.idx.add.f32.msk $0xffff, v2  }
0xf8: {  	[tilespmem:v4+s28+$0x0] =	vst.idx.add.f32.msk $0xffff, v1  }
0xf9: {  	v1 =	vld [tilespmem:s4+$0x11820];
	_ =	sdelay $0x4  }
0xfa: {  	v2 =	vshll.u32 v1, $0x1  }
0xfb: {  	v3 =	vor.u32 $0x1, v2;
	_ =	sdelay $0x1  }
0xfc: {  	v4 =	vld [tilespmem:s4+$0x12020]  }
0xfd: {  	v1 =	vld.idx.msk [tilespmem:v1+s23+$0x0], $0xffff  }
0xfe: {  	v2 =	vld.idx.msk [tilespmem:v2+s2+$0x0], $0xffff  }
0xff: {  	v3 =	vld.idx.msk [tilespmem:v3+s2+$0x0], $0xffff;
	_ =	sdelay $0x3  }
0x100: {  	v2 =	vmul.f32 v1, v2  }
0x101: {  	v1 =	vmul.f32 v1, v3  }
0x102: {  	[tilespmem:v4+s24+$0x0] =	vst.idx.add.f32.msk $0xffff, v2  }
0x103: {  	[tilespmem:v4+s25+$0x0] =	vst.idx.add.f32.msk $0xffff, v1  }
0x104: {  	v1 =	vld [tilespmem:s4+$0x11830];
	_ =	sdelay $0x4  }
0x105: {  	v2 =	vshll.u32 v1, $0x1  }
0x106: {  	v3 =	vor.u32 $0x1, v2;
	_ =	sdelay $0x1  }
0x107: {  	v4 =	vld [tilespmem:s4+$0x12030]  }
0x108: {  	v1 =	vld.idx.msk [tilespmem:v1+s23+$0x0], $0xffff  }
0x109: {  	v2 =	vld.idx.msk [tilespmem:v2+s2+$0x0], $0xffff  }
0x10a: {  	v3 =	vld.idx.msk [tilespmem:v3+s2+$0x0], $0xffff;
	_ =	sdelay $0x3  }
0x10b: {  	v2 =	vmul.f32 v1, v2  }
0x10c: {  	v1 =	vmul.f32 v1, v3  }
0x10d: {  	[tilespmem:v4+s26+$0x0] =	vst.idx.add.f32.msk $0xffff, v2  }
0x10e: {  	[tilespmem:v4+s28+$0x0] =	vst.idx.add.f32.msk $0xffff, v1  }
0x10f: {  	v1 =	vld [tilespmem:s4+$0x11840];
	_ =	sdelay $0x4  }
0x110: {  	v2 =	vshll.u32 v1, $0x1  }
0x111: {  	v3 =	vor.u32 $0x1, v2;
	_ =	sdelay $0x1  }
0x112: {  	v4 =	vld [tilespmem:s4+$0x12040]  }
0x113: {  	v1 =	vld.idx.msk [tilespmem:v1+s23+$0x0], $0xffff  }
0x114: {  	v2 =	vld.idx.msk [tilespmem:v2+s2+$0x0], $0xffff  }
0x115: {  	v3 =	vld.idx.msk [tilespmem:v3+s2+$0x0], $0xffff;
	_ =	sdelay $0x1  }
0x116: {  	p1 =	sne.s32 s3, $0x1E00  }
.Ltmp4:
0x117: {  	_ = 	snop;
	(pc) =	sbr.rel @p1 .LBB2_10-.Ltmp4, $4  }
0x118: {  	v2 =	vmul.f32 v1, v2  }
0x119: {  	v1 =	vmul.f32 v1, v3  }
0x11a: {  	[tilespmem:v4+s24+$0x0] =	vst.idx.add.f32.msk $0xffff, v2  }
0x11b: {  	s3 =	sadd.s32 $0x140, s3;
	[tilespmem:v4+s25+$0x0] =	vst.idx.add.f32.msk $0xffff, v1  }
0x11c: {  	s3 =	simm.s32 $0x0  }
0x11d: {  	[tilespmem:s29], [sflag:$0x1] =	stream.linear.gather [hbm4b:s18+s3], $0x7D0, $0x38;
	[tilespmem:$0x13800] =	vst v63  }
0x11e: {  	s4 =	simm.s32 $0x2  }
0x11f: {  	[tilespmem:s30], [sflag:$0x1] =	stream.linear.gather [hbm4b:s19+s3], $0x7D0, $0x38;
	[tilespmem:$0x13800] =	vst v63  }
0x120: {  	_ =	swait.ge [sflag:s4], $0x7D0  }
0x121: {  	[sflag:s4] =	ssyncset.done $0x0  }
0x122: {  	[sflag:s4] =	ssyncadd.s32 $0xFFFFF830  }
0x123: {  	_ =	swait.ge [sflag:s4], $0x7D0  }
0x124: {  	[sflag:s4] =	ssyncset.done $0x0  }
0x125: {  	[sflag:s4] =	ssyncadd.s32 $0xFFFFF830  }
.LBB2_12:
0x126: {  	s4 =	sshra.s32 s3, $0x2  }
0x127: {  	v1 =	vld [tilespmem:s4+$0x12800];
	_ =	sdelay $0x4  }
0x128: {  	v2 =	vshll.u32 v1, $0x1  }
0x129: {  	v3 =	vor.u32 $0x1, v2;
	_ =	sdelay $0x1  }
0x12a: {  	v4 =	vld [tilespmem:s4+$0x13000]  }
0x12b: {  	v1 =	vld.idx.msk [tilespmem:v1+s23+$0x0], $0xffff  }
0x12c: {  	v2 =	vld.idx.msk [tilespmem:v2+s2+$0x0], $0xffff  }
0x12d: {  	v3 =	vld.idx.msk [tilespmem:v3+s2+$0x0], $0xffff;
	_ =	sdelay $0x3  }
0x12e: {  	v2 =	vmul.f32 v1, v2  }
0x12f: {  	v1 =	vmul.f32 v1, v3  }
0x130: {  	[tilespmem:v4+s24+$0x0] =	vst.idx.add.f32.msk $0xffff, v2  }
0x131: {  	[tilespmem:v4+s25+$0x0] =	vst.idx.add.f32.msk $0xffff, v1  }
0x132: {  	v1 =	vld [tilespmem:s4+$0x12810];
	_ =	sdelay $0x4  }
0x133: {  	v2 =	vshll.u32 v1, $0x1  }
0x134: {  	v3 =	vor.u32 $0x1, v2;
	_ =	sdelay $0x1  }
0x135: {  	v4 =	vld [tilespmem:s4+$0x13010]  }
0x136: {  	v1 =	vld.idx.msk [tilespmem:v1+s23+$0x0], $0xffff  }
0x137: {  	v2 =	vld.idx.msk [tilespmem:v2+s2+$0x0], $0xffff  }
0x138: {  	v3 =	vld.idx.msk [tilespmem:v3+s2+$0x0], $0xffff;
	_ =	sdelay $0x3  }
0x139: {  	v2 =	vmul.f32 v1, v2  }
0x13a: {  	v1 =	vmul.f32 v1, v3  }
0x13b: {  	[tilespmem:v4+s26+$0x0] =	vst.idx.add.f32.msk $0xffff, v2  }
0x13c: {  	[tilespmem:v4+s28+$0x0] =	vst.idx.add.f32.msk $0xffff, v1  }
0x13d: {  	v1 =	vld [tilespmem:s4+$0x12820];
	_ =	sdelay $0x4  }
0x13e: {  	v2 =	vshll.u32 v1, $0x1  }
0x13f: {  	v3 =	vor.u32 $0x1, v2;
	_ =	sdelay $0x1  }
0x140: {  	v4 =	vld [tilespmem:s4+$0x13020]  }
0x141: {  	v1 =	vld.idx.msk [tilespmem:v1+s23+$0x0], $0xffff  }
0x142: {  	v2 =	vld.idx.msk [tilespmem:v2+s2+$0x0], $0xffff  }
0x143: {  	v3 =	vld.idx.msk [tilespmem:v3+s2+$0x0], $0xffff;
	_ =	sdelay $0x3  }
0x144: {  	v2 =	vmul.f32 v1, v2  }
0x145: {  	v1 =	vmul.f32 v1, v3  }
0x146: {  	[tilespmem:v4+s24+$0x0] =	vst.idx.add.f32.msk $0xffff, v2  }
0x147: {  	[tilespmem:v4+s25+$0x0] =	vst.idx.add.f32.msk $0xffff, v1  }
0x148: {  	v1 =	vld [tilespmem:s4+$0x12830];
	_ =	sdelay $0x4  }
0x149: {  	v2 =	vshll.u32 v1, $0x1  }
0x14a: {  	v3 =	vor.u32 $0x1, v2;
	_ =	sdelay $0x1  }
0x14b: {  	v4 =	vld [tilespmem:s4+$0x13030]  }
0x14c: {  	v1 =	vld.idx.msk [tilespmem:v1+s23+$0x0], $0xffff  }
0x14d: {  	v2 =	vld.idx.msk [tilespmem:v2+s2+$0x0], $0xffff  }
0x14e: {  	v3 =	vld.idx.msk [tilespmem:v3+s2+$0x0], $0xffff;
	_ =	sdelay $0x3  }
0x14f: {  	v2 =	vmul.f32 v1, v2  }
0x150: {  	v1 =	vmul.f32 v1, v3  }
0x151: {  	[tilespmem:v4+s26+$0x0] =	vst.idx.add.f32.msk $0xffff, v2  }
0x152: {  	[tilespmem:v4+s28+$0x0] =	vst.idx.add.f32.msk $0xffff, v1  }
0x153: {  	v1 =	vld [tilespmem:s4+$0x12840];
	_ =	sdelay $0x4  }
0x154: {  	v2 =	vshll.u32 v1, $0x1  }
0x155: {  	v3 =	vor.u32 $0x1, v2;
	_ =	sdelay $0x1  }
0x156: {  	v4 =	vld [tilespmem:s4+$0x13040]  }
0x157: {  	v1 =	vld.idx.msk [tilespmem:v1+s23+$0x0], $0xffff  }
0x158: {  	v2 =	vld.idx.msk [tilespmem:v2+s2+$0x0], $0xffff  }
0x159: {  	v3 =	vld.idx.msk [tilespmem:v3+s2+$0x0], $0xffff;
	_ =	sdelay $0x1  }
0x15a: {  	p1 =	sne.s32 s3, $0x1E00  }
.Ltmp5:
0x15b: {  	_ = 	snop;
	(pc) =	sbr.rel @p1 .LBB2_12-.Ltmp5, $4  }
0x15c: {  	v2 =	vmul.f32 v1, v2  }
0x15d: {  	v1 =	vmul.f32 v1, v3  }
0x15e: {  	[tilespmem:v4+s24+$0x0] =	vst.idx.add.f32.msk $0xffff, v2  }
0x15f: {  	s3 =	sadd.s32 $0x140, s3;
	[tilespmem:v4+s25+$0x0] =	vst.idx.add.f32.msk $0xffff, v1  }
0x160: {  	_ =	swait.ge [sflag:s31], $0x7D0  }
0x161: {  	[sflag:s31] =	ssyncset.done $0x0  }
0x162: {  	[sflag:s31] =	ssyncadd.s32 $0xFFFFF830  }
0x163: {  	_ =	swait.ge [sflag:s31], $0x7D0  }
0x164: {  	[sflag:s31] =	ssyncset.done $0x0  }
0x165: {  	s3 =	simm.s32 $0x0;
	s4 =	simm.s32 $0x0;
	[sflag:s31] =	ssyncadd.s32 $0xFFFFF830  }
.LBB2_14:
0x166: {  	s6 =	sshra.s32 s4, $0x2  }
0x167: {  	v1 =	vld [tilespmem:s6+$0x11800];
	_ =	sdelay $0x4  }
0x168: {  	v2 =	vshll.u32 v1, $0x1  }
0x169: {  	v3 =	vor.u32 $0x1, v2;
	_ =	sdelay $0x1  }
0x16a: {  	v4 =	vld [tilespmem:s6+$0x12000]  }
0x16b: {  	v1 =	vld.idx.msk [tilespmem:v1+s23+$0x0], $0xffff  }
0x16c: {  	v2 =	vld.idx.msk [tilespmem:v2+s3+$0x0], $0xffff  }
0x16d: {  	v3 =	vld.idx.msk [tilespmem:v3+s3+$0x0], $0xffff;
	_ =	sdelay $0x3  }
0x16e: {  	v2 =	vmul.f32 v1, v2  }
0x16f: {  	v1 =	vmul.f32 v1, v3  }
0x170: {  	[tilespmem:v4+s24+$0x0] =	vst.idx.add.f32.msk $0xffff, v2  }
0x171: {  	[tilespmem:v4+s25+$0x0] =	vst.idx.add.f32.msk $0xffff, v1  }
0x172: {  	v1 =	vld [tilespmem:s6+$0x11810];
	_ =	sdelay $0x4  }
0x173: {  	v2 =	vshll.u32 v1, $0x1  }
0x174: {  	v3 =	vor.u32 $0x1, v2;
	_ =	sdelay $0x1  }
0x175: {  	v4 =	vld [tilespmem:s6+$0x12010]  }
0x176: {  	v1 =	vld.idx.msk [tilespmem:v1+s23+$0x0], $0xffff  }
0x177: {  	v2 =	vld.idx.msk [tilespmem:v2+s3+$0x0], $0xffff  }
0x178: {  	v3 =	vld.idx.msk [tilespmem:v3+s3+$0x0], $0xffff;
	_ =	sdelay $0x3  }
0x179: {  	v2 =	vmul.f32 v1, v2  }
0x17a: {  	v1 =	vmul.f32 v1, v3  }
0x17b: {  	[tilespmem:v4+s26+$0x0] =	vst.idx.add.f32.msk $0xffff, v2  }
0x17c: {  	[tilespmem:v4+s28+$0x0] =	vst.idx.add.f32.msk $0xffff, v1  }
0x17d: {  	v1 =	vld [tilespmem:s6+$0x11820];
	_ =	sdelay $0x4  }
0x17e: {  	v2 =	vshll.u32 v1, $0x1  }
0x17f: {  	v3 =	vor.u32 $0x1, v2;
	_ =	sdelay $0x1  }
0x180: {  	v4 =	vld [tilespmem:s6+$0x12020]  }
0x181: {  	v1 =	vld.idx.msk [tilespmem:v1+s23+$0x0], $0xffff  }
0x182: {  	v2 =	vld.idx.msk [tilespmem:v2+s3+$0x0], $0xffff  }
0x183: {  	v3 =	vld.idx.msk [tilespmem:v3+s3+$0x0], $0xffff;
	_ =	sdelay $0x3  }
0x184: {  	v2 =	vmul.f32 v1, v2  }
0x185: {  	v1 =	vmul.f32 v1, v3  }
0x186: {  	[tilespmem:v4+s24+$0x0] =	vst.idx.add.f32.msk $0xffff, v2  }
0x187: {  	[tilespmem:v4+s25+$0x0] =	vst.idx.add.f32.msk $0xffff, v1  }
0x188: {  	v1 =	vld [tilespmem:s6+$0x11830];
	_ =	sdelay $0x4  }
0x189: {  	v2 =	vshll.u32 v1, $0x1  }
0x18a: {  	v3 =	vor.u32 $0x1, v2;
	_ =	sdelay $0x1  }
0x18b: {  	v4 =	vld [tilespmem:s6+$0x12030]  }
0x18c: {  	v1 =	vld.idx.msk [tilespmem:v1+s23+$0x0], $0xffff  }
0x18d: {  	v2 =	vld.idx.msk [tilespmem:v2+s3+$0x0], $0xffff  }
0x18e: {  	v3 =	vld.idx.msk [tilespmem:v3+s3+$0x0], $0xffff;
	_ =	sdelay $0x3  }
0x18f: {  	v2 =	vmul.f32 v1, v2  }
0x190: {  	v1 =	vmul.f32 v1, v3  }
0x191: {  	[tilespmem:v4+s26+$0x0] =	vst.idx.add.f32.msk $0xffff, v2  }
0x192: {  	[tilespmem:v4+s28+$0x0] =	vst.idx.add.f32.msk $0xffff, v1  }
0x193: {  	v1 =	vld [tilespmem:s6+$0x11840];
	_ =	sdelay $0x4  }
0x194: {  	v2 =	vshll.u32 v1, $0x1  }
0x195: {  	v3 =	vor.u32 $0x1, v2;
	_ =	sdelay $0x1  }
0x196: {  	v4 =	vld [tilespmem:s6+$0x12040]  }
0x197: {  	v1 =	vld.idx.msk [tilespmem:v1+s23+$0x0], $0xffff  }
0x198: {  	v2 =	vld.idx.msk [tilespmem:v2+s3+$0x0], $0xffff  }
0x199: {  	v3 =	vld.idx.msk [tilespmem:v3+s3+$0x0], $0xffff;
	_ =	sdelay $0x1  }
0x19a: {  	p1 =	sne.s32 s4, $0x1E00  }
.Ltmp6:
0x19b: {  	_ = 	snop;
	(pc) =	sbr.rel @p1 .LBB2_14-.Ltmp6, $4  }
0x19c: {  	v2 =	vmul.f32 v1, v2  }
0x19d: {  	v1 =	vmul.f32 v1, v3  }
0x19e: {  	[tilespmem:v4+s24+$0x0] =	vst.idx.add.f32.msk $0xffff, v2  }
0x19f: {  	s4 =	sadd.s32 $0x140, s4;
	[tilespmem:v4+s25+$0x0] =	vst.idx.add.f32.msk $0xffff, v1  }
0x1a0: {  	s3 =	simm.s32 $0x0  }
0x1a1: {  	v4 =	vld [tilespmem:s3+$0xC800]  }
0x1a2: {  	v5 =	vld [tilespmem:s3+$0xC810]  }
0x1a3: {  	v3 =	vld [tilespmem:s3+$0xC820]  }
0x1a4: {  	v2 =	vld [tilespmem:s3+$0xC830]  }
0x1a5: {  	v1 =	vld [tilespmem:s3+$0xC840]  }
0x1a6: {  	v8 =	vld [tilespmem:s3+$0x7800]  }
0x1a7: {  	v9 =	vld [tilespmem:s3+$0x7810]  }
0x1a8: {  	v7 =	vld [tilespmem:s3+$0x7820]  }
0x1a9: {  	s4 =	simm.s32 $0x140;
	v6 =	vld [tilespmem:s3+$0x7830]  }
.LBB2_16:
0x1aa: {  	s6 =	sshra.s32 s4, $0x2;
	p1 =	sne.s32 s4, $0x9EC0;
	v10 =	vld [tilespmem:s3+$0x7840]  }
0x1ab: {  	v8 =	vadd.f32 v4, v8;
	v4 =	vld [tilespmem:s6+$0xC800]  }
0x1ac: {  	v9 =	vadd.f32 v5, v9;
	v5 =	vld [tilespmem:s6+$0xC810]  }
0x1ad: {  	[tilespmem:s3+$0x7800] =	vst v8;
	v7 =	vadd.f32 v3, v7;
	v3 =	vld [tilespmem:s6+$0xC820]  }
0x1ae: {  	[tilespmem:s3+$0x7810] =	vst v9;
	v6 =	vadd.f32 v2, v6;
	v2 =	vld [tilespmem:s6+$0xC830]  }
.Ltmp7:
0x1af: {  	[tilespmem:s3+$0x7820] =	vst v7;
	v7 =	vadd.f32 v1, v10;
	v1 =	vld [tilespmem:s6+$0xC840];
	(pc) =	sbr.rel @p1 .LBB2_16-.Ltmp7, $4  }
0x1b0: {  	v8 =	vld [tilespmem:s6+$0x7800];
	[tilespmem:s3+$0x7830] =	vst v6  }
0x1b1: {  	v9 =	vld [tilespmem:s6+$0x7810];
	[tilespmem:s3+$0x7840] =	vst v7;
	s3 =	smov.u32 s6  }
0x1b2: {  	v7 =	vld [tilespmem:s3+$0x7820]  }
0x1b3: {  	s4 =	sadd.s32 $0x140, s4;
	v6 =	vld [tilespmem:s3+$0x7830]  }
0x1b4: {  	v10 =	vld [tilespmem:s3+$0x7840]  }
0x1b5: {  	v4 =	vadd.f32 v4, v8  }
0x1b6: {  	v5 =	vadd.f32 v5, v9  }
0x1b7: {  	[tilespmem:s3+$0x7800] =	vst v4;
	v3 =	vadd.f32 v3, v7  }
0x1b8: {  	[tilespmem:s3+$0x7810] =	vst v5;
	v2 =	vadd.f32 v2, v6  }
0x1b9: {  	[tilespmem:s3+$0x7820] =	vst v3;
	v1 =	vadd.f32 v1, v10  }
0x1ba: {  	[tilespmem:s3+$0x7830] =	vst v2  }
0x1bb: {  	[tilespmem:s3+$0x7840] =	vst v1;
	s3 =	simm.s32 $0x0  }
0x1bc: {  	v4 =	vld [tilespmem:s3+$0xF000]  }
0x1bd: {  	v5 =	vld [tilespmem:s3+$0xF010]  }
0x1be: {  	v3 =	vld [tilespmem:s3+$0xF020]  }
0x1bf: {  	v2 =	vld [tilespmem:s3+$0xF030]  }
0x1c0: {  	v1 =	vld [tilespmem:s3+$0xF040]  }
0x1c1: {  	v8 =	vld [tilespmem:s3+$0xA000]  }
0x1c2: {  	v9 =	vld [tilespmem:s3+$0xA010]  }
0x1c3: {  	v7 =	vld [tilespmem:s3+$0xA020]  }
0x1c4: {  	s4 =	simm.s32 $0x140;
	v6 =	vld [tilespmem:s3+$0xA030]  }
.LBB2_18:
0x1c5: {  	s6 =	sshra.s32 s4, $0x2;
	p1 =	sne.s32 s4, $0x9EC0;
	v10 =	vld [tilespmem:s3+$0xA040]  }
0x1c6: {  	v8 =	vadd.f32 v4, v8;
	v4 =	vld [tilespmem:s6+$0xF000]  }
0x1c7: {  	v9 =	vadd.f32 v5, v9;
	v5 =	vld [tilespmem:s6+$0xF010]  }
0x1c8: {  	[tilespmem:s3+$0xA000] =	vst v8;
	v7 =	vadd.f32 v3, v7;
	v3 =	vld [tilespmem:s6+$0xF020]  }
0x1c9: {  	[tilespmem:s3+$0xA010] =	vst v9;
	v6 =	vadd.f32 v2, v6;
	v2 =	vld [tilespmem:s6+$0xF030]  }
.Ltmp8:
0x1ca: {  	[tilespmem:s3+$0xA020] =	vst v7;
	v7 =	vadd.f32 v1, v10;
	v1 =	vld [tilespmem:s6+$0xF040];
	(pc) =	sbr.rel @p1 .LBB2_18-.Ltmp8, $4  }
0x1cb: {  	v8 =	vld [tilespmem:s6+$0xA000];
	[tilespmem:s3+$0xA030] =	vst v6  }
0x1cc: {  	v9 =	vld [tilespmem:s6+$0xA010];
	[tilespmem:s3+$0xA040] =	vst v7;
	s3 =	smov.u32 s6  }
0x1cd: {  	v7 =	vld [tilespmem:s3+$0xA020]  }
0x1ce: {  	s4 =	sadd.s32 $0x140, s4;
	v6 =	vld [tilespmem:s3+$0xA030]  }
0x1cf: {  	v10 =	vld [tilespmem:s3+$0xA040]  }
0x1d0: {  	v4 =	vadd.f32 v4, v8  }
0x1d1: {  	v5 =	vadd.f32 v5, v9  }
0x1d2: {  	[tilespmem:s3+$0xA000] =	vst v4;
	v3 =	vadd.f32 v3, v7  }
0x1d3: {  	[tilespmem:s3+$0xA010] =	vst v5;
	v2 =	vadd.f32 v2, v6  }
0x1d4: {  	[tilespmem:s3+$0xA020] =	vst v3;
	v1 =	vadd.f32 v1, v10  }
0x1d5: {  	[tilespmem:s3+$0xA030] =	vst v2  }
0x1d6: {  	[tilespmem:s3+$0xA040] =	vst v1  }
0x1d7: {  	[hbm4b:s20+s2] =	stream.linear.scatter [tilespmem:s24], [sflag:$0x3], $0x2800, $0x38;
	[tilespmem:$0x13800] =	vst v63  }
0x1d8: {  	s0 =	sadd.s32 $0x1, s0;
	_ =	swait.ge [sflag:s22], $0x2800  }
0x1d9: {  	p1 =	sne.s32 s0, s1;
	[sflag:s22] =	ssyncset.done $0x0  }
.Ltmp9:
0x1da: {  	[sflag:s22] =	ssyncadd.s32 $0xFFFFD800;
	(pc) =	sbr.rel @p1 .LBB2_1-.Ltmp9, $4  }
0x1db: {  	[hbm4b:s21+s2] =	stream.linear.scatter [tilespmem:s25], [sflag:$0x3], $0x2800, $0x38;
	[tilespmem:$0x13800] =	vst v63  }
0x1dc: {  	_ =	swait.ge [sflag:s22], $0x2800  }
0x1dd: {  	[sflag:s22] =	ssyncset.done $0x0  }
0x1de: {  	[sflag:s22] =	ssyncadd.s32 $0xFFFFD800  }
0x1df: {  	_ =	sfence.sel $0x180000  }
0x1e0: {  	[bflag:$0x0] =	sbarrier.arrive $0xFFFF  }
0x1e1: {  	_ =	strace $0x9000004A  }
0x1e2: {  	s0 =	stileid.u32;
	[bflag:$0x2] =	sbarrier.arrive $0xFFFF  }
0x1e3: {  	p0 =	sne.s32 s0, $0x0;
	s0 =	rddreg [dreg:$0x1]  }
0x1e4: {  	s0 =	sadd.s32 @!p0 $0x100000, s0  }
0x1e5: {  	[sflag:s0] =	ssyncadd.tile.s32 @!p0 $0x1;
	_ =	shalt  }
.Lfunc_end2:
_tile_overlayer_lowered:
.L_overlay_start_2:
0x1e6: {  	(tag) =	ssettag $0x2  }
0x1e7: {  	s0 =	rddreg [dreg:$0x0];
	s2 =	stileid.u32  }
0x1e8: {  	s1 =	rddreg [dreg:$0x1];
	p0 =	sne.s32 s2, $0x0  }
0x1e9: {  	s3 =	rddreg [dreg:$0x2];
	[bflag:$0x3] =	sbarrier.arrive $0xFFFF;
	s2 =	simm.s32 @!p0 $0x1C03  }
0x1ea: {  	[timem:s3], [sflag:s2] =	dma.local @!p0 [hbm:s0], s1  }
0x1eb: {  	s0 =	simm.s32 @!p0 $0x3  }
0x1ec: {  	_ =	swait.ge @!p0 [sflag:s0], s1  }
0x1ed: {  	s1 =	ssub.s32 @!p0 $0x0, s1;
	[sflag:s0] =	ssyncset.done @!p0 $0x0  }
0x1ee: {  	[sflag:s0] =	ssyncadd.s32 @!p0 s1  }
0x1ef: {  	[bflag:$0x3] =	sbarrier.arrive $0xFFFF  }
0x1f0: {  	_ =	shalt  }

</sc_bundles>
